<compile_context>
chip_gen: v7x
topology: tpu7x:2x2x1
jax: 0.10.2.dev20260603
libtpu: 0.0.44.dev20260713+nightly
codegen_flags: <defaults>
</compile_context>

<pallas_src>
import jax
import jax.numpy as jnp
from jax import lax
from jax.experimental import pallas as pl
from jax.experimental.pallas import tpu as pltpu
from jax.experimental.pallas import tpu_sc as plsc

N = 10000
E = 320000
F = 128
H = 128
L = 64
D = 256
B = 16
NC = 6

NPAD = 10112
NCORES = 2
NSUB = 16
NTILES = NCORES * NSUB
CHUNK = 128
NCHUNK = 80
HCHUNK = NCHUNK // 2
HPAIR = HCHUNK // 2
EPT = NCHUNK * CHUNK
EPAD = NTILES * EPT
RPT = NPAD // NSUB

_MESH = plsc.VectorSubcoreMesh(core_axis_name="c", subcore_axis_name="s")


def _deg_kernel(dst_hbm, zeros_hbm, out_hbm, dst_v, ones_v, acc):
    cid = lax.axis_index("c")
    sid = lax.axis_index("s")
    wid = sid * NCORES + cid
    pltpu.sync_copy(dst_hbm.at[wid], dst_v)

    def init_ones(i, carry):
        ones_v[i, :] = jnp.ones((16,), jnp.float32)
        return carry

    lax.fori_loop(0, CHUNK, init_ones, 0)
    r0 = sid * RPT
    pltpu.sync_copy(zeros_hbm.at[pl.ds(r0, RPT)], acc.at[pl.ds(r0, RPT)])
    plsc.subcore_barrier()

    def body(j, carry):
        pltpu.sync_copy(ones_v, acc.at[dst_v.at[j]], add=True)
        return carry

    lax.fori_loop(0, NCHUNK, body, 0)
    plsc.subcore_barrier()
    pltpu.sync_copy(acc.at[pl.ds(r0, RPT)], out_hbm.at[cid, pl.ds(r0, RPT)])


_deg_call = pl.kernel(
    _deg_kernel,
    out_type=jax.ShapeDtypeStruct((NCORES, NPAD, 16), jnp.float32),
    mesh=_MESH,
    scratch_types=[
        pltpu.VMEM((NCHUNK, CHUNK), jnp.int32),
        pltpu.VMEM((CHUNK, 16), jnp.float32),
        pltpu.VMEM_SHARED((NPAD, 16), jnp.float32),
    ],
)


def _make_agg(width):
    def _agg_kernel(hp_hbm, src_hbm, dst_hbm, zeros_hbm, out_hbm,
                    src_v, dst_v, rows_v, rows_b, acc, sema):
        cid = lax.axis_index("c")
        sid = lax.axis_index("s")
        wid = sid * NCORES + cid
        r0 = sid * RPT
        pltpu.sync_copy(zeros_hbm.at[pl.ds(r0, RPT)], acc.at[pl.ds(r0, RPT)])
        plsc.subcore_barrier()

        for half in range(2):
            pltpu.sync_copy(src_hbm.at[wid, pl.ds(half * HCHUNK, HCHUNK)],
                            src_v)
            pltpu.sync_copy(dst_hbm.at[wid, pl.ds(half * HCHUNK, HCHUNK)],
                            dst_v)

            def pair(i, carry):
                c0 = 2 * i
                da = pltpu.async_copy(hp_hbm.at[src_v.at[c0]], rows_v, sema)
                db = pltpu.async_copy(hp_hbm.at[src_v.at[c0 + 1]], rows_b,
                                      sema)
                da.wait()
                pltpu.sync_copy(rows_v, acc.at[dst_v.at[c0]], add=True)
                db.wait()
                pltpu.sync_copy(rows_b, acc.at[dst_v.at[c0 + 1]], add=True)
                return carry

            lax.fori_loop(0, HPAIR, pair, 0)
        plsc.subcore_barrier()
        pltpu.sync_copy(acc.at[pl.ds(r0, RPT)], out_hbm.at[cid, pl.ds(r0, RPT)])

    return pl.kernel(
        _agg_kernel,
        out_type=jax.ShapeDtypeStruct((NCORES, NPAD, width), jnp.float32),
        mesh=_MESH,
        scratch_types=[
            pltpu.VMEM((HCHUNK, CHUNK), jnp.int32),
            pltpu.VMEM((HCHUNK, CHUNK), jnp.int32),
            pltpu.VMEM((CHUNK, width), jnp.float32),
            pltpu.VMEM((CHUNK, width), jnp.float32),
            pltpu.VMEM_SHARED((NPAD, width), jnp.float32),
            pltpu.SemaphoreType.DMA,
        ],
    )


_agg_h = _make_agg(H)


def _tc0_body(degp_ref, x_ref, w1_ref, dinv_ref, h1p_ref):
    deg = degp_ref[0][:, 0:1] + degp_ref[1][:, 0:1] + 1.0
    dinv = lax.rsqrt(deg)
    dinv_ref[...] = jnp.broadcast_to(dinv, (NPAD, 16))
    h1p_ref[...] = dinv * jnp.dot(x_ref[...], w1_ref[...],
                                  preferred_element_type=jnp.float32)


def _tc0(degp, x_p, w1):
    return pl.pallas_call(
        _tc0_body,
        out_shape=(
            jax.ShapeDtypeStruct((NPAD, 16), jnp.float32),
            jax.ShapeDtypeStruct((NPAD, F), jnp.float32),
        ),
    )(degp, x_p, w1)


def _tc_mid_body(sp_ref, hp_ref, dinv_ref, b_ref, g_ref, be_ref, w_ref, out_ref):
    dinv = dinv_ref[...][:, 0:1]
    pre = dinv * (sp_ref[0] + sp_ref[1] + hp_ref[...]) + b_ref[...]
    m = jnp.mean(pre[:N], axis=0, keepdims=True)
    c = pre - m
    v = jnp.mean(c[:N] * c[:N], axis=0, keepdims=True)
    a = jnp.maximum(c * lax.rsqrt(v + 1e-5) * g_ref[...] + be_ref[...], 0.0)
    mask = (lax.broadcasted_iota(jnp.int32, (NPAD, 1), 0) < N).astype(jnp.float32)
    out_ref[...] = dinv * jnp.dot(a * mask, w_ref[...],
                                  preferred_element_type=jnp.float32)


def _tc_mid(sp, hp, dinv16, b, g, be, w, width_out):
    return pl.pallas_call(
        _tc_mid_body,
        out_shape=jax.ShapeDtypeStruct((NPAD, width_out), jnp.float32),
    )(sp, hp, dinv16, b, g, be, w)


def _tc_fin_body(sp_ref, hp_ref, dinv_ref, b3_ref, g3_ref, be3_ref,
                 batch_ref, cam_ref, wl0a_ref, wl0b_ref, bl0_ref,
                 wl1_ref, bl1_ref, wl2_ref, bl2_ref, wout_ref, bout_ref,
                 out_ref):
    dinv = dinv_ref[...][:, 0:1]
    pre = dinv * (sp_ref[0] + sp_ref[1] + hp_ref[...]) + b3_ref[...]
    m = jnp.mean(pre[:N], axis=0, keepdims=True)
    c = pre - m
    v = jnp.mean(c[:N] * c[:N], axis=0, keepdims=True)
    a = c * lax.rsqrt(v + 1e-5) * g3_ref[...] + be3_ref[...]
    rid = lax.broadcasted_iota(jnp.int32, (B, NPAD), 0)
    p = (rid == batch_ref[...]).astype(jnp.float32)
    sums = jnp.dot(p, a, preferred_element_type=jnp.float32)
    cnt = jnp.sum(p, axis=1, keepdims=True)
    pooled = sums / jnp.maximum(cnt, 1.0)
    xd = jnp.maximum(
        jnp.dot(pooled, wl0a_ref[...], preferred_element_type=jnp.float32)
        + jnp.dot(cam_ref[...], wl0b_ref[...], preferred_element_type=jnp.float32)
        + bl0_ref[...], 0.0)
    xd = jnp.maximum(
        jnp.dot(xd, wl1_ref[...], preferred_element_type=jnp.float32)
        + bl1_ref[...], 0.0)
    xd = jnp.maximum(
        jnp.dot(xd, wl2_ref[...], preferred_element_type=jnp.float32)
        + bl2_ref[...], 0.0)
    out_ref[...] = (jnp.dot(xd, wout_ref[...], preferred_element_type=jnp.float32)
                    + bout_ref[...])


def _tc_fin(sp, hp, dinv16, b3, g3, be3, batch_p, cam,
            wl0a, wl0b, bl0, wl1, bl1, wl2, bl2, wout, bout):
    return pl.pallas_call(
        _tc_fin_body,
        out_shape=jax.ShapeDtypeStruct((B, 3), jnp.float32),
    )(sp, hp, dinv16, b3, g3, be3, batch_p, cam,
      wl0a, wl0b, bl0, wl1, bl1, wl2, bl2, wout, bout)


def kernel(x, edge_index, origin, direction, batch,
           W1, b1, g1, be1, W2, b2, g2, be2, W3, b3, g3, be3,
           Wl0, bl0, Wl1, bl1, Wl2, bl2, Wout, bout):
    src = edge_index[0].astype(jnp.int32)
    dst = edge_index[1].astype(jnp.int32)
    pad = N + jnp.arange(EPAD - E, dtype=jnp.int32) % (NPAD - N)
    src3 = jnp.concatenate([src, pad]).reshape(NTILES, NCHUNK, CHUNK)
    dst3 = jnp.concatenate([dst, pad]).reshape(NTILES, NCHUNK, CHUNK)
    x_p = jnp.pad(x, ((0, NPAD - N), (0, 0)))
    batch_p = jnp.pad(batch.astype(jnp.int32), (0, NPAD - N),
                      constant_values=-1).reshape(1, NPAD)
    cam = jnp.concatenate([origin, direction], axis=1)
    z16 = jnp.zeros((NPAD, 16), jnp.float32)
    zh = jnp.zeros((NPAD, H), jnp.float32)
    W3p = jnp.pad(W3, ((0, 0), (0, H - L)))
    b3p = jnp.pad(b3, (0, H - L)).reshape(1, H)
    g3p = jnp.pad(g3, (0, H - L)).reshape(1, H)
    be3p = jnp.pad(be3, (0, H - L)).reshape(1, H)
    wl0a = jnp.pad(Wl0[:L], ((0, H - L), (0, 0)))

    degp = _deg_call(dst3, z16)
    dinv16, h1p = _tc0(degp, x_p, W1)
    s1 = _agg_h(h1p, src3, dst3, zh)
    h2p = _tc_mid(s1, h1p, dinv16, b1.reshape(1, H), g1.reshape(1, H),
                  be1.reshape(1, H), W2, H)
    s2 = _agg_h(h2p, src3, dst3, zh)
    h3p = _tc_mid(s2, h2p, dinv16, b2.reshape(1, H), g2.reshape(1, H),
                  be2.reshape(1, H), W3p, H)
    s3 = _agg_h(h3p, src3, dst3, zh)
    return _tc_fin(s3, h3p, dinv16, b3p, g3p, be3p, batch_p, cam,
                   wl0a, Wl0[L:], bl0.reshape(1, D),
                   Wl1, bl1.reshape(1, D), Wl2, bl2.reshape(1, D),
                   Wout, bout.reshape(1, 3))

# --- scband reference (transcript-rebuilt; emitter-appended) ---
"""Pipeline reference for scband-gnnl-vp-54228257079467 (READ-ONLY COPY).

The authoritative reference and input builder live on the scoring server;
editing this copy changes nothing except your own understanding.
"""

import jax, jax.numpy as jnp
import numpy as np

N = 10000
E = 320000
F = 128
H = 128
L = 64
D = 256
B = 16
NC = 6


def setup_inputs(seed: int = 0) -> dict:
    key = jax.random.key(seed)
    ks = jax.random.split(key, 32)
    inp = {}
    inp['x'] = jax.random.normal(ks[0], (N, F), dtype=jnp.float32)
    inp['edge_index'] = jax.random.randint(ks[1], (2, E), 0, N, dtype=jnp.int64)
    inp['origin'] = jax.random.normal(ks[2], (B, 3), dtype=jnp.float32)
    inp['direction'] = jax.random.normal(ks[3], (B, 3), dtype=jnp.float32)
    inp['batch'] = jnp.sort(jax.random.randint(ks[4], (N,), 0, B, dtype=jnp.int64))
    s = 0.05
    # GCN layers
    inp['W1'] = jax.random.normal(ks[5], (F, H), dtype=jnp.float32) * s
    inp['b1'] = jnp.zeros((H,), dtype=jnp.float32)
    inp['g1'] = jnp.ones((H,), dtype=jnp.float32)
    inp['be1'] = jnp.zeros((H,), dtype=jnp.float32)
    inp['W2'] = jax.random.normal(ks[6], (H, H), dtype=jnp.float32) * s
    inp['b2'] = jnp.zeros((H,), dtype=jnp.float32)
    inp['g2'] = jnp.ones((H,), dtype=jnp.float32)
    inp['be2'] = jnp.zeros((H,), dtype=jnp.float32)
    inp['W3'] = jax.random.normal(ks[7], (H, L), dtype=jnp.float32) * s
    inp['b3'] = jnp.zeros((L,), dtype=jnp.float32)
    inp['g3'] = jnp.ones((L,), dtype=jnp.float32)
    inp['be3'] = jnp.zeros((L,), dtype=jnp.float32)
    # dense head: Linear(L+NC,D) -> 2x Linear(D,D) -> Linear(D,3)
    inp['Wl0'] = jax.random.normal(ks[8], (L + NC, D), dtype=jnp.float32) * s
    inp['bl0'] = jnp.zeros((D,), dtype=jnp.float32)
    inp['Wl1'] = jax.random.normal(ks[9], (D, D), dtype=jnp.float32) * s
    inp['bl1'] = jnp.zeros((D,), dtype=jnp.float32)
    inp['Wl2'] = jax.random.normal(ks[10], (D, D), dtype=jnp.float32) * s
    inp['bl2'] = jnp.zeros((D,), dtype=jnp.float32)
    inp['Wout'] = jax.random.normal(ks[11], (D, 3), dtype=jnp.float32) * s
    inp['bout'] = jnp.zeros((3,), dtype=jnp.float32)
    return inp


def _gcn_conv(x, W, b, src, dst, n):
    # PyG GCNConv: x' = D^-1/2 (A+I) D^-1/2 (x W) + b
    h = x @ W
    loop = jnp.arange(n)
    s = jnp.concatenate([src, loop])
    d = jnp.concatenate([dst, loop])
    deg = jnp.zeros((n,), h.dtype).at[d].add(1.0)
    dinv = jnp.where(deg > 0, jax.lax.rsqrt(jnp.maximum(deg, 1e-12)), 0.0)
    norm = dinv[s] * dinv[d]
    out = jnp.zeros((n, h.shape[1]), h.dtype).at[d].add(h[s] * norm[:, None])
    return out + b


def _bn(x, g, be, eps=1e-5):
    m = x.mean(axis=0)
    v = x.var(axis=0)
    return (x - m) / jnp.sqrt(v + eps) * g + be


def reference(x, edge_index, origin, direction, batch,
              W1, b1, g1, be1, W2, b2, g2, be2, W3, b3, g3, be3,
              Wl0, bl0, Wl1, bl1, Wl2, bl2, Wout, bout):
    src = edge_index[0]
    dst = edge_index[1]
    cam = jnp.concatenate([origin, direction], axis=1)
    h = _gcn_conv(x, W1, b1, src, dst, N)
    h = _bn(h, g1, be1)
    h = jax.nn.relu(h)  # dropout is identity in deterministic reference
    h = _gcn_conv(h, W2, b2, src, dst, N)
    h = _bn(h, g2, be2)
    h = jax.nn.relu(h)
    h = _gcn_conv(h, W3, b3, src, dst, N)
    h = _bn(h, g3, be3)
    sums = jax.ops.segment_sum(h, batch, num_segments=B)
    cnt = jax.ops.segment_sum(jnp.ones((N, 1), h.dtype), batch, num_segments=B)
    pooled = sums / jnp.maximum(cnt, 1.0)
    xd = jnp.concatenate([pooled, cam], axis=1)
    xd = jax.nn.relu(xd @ Wl0 + bl0)
    xd = jax.nn.relu(xd @ Wl1 + bl1)
    xd = jax.nn.relu(xd @ Wl2 + bl2)
    return xd @ Wout + bout

if __name__ == "__main__":
    import jax
    _d = setup_inputs()
    print(jax.jit(kernel)(*tuple(_d.values())))

</pallas_src>

<mosaic_0001>
#map = affine_map<(d0, d1) -> (0, 0, 0)>
#map1 = affine_map<(d0, d1) -> (0, 0)>
module attributes {stable_mosaic.version = 14 : i64} {
  func.func @_deg_kernel(%arg0: i32, %arg1: i32, %arg2: memref<32x80x128xi32, #tpu.memory_space<hbm>>, %arg3: memref<10112x16xf32, #tpu.memory_space<hbm>>, %arg4: memref<2x10112x16xf32, #tpu.memory_space<hbm>>, %arg5: memref<80x128xi32, #tpu.memory_space<vmem>>, %arg6: memref<128x16xf32, #tpu.memory_space<vmem>>, %arg7: memref<10112x16xf32, #tpu.memory_space<vmem_shared>>) attributes {dimension_semantics = [#tpu.dimension_semantics<core_parallel>, #tpu.dimension_semantics<subcore_parallel>], iteration_bounds = array<i64: 2, 16>, scalar_prefetch = 0 : i64, scratch_operands = 3 : i64, tpu.core_type = #tpu.core_type<sc_vector_subcore>, window_params = [{transform_indices = #map}, {transform_indices = #map1}, {transform_indices = #map}]} {
    %mul3A = arith.constant 2 : i32
    %mul3A_0 = arith.muli %arg1, %mul3A : i32
    %add3A = arith.addi %mul3A_0, %arg0 : i32
    "tpu.region"() ({
      %run_scoped3A = tpu.sem_alloc : memref<!tpu.dma_semaphore, #tpu.memory_space<semaphore_mem>>
      %dma_start3A = arith.constant 0 : i32
      %dma_start3A_15 = arith.constant 0 : i32
      %dma_start3A_16 = tpu.memref_slice %arg2[%add3A, %dma_start3A, %dma_start3A_15] : memref<32x80x128xi32, #tpu.memory_space<hbm>> -> memref<1x80x128xi32, #tpu.memory_space<hbm>>
      %dma_start3A_17 = tpu.memref_squeeze %dma_start3A_16 : memref<1x80x128xi32, #tpu.memory_space<hbm>> -> memref<80x128xi32, #tpu.memory_space<hbm>>
      %dma_start3A_18 = arith.constant 0 : i32
      %dma_start3A_19 = arith.constant 0 : i32
      %dma_start3A_20 = tpu.memref_slice %arg2[%add3A, %dma_start3A_18, %dma_start3A_19] : memref<32x80x128xi32, #tpu.memory_space<hbm>> -> memref<1x80x128xi32, #tpu.memory_space<hbm>>
      %dma_start3A_21 = tpu.memref_squeeze %dma_start3A_20 : memref<1x80x128xi32, #tpu.memory_space<hbm>> -> memref<80x128xi32, #tpu.memory_space<hbm>>
      tpu.enqueue_dma source(%dma_start3A_21 : memref<80x128xi32, #tpu.memory_space<hbm>>) target(%arg5 : memref<80x128xi32, #tpu.memory_space<vmem>>) target_semaphore(%run_scoped3A : memref<!tpu.dma_semaphore, #tpu.memory_space<semaphore_mem>>)
      %dma_wait3A = arith.constant 0 : i32
      %dma_wait3A_22 = arith.constant 0 : i32
      %dma_wait3A_23 = tpu.memref_slice %arg2[%add3A, %dma_wait3A, %dma_wait3A_22] : memref<32x80x128xi32, #tpu.memory_space<hbm>> -> memref<1x80x128xi32, #tpu.memory_space<hbm>>
      %dma_wait3A_24 = tpu.memref_squeeze %dma_wait3A_23 : memref<1x80x128xi32, #tpu.memory_space<hbm>> -> memref<80x128xi32, #tpu.memory_space<hbm>>
      %dma_wait3A_25 = arith.constant 0 : i32
      %dma_wait3A_26 = arith.constant 0 : i32
      %dma_wait3A_27 = tpu.memref_slice %arg2[%add3A, %dma_wait3A_25, %dma_wait3A_26] : memref<32x80x128xi32, #tpu.memory_space<hbm>> -> memref<1x80x128xi32, #tpu.memory_space<hbm>>
      %dma_wait3A_28 = tpu.memref_squeeze %dma_wait3A_27 : memref<1x80x128xi32, #tpu.memory_space<hbm>> -> memref<80x128xi32, #tpu.memory_space<hbm>>
      tpu.wait_dma2 semaphore(%run_scoped3A : memref<!tpu.dma_semaphore, #tpu.memory_space<semaphore_mem>>) src(%dma_wait3A_28 : memref<80x128xi32, #tpu.memory_space<hbm>>) dst(%arg5 : memref<80x128xi32, #tpu.memory_space<vmem>>)
      tpu.yield
    }) : () -> ()
    %scan3A = arith.constant 0 : i32
    %scan3A_1 = arith.constant 0 : i32
    %scan3A_2 = arith.constant 128 : i32
    %scan3A_3 = arith.addi %scan3A_1, %scan3A_2 : i32
    %scan3A_4 = arith.constant 1 : i32
    scf.for %scan3A_15 = %scan3A_1 to %scan3A_3 step %scan3A_4  : i32 {
      %broadcast_in_dim3A = arith.constant 1.000000e+00 : f32
      %broadcast_in_dim3A_16 = vector.broadcast %broadcast_in_dim3A : f32 to vector<16xf32>
      %swap3A = arith.index_cast %scan3A_15 : i32 to index
      %swap3A_17 = arith.constant 0 : index
      %swap3A_18 = tpu.vector_load %arg6[%swap3A, %swap3A_17] {strides = array<i32>} : memref<128x16xf32, #tpu.memory_space<vmem>>, vector<1x16xf32>,
      %swap3A_19 = vector.shape_cast %swap3A_18 : vector<1x16xf32> to vector<16xf32>
      %swap3A_20 = vector.shape_cast %broadcast_in_dim3A_16 : vector<16xf32> to vector<1x16xf32>
      tpu.vector_store %arg6[%swap3A, %swap3A_17], %swap3A_20 {strides = array<i32>} : memref<128x16xf32, #tpu.memory_space<vmem>>, vector<1x16xf32>,
    }
    %scan3A_5 = arith.constant 128 : i32
    %mul3A_6 = arith.constant 632 : i32
    %mul3A_7 = arith.muli %arg1, %mul3A_6 : i32
    "tpu.region"() ({
      %run_scoped3A = tpu.sem_alloc : memref<!tpu.dma_semaphore, #tpu.memory_space<semaphore_mem>>
      %dma_start3A = arith.constant 0 : i32
      %dma_start3A_15 = tpu.memref_slice %arg7[%mul3A_7, %dma_start3A] : memref<10112x16xf32, #tpu.memory_space<vmem_shared>> -> memref<632x16xf32, #tpu.memory_space<vmem_shared>>
      %dma_start3A_16 = arith.constant 0 : i32
      %dma_start3A_17 = tpu.memref_slice %arg3[%mul3A_7, %dma_start3A_16] : memref<10112x16xf32, #tpu.memory_space<hbm>> -> memref<632x16xf32, #tpu.memory_space<hbm>>
      tpu.enqueue_dma source(%dma_start3A_17 : memref<632x16xf32, #tpu.memory_space<hbm>>) target(%dma_start3A_15 : memref<632x16xf32, #tpu.memory_space<vmem_shared>>) target_semaphore(%run_scoped3A : memref<!tpu.dma_semaphore, #tpu.memory_space<semaphore_mem>>)
      %dma_wait3A = arith.constant 0 : i32
      %dma_wait3A_18 = tpu.memref_slice %arg7[%mul3A_7, %dma_wait3A] : memref<10112x16xf32, #tpu.memory_space<vmem_shared>> -> memref<632x16xf32, #tpu.memory_space<vmem_shared>>
      %dma_wait3A_19 = arith.constant 0 : i32
      %dma_wait3A_20 = tpu.memref_slice %arg3[%mul3A_7, %dma_wait3A_19] : memref<10112x16xf32, #tpu.memory_space<hbm>> -> memref<632x16xf32, #tpu.memory_space<hbm>>
      tpu.wait_dma2 semaphore(%run_scoped3A : memref<!tpu.dma_semaphore, #tpu.memory_space<semaphore_mem>>) src(%dma_wait3A_20 : memref<632x16xf32, #tpu.memory_space<hbm>>) dst(%dma_wait3A_18 : memref<632x16xf32, #tpu.memory_space<vmem_shared>>)
      tpu.yield
    }) : () -> ()
    %barrier3A = arith.constant 0 : index
    tpu.barrier barrier_id(%barrier3A)
    %scan3A_8 = arith.constant 0 : i32
    %scan3A_9 = arith.constant 0 : i32
    %scan3A_10 = arith.constant 80 : i32
    %scan3A_11 = arith.addi %scan3A_9, %scan3A_10 : i32
    %scan3A_12 = arith.constant 1 : i32
    scf.for %scan3A_15 = %scan3A_9 to %scan3A_11 step %scan3A_12  : i32 {
      "tpu.region"() ({
        %run_scoped3A = tpu.sem_alloc : memref<!tpu.dma_semaphore, #tpu.memory_space<semaphore_mem>>
        %dma_start3A = arith.constant 0 : i32
        %dma_start3A_16 = tpu.memref_slice %arg5[%scan3A_15, %dma_start3A] : memref<80x128xi32, #tpu.memory_space<vmem>> -> memref<1x128xi32, #tpu.memory_space<vmem>>
        %dma_start3A_17 = tpu.memref_squeeze %dma_start3A_16 : memref<1x128xi32, #tpu.memory_space<vmem>> -> memref<128xi32, #tpu.memory_space<vmem>>
        %dma_start3A_18 = arith.constant 0 : i32
        %dma_start3A_19 = arith.constant 0 : i32
        %dma_start3A_20 = tpu.memref_slice %arg7[%dma_start3A_18, %dma_start3A_19] : memref<10112x16xf32, #tpu.memory_space<vmem_shared>> -> memref<10112x16xf32, #tpu.memory_space<vmem_shared>>
        tpu.enqueue_indirect_dma source(%arg6 : memref<128x16xf32, #tpu.memory_space<vmem>>) target(%dma_start3A_20 : memref<10112x16xf32, #tpu.memory_space<vmem_shared>>) offsets(%dma_start3A_17 : memref<128xi32, #tpu.memory_space<vmem>>) semaphore(%run_scoped3A : memref<!tpu.dma_semaphore, #tpu.memory_space<semaphore_mem>>) {add = true}
        %dma_wait3A = arith.constant 0 : i32
        %dma_wait3A_21 = tpu.memref_slice %arg5[%scan3A_15, %dma_wait3A] : memref<80x128xi32, #tpu.memory_space<vmem>> -> memref<1x128xi32, #tpu.memory_space<vmem>>
        %dma_wait3A_22 = tpu.memref_squeeze %dma_wait3A_21 : memref<1x128xi32, #tpu.memory_space<vmem>> -> memref<128xi32, #tpu.memory_space<vmem>>
        %dma_wait3A_23 = arith.constant 0 : i32
        %dma_wait3A_24 = arith.constant 0 : i32
        %dma_wait3A_25 = tpu.memref_slice %arg7[%dma_wait3A_23, %dma_wait3A_24] : memref<10112x16xf32, #tpu.memory_space<vmem_shared>> -> memref<10112x16xf32, #tpu.memory_space<vmem_shared>>
        tpu.wait_indirect_dma semaphore(%run_scoped3A : memref<!tpu.dma_semaphore, #tpu.memory_space<semaphore_mem>>) src(%arg6 : memref<128x16xf32, #tpu.memory_space<vmem>>) dst(%dma_wait3A_25 : memref<10112x16xf32, #tpu.memory_space<vmem_shared>>)
        tpu.yield
      }) : () -> ()
    }
    %scan3A_13 = arith.constant 80 : i32
    %barrier3A_14 = arith.constant 0 : index
    tpu.barrier barrier_id(%barrier3A_14)
    "tpu.region"() ({
      %run_scoped3A = tpu.sem_alloc : memref<!tpu.dma_semaphore, #tpu.memory_space<semaphore_mem>>
      %dma_start3A = arith.constant 0 : i32
      %dma_start3A_15 = tpu.memref_slice %arg4[%arg0, %mul3A_7, %dma_start3A] : memref<2x10112x16xf32, #tpu.memory_space<hbm>> -> memref<1x632x16xf32, #tpu.memory_space<hbm>>
      %dma_start3A_16 = tpu.memref_squeeze %dma_start3A_15 : memref<1x632x16xf32, #tpu.memory_space<hbm>> -> memref<632x16xf32, #tpu.memory_space<hbm>>
      %dma_start3A_17 = arith.constant 0 : i32
      %dma_start3A_18 = tpu.memref_slice %arg7[%mul3A_7, %dma_start3A_17] : memref<10112x16xf32, #tpu.memory_space<vmem_shared>> -> memref<632x16xf32, #tpu.memory_space<vmem_shared>>
      tpu.enqueue_dma source(%dma_start3A_18 : memref<632x16xf32, #tpu.memory_space<vmem_shared>>) target(%dma_start3A_16 : memref<632x16xf32, #tpu.memory_space<hbm>>) target_semaphore(%run_scoped3A : memref<!tpu.dma_semaphore, #tpu.memory_space<semaphore_mem>>)
      %dma_wait3A = arith.constant 0 : i32
      %dma_wait3A_19 = tpu.memref_slice %arg4[%arg0, %mul3A_7, %dma_wait3A] : memref<2x10112x16xf32, #tpu.memory_space<hbm>> -> memref<1x632x16xf32, #tpu.memory_space<hbm>>
      %dma_wait3A_20 = tpu.memref_squeeze %dma_wait3A_19 : memref<1x632x16xf32, #tpu.memory_space<hbm>> -> memref<632x16xf32, #tpu.memory_space<hbm>>
      %dma_wait3A_21 = arith.constant 0 : i32
      %dma_wait3A_22 = tpu.memref_slice %arg7[%mul3A_7, %dma_wait3A_21] : memref<10112x16xf32, #tpu.memory_space<vmem_shared>> -> memref<632x16xf32, #tpu.memory_space<vmem_shared>>
      tpu.wait_dma2 semaphore(%run_scoped3A : memref<!tpu.dma_semaphore, #tpu.memory_space<semaphore_mem>>) src(%dma_wait3A_22 : memref<632x16xf32, #tpu.memory_space<vmem_shared>>) dst(%dma_wait3A_20 : memref<632x16xf32, #tpu.memory_space<hbm>>)
      tpu.yield
    }) : () -> ()
    return
  }
}

#map = affine_map<(d0, d1) -> (0, 0)>
#map1 = affine_map<(d0, d1) -> (0, 0, 0)>
module attributes {stable_mosaic.version = 14 : i64} {
  func.func @_agg_kernel(%arg0: i32, %arg1: i32, %arg2: memref<10112x128xf32, #tpu.memory_space<hbm>>, %arg3: memref<32x80x128xi32, #tpu.memory_space<hbm>>, %arg4: memref<32x80x128xi32, #tpu.memory_space<hbm>>, %arg5: memref<10112x128xf32, #tpu.memory_space<hbm>>, %arg6: memref<2x10112x128xf32, #tpu.memory_space<hbm>>, %arg7: memref<40x128xi32, #tpu.memory_space<vmem>>, %arg8: memref<40x128xi32, #tpu.memory_space<vmem>>, %arg9: memref<128x128xf32, #tpu.memory_space<vmem>>, %arg10: memref<128x128xf32, #tpu.memory_space<vmem>>, %arg11: memref<10112x128xf32, #tpu.memory_space<vmem_shared>>, %arg12: memref<!tpu.dma_semaphore, #tpu.memory_space<semaphore_mem>>) attributes {dimension_semantics = [#tpu.dimension_semantics<core_parallel>, #tpu.dimension_semantics<subcore_parallel>], iteration_bounds = array<i64: 2, 16>, scalar_prefetch = 0 : i64, scratch_operands = 6 : i64, tpu.core_type = #tpu.core_type<sc_vector_subcore>, window_params = [{transform_indices = #map}, {transform_indices = #map1}, {transform_indices = #map1}, {transform_indices = #map}, {transform_indices = #map1}]} {
    %mul3A = arith.constant 2 : i32
    %mul3A_0 = arith.muli %arg1, %mul3A : i32
    %add3A = arith.addi %mul3A_0, %arg0 : i32
    %mul3A_1 = arith.constant 632 : i32
    %mul3A_2 = arith.muli %arg1, %mul3A_1 : i32
    "tpu.region"() ({
      %run_scoped3A = tpu.sem_alloc : memref<!tpu.dma_semaphore, #tpu.memory_space<semaphore_mem>>
      %dma_start3A = arith.constant 0 : i32
      %dma_start3A_15 = tpu.memref_slice %arg11[%mul3A_2, %dma_start3A] : memref<10112x128xf32, #tpu.memory_space<vmem_shared>> -> memref<632x128xf32, #tpu.memory_space<vmem_shared>>
      %dma_start3A_16 = arith.constant 0 : i32
      %dma_start3A_17 = tpu.memref_slice %arg5[%mul3A_2, %dma_start3A_16] : memref<10112x128xf32, #tpu.memory_space<hbm>> -> memref<632x128xf32, #tpu.memory_space<hbm>>
      tpu.enqueue_dma source(%dma_start3A_17 : memref<632x128xf32, #tpu.memory_space<hbm>>) target(%dma_start3A_15 : memref<632x128xf32, #tpu.memory_space<vmem_shared>>) target_semaphore(%run_scoped3A : memref<!tpu.dma_semaphore, #tpu.memory_space<semaphore_mem>>)
      %dma_wait3A = arith.constant 0 : i32
      %dma_wait3A_18 = tpu.memref_slice %arg11[%mul3A_2, %dma_wait3A] : memref<10112x128xf32, #tpu.memory_space<vmem_shared>> -> memref<632x128xf32, #tpu.memory_space<vmem_shared>>
      %dma_wait3A_19 = arith.constant 0 : i32
      %dma_wait3A_20 = tpu.memref_slice %arg5[%mul3A_2, %dma_wait3A_19] : memref<10112x128xf32, #tpu.memory_space<hbm>> -> memref<632x128xf32, #tpu.memory_space<hbm>>
      tpu.wait_dma2 semaphore(%run_scoped3A : memref<!tpu.dma_semaphore, #tpu.memory_space<semaphore_mem>>) src(%dma_wait3A_20 : memref<632x128xf32, #tpu.memory_space<hbm>>) dst(%dma_wait3A_18 : memref<632x128xf32, #tpu.memory_space<vmem_shared>>)
      tpu.yield
    }) : () -> ()
    %barrier3A = arith.constant 0 : index
    tpu.barrier barrier_id(%barrier3A)
    "tpu.region"() ({
      %run_scoped3A = tpu.sem_alloc : memref<!tpu.dma_semaphore, #tpu.memory_space<semaphore_mem>>
      %dma_start3A = arith.constant 0 : i32
      %dma_start3A_15 = arith.constant 0 : i32
      %dma_start3A_16 = tpu.memref_slice %arg3[%add3A, %dma_start3A, %dma_start3A_15] : memref<32x80x128xi32, #tpu.memory_space<hbm>> -> memref<1x40x128xi32, #tpu.memory_space<hbm>>
      %dma_start3A_17 = tpu.memref_squeeze %dma_start3A_16 : memref<1x40x128xi32, #tpu.memory_space<hbm>> -> memref<40x128xi32, #tpu.memory_space<hbm>>
      %dma_start3A_18 = arith.constant 0 : i32
      %dma_start3A_19 = arith.constant 0 : i32
      %dma_start3A_20 = tpu.memref_slice %arg3[%add3A, %dma_start3A_18, %dma_start3A_19] : memref<32x80x128xi32, #tpu.memory_space<hbm>> -> memref<1x40x128xi32, #tpu.memory_space<hbm>>
      %dma_start3A_21 = tpu.memref_squeeze %dma_start3A_20 : memref<1x40x128xi32, #tpu.memory_space<hbm>> -> memref<40x128xi32, #tpu.memory_space<hbm>>
      tpu.enqueue_dma source(%dma_start3A_21 : memref<40x128xi32, #tpu.memory_space<hbm>>) target(%arg7 : memref<40x128xi32, #tpu.memory_space<vmem>>) target_semaphore(%run_scoped3A : memref<!tpu.dma_semaphore, #tpu.memory_space<semaphore_mem>>)
      %dma_wait3A = arith.constant 0 : i32
      %dma_wait3A_22 = arith.constant 0 : i32
      %dma_wait3A_23 = tpu.memref_slice %arg3[%add3A, %dma_wait3A, %dma_wait3A_22] : memref<32x80x128xi32, #tpu.memory_space<hbm>> -> memref<1x40x128xi32, #tpu.memory_space<hbm>>
      %dma_wait3A_24 = tpu.memref_squeeze %dma_wait3A_23 : memref<1x40x128xi32, #tpu.memory_space<hbm>> -> memref<40x128xi32, #tpu.memory_space<hbm>>
      %dma_wait3A_25 = arith.constant 0 : i32
      %dma_wait3A_26 = arith.constant 0 : i32
      %dma_wait3A_27 = tpu.memref_slice %arg3[%add3A, %dma_wait3A_25, %dma_wait3A_26] : memref<32x80x128xi32, #tpu.memory_space<hbm>> -> memref<1x40x128xi32, #tpu.memory_space<hbm>>
      %dma_wait3A_28 = tpu.memref_squeeze %dma_wait3A_27 : memref<1x40x128xi32, #tpu.memory_space<hbm>> -> memref<40x128xi32, #tpu.memory_space<hbm>>
      tpu.wait_dma2 semaphore(%run_scoped3A : memref<!tpu.dma_semaphore, #tpu.memory_space<semaphore_mem>>) src(%dma_wait3A_28 : memref<40x128xi32, #tpu.memory_space<hbm>>) dst(%arg7 : memref<40x128xi32, #tpu.memory_space<vmem>>)
      tpu.yield
    }) : () -> ()
    "tpu.region"() ({
      %run_scoped3A = tpu.sem_alloc : memref<!tpu.dma_semaphore, #tpu.memory_space<semaphore_mem>>
      %dma_start3A = arith.constant 0 : i32
      %dma_start3A_15 = arith.constant 0 : i32
      %dma_start3A_16 = tpu.memref_slice %arg4[%add3A, %dma_start3A, %dma_start3A_15] : memref<32x80x128xi32, #tpu.memory_space<hbm>> -> memref<1x40x128xi32, #tpu.memory_space<hbm>>
      %dma_start3A_17 = tpu.memref_squeeze %dma_start3A_16 : memref<1x40x128xi32, #tpu.memory_space<hbm>> -> memref<40x128xi32, #tpu.memory_space<hbm>>
      %dma_start3A_18 = arith.constant 0 : i32
      %dma_start3A_19 = arith.constant 0 : i32
      %dma_start3A_20 = tpu.memref_slice %arg4[%add3A, %dma_start3A_18, %dma_start3A_19] : memref<32x80x128xi32, #tpu.memory_space<hbm>> -> memref<1x40x128xi32, #tpu.memory_space<hbm>>
      %dma_start3A_21 = tpu.memref_squeeze %dma_start3A_20 : memref<1x40x128xi32, #tpu.memory_space<hbm>> -> memref<40x128xi32, #tpu.memory_space<hbm>>
      tpu.enqueue_dma source(%dma_start3A_21 : memref<40x128xi32, #tpu.memory_space<hbm>>) target(%arg8 : memref<40x128xi32, #tpu.memory_space<vmem>>) target_semaphore(%run_scoped3A : memref<!tpu.dma_semaphore, #tpu.memory_space<semaphore_mem>>)
      %dma_wait3A = arith.constant 0 : i32
      %dma_wait3A_22 = arith.constant 0 : i32
      %dma_wait3A_23 = tpu.memref_slice %arg4[%add3A, %dma_wait3A, %dma_wait3A_22] : memref<32x80x128xi32, #tpu.memory_space<hbm>> -> memref<1x40x128xi32, #tpu.memory_space<hbm>>
      %dma_wait3A_24 = tpu.memref_squeeze %dma_wait3A_23 : memref<1x40x128xi32, #tpu.memory_space<hbm>> -> memref<40x128xi32, #tpu.memory_space<hbm>>
      %dma_wait3A_25 = arith.constant 0 : i32
      %dma_wait3A_26 = arith.constant 0 : i32
      %dma_wait3A_27 = tpu.memref_slice %arg4[%add3A, %dma_wait3A_25, %dma_wait3A_26] : memref<32x80x128xi32, #tpu.memory_space<hbm>> -> memref<1x40x128xi32, #tpu.memory_space<hbm>>
      %dma_wait3A_28 = tpu.memref_squeeze %dma_wait3A_27 : memref<1x40x128xi32, #tpu.memory_space<hbm>> -> memref<40x128xi32, #tpu.memory_space<hbm>>
      tpu.wait_dma2 semaphore(%run_scoped3A : memref<!tpu.dma_semaphore, #tpu.memory_space<semaphore_mem>>) src(%dma_wait3A_28 : memref<40x128xi32, #tpu.memory_space<hbm>>) dst(%arg8 : memref<40x128xi32, #tpu.memory_space<vmem>>)
      tpu.yield
    }) : () -> ()
    %scan3A = arith.constant 0 : i32
    %scan3A_3 = arith.constant 0 : i32
    %scan3A_4 = arith.constant 20 : i32
    %scan3A_5 = arith.addi %scan3A_3, %scan3A_4 : i32
    %scan3A_6 = arith.constant 1 : i32
    scf.for %scan3A_15 = %scan3A_3 to %scan3A_5 step %scan3A_6  : i32 {
      %mul3A_16 = arith.constant 2 : i32
      %mul3A_17 = arith.muli %mul3A_16, %scan3A_15 : i32
      %dma_start3A = arith.constant 0 : i32
      %dma_start3A_18 = tpu.memref_slice %arg7[%mul3A_17, %dma_start3A] : memref<40x128xi32, #tpu.memory_space<vmem>> -> memref<1x128xi32, #tpu.memory_space<vmem>>
      %dma_start3A_19 = tpu.memref_squeeze %dma_start3A_18 : memref<1x128xi32, #tpu.memory_space<vmem>> -> memref<128xi32, #tpu.memory_space<vmem>>
      %dma_start3A_20 = arith.constant 0 : i32
      %dma_start3A_21 = arith.constant 0 : i32
      %dma_start3A_22 = tpu.memref_slice %arg2[%dma_start3A_20, %dma_start3A_21] : memref<10112x128xf32, #tpu.memory_space<hbm>> -> memref<10112x128xf32, #tpu.memory_space<hbm>>
      tpu.enqueue_indirect_dma source(%dma_start3A_22 : memref<10112x128xf32, #tpu.memory_space<hbm>>) target(%arg9 : memref<128x128xf32, #tpu.memory_space<vmem>>) offsets(%dma_start3A_19 : memref<128xi32, #tpu.memory_space<vmem>>) semaphore(%arg12 : memref<!tpu.dma_semaphore, #tpu.memory_space<semaphore_mem>>)
      %add3A_23 = arith.constant 1 : i32
      %add3A_24 = arith.addi %mul3A_17, %add3A_23 : i32
      %dma_start3A_25 = arith.constant 0 : i32
      %dma_start3A_26 = tpu.memref_slice %arg7[%add3A_24, %dma_start3A_25] : memref<40x128xi32, #tpu.memory_space<vmem>> -> memref<1x128xi32, #tpu.memory_space<vmem>>
      %dma_start3A_27 = tpu.memref_squeeze %dma_start3A_26 : memref<1x128xi32, #tpu.memory_space<vmem>> -> memref<128xi32, #tpu.memory_space<vmem>>
      %dma_start3A_28 = arith.constant 0 : i32
      %dma_start3A_29 = arith.constant 0 : i32
      %dma_start3A_30 = tpu.memref_slice %arg2[%dma_start3A_28, %dma_start3A_29] : memref<10112x128xf32, #tpu.memory_space<hbm>> -> memref<10112x128xf32, #tpu.memory_space<hbm>>
      tpu.enqueue_indirect_dma source(%dma_start3A_30 : memref<10112x128xf32, #tpu.memory_space<hbm>>) target(%arg10 : memref<128x128xf32, #tpu.memory_space<vmem>>) offsets(%dma_start3A_27 : memref<128xi32, #tpu.memory_space<vmem>>) semaphore(%arg12 : memref<!tpu.dma_semaphore, #tpu.memory_space<semaphore_mem>>)
      %dma_wait3A = arith.constant 0 : i32
      %dma_wait3A_31 = tpu.memref_slice %arg7[%mul3A_17, %dma_wait3A] : memref<40x128xi32, #tpu.memory_space<vmem>> -> memref<1x128xi32, #tpu.memory_space<vmem>>
      %dma_wait3A_32 = tpu.memref_squeeze %dma_wait3A_31 : memref<1x128xi32, #tpu.memory_space<vmem>> -> memref<128xi32, #tpu.memory_space<vmem>>
      %dma_wait3A_33 = arith.constant 0 : i32
      %dma_wait3A_34 = arith.constant 0 : i32
      %dma_wait3A_35 = tpu.memref_slice %arg2[%dma_wait3A_33, %dma_wait3A_34] : memref<10112x128xf32, #tpu.memory_space<hbm>> -> memref<10112x128xf32, #tpu.memory_space<hbm>>
      tpu.wait_indirect_dma semaphore(%arg12 : memref<!tpu.dma_semaphore, #tpu.memory_space<semaphore_mem>>) src(%dma_wait3A_35 : memref<10112x128xf32, #tpu.memory_space<hbm>>) dst(%arg9 : memref<128x128xf32, #tpu.memory_space<vmem>>)
      "tpu.region"() ({
        %run_scoped3A = tpu.sem_alloc : memref<!tpu.dma_semaphore, #tpu.memory_space<semaphore_mem>>
        %dma_start3A_44 = arith.constant 0 : i32
        %dma_start3A_45 = tpu.memref_slice %arg8[%mul3A_17, %dma_start3A_44] : memref<40x128xi32, #tpu.memory_space<vmem>> -> memref<1x128xi32, #tpu.memory_space<vmem>>
        %dma_start3A_46 = tpu.memref_squeeze %dma_start3A_45 : memref<1x128xi32, #tpu.memory_space<vmem>> -> memref<128xi32, #tpu.memory_space<vmem>>
        %dma_start3A_47 = arith.constant 0 : i32
        %dma_start3A_48 = arith.constant 0 : i32
        %dma_start3A_49 = tpu.memref_slice %arg11[%dma_start3A_47, %dma_start3A_48] : memref<10112x128xf32, #tpu.memory_space<vmem_shared>> -> memref<10112x128xf32, #tpu.memory_space<vmem_shared>>
        tpu.enqueue_indirect_dma source(%arg9 : memref<128x128xf32, #tpu.memory_space<vmem>>) target(%dma_start3A_49 : memref<10112x128xf32, #tpu.memory_space<vmem_shared>>) offsets(%dma_start3A_46 : memref<128xi32, #tpu.memory_space<vmem>>) semaphore(%run_scoped3A : memref<!tpu.dma_semaphore, #tpu.memory_space<semaphore_mem>>) {add = true}
        %dma_wait3A_50 = arith.constant 0 : i32
        %dma_wait3A_51 = tpu.memref_slice %arg8[%mul3A_17, %dma_wait3A_50] : memref<40x128xi32, #tpu.memory_space<vmem>> -> memref<1x128xi32, #tpu.memory_space<vmem>>
        %dma_wait3A_52 = tpu.memref_squeeze %dma_wait3A_51 : memref<1x128xi32, #tpu.memory_space<vmem>> -> memref<128xi32, #tpu.memory_space<vmem>>
        %dma_wait3A_53 = arith.constant 0 : i32
        %dma_wait3A_54 = arith.constant 0 : i32
        %dma_wait3A_55 = tpu.memref_slice %arg11[%dma_wait3A_53, %dma_wait3A_54] : memref<10112x128xf32, #tpu.memory_space<vmem_shared>> -> memref<10112x128xf32, #tpu.memory_space<vmem_shared>>
        tpu.wait_indirect_dma semaphore(%run_scoped3A : memref<!tpu.dma_semaphore, #tpu.memory_space<semaphore_mem>>) src(%arg9 : memref<128x128xf32, #tpu.memory_space<vmem>>) dst(%dma_wait3A_55 : memref<10112x128xf32, #tpu.memory_space<vmem_shared>>)
        tpu.yield
      }) : () -> ()
      %dma_wait3A_36 = arith.constant 0 : i32
      %dma_wait3A_37 = tpu.memref_slice %arg7[%add3A_24, %dma_wait3A_36] : memref<40x128xi32, #tpu.memory_space<vmem>> -> memref<1x128xi32, #tpu.memory_space<vmem>>
      %dma_wait3A_38 = tpu.memref_squeeze %dma_wait3A_37 : memref<1x128xi32, #tpu.memory_space<vmem>> -> memref<128xi32, #tpu.memory_space<vmem>>
      %dma_wait3A_39 = arith.constant 0 : i32
      %dma_wait3A_40 = arith.constant 0 : i32
      %dma_wait3A_41 = tpu.memref_slice %arg2[%dma_wait3A_39, %dma_wait3A_40] : memref<10112x128xf32, #tpu.memory_space<hbm>> -> memref<10112x128xf32, #tpu.memory_space<hbm>>
      tpu.wait_indirect_dma semaphore(%arg12 : memref<!tpu.dma_semaphore, #tpu.memory_space<semaphore_mem>>) src(%dma_wait3A_41 : memref<10112x128xf32, #tpu.memory_space<hbm>>) dst(%arg10 : memref<128x128xf32, #tpu.memory_space<vmem>>)
      %add3A_42 = arith.constant 1 : i32
      %add3A_43 = arith.addi %mul3A_17, %add3A_42 : i32
      "tpu.region"() ({
        %run_scoped3A = tpu.sem_alloc : memref<!tpu.dma_semaphore, #tpu.memory_space<semaphore_mem>>
        %dma_start3A_44 = arith.constant 0 : i32
        %dma_start3A_45 = tpu.memref_slice %arg8[%add3A_43, %dma_start3A_44] : memref<40x128xi32, #tpu.memory_space<vmem>> -> memref<1x128xi32, #tpu.memory_space<vmem>>
        %dma_start3A_46 = tpu.memref_squeeze %dma_start3A_45 : memref<1x128xi32, #tpu.memory_space<vmem>> -> memref<128xi32, #tpu.memory_space<vmem>>
        %dma_start3A_47 = arith.constant 0 : i32
        %dma_start3A_48 = arith.constant 0 : i32
        %dma_start3A_49 = tpu.memref_slice %arg11[%dma_start3A_47, %dma_start3A_48] : memref<10112x128xf32, #tpu.memory_space<vmem_shared>> -> memref<10112x128xf32, #tpu.memory_space<vmem_shared>>
        tpu.enqueue_indirect_dma source(%arg10 : memref<128x128xf32, #tpu.memory_space<vmem>>) target(%dma_start3A_49 : memref<10112x128xf32, #tpu.memory_space<vmem_shared>>) offsets(%dma_start3A_46 : memref<128xi32, #tpu.memory_space<vmem>>) semaphore(%run_scoped3A : memref<!tpu.dma_semaphore, #tpu.memory_space<semaphore_mem>>) {add = true}
        %dma_wait3A_50 = arith.constant 0 : i32
        %dma_wait3A_51 = tpu.memref_slice %arg8[%add3A_43, %dma_wait3A_50] : memref<40x128xi32, #tpu.memory_space<vmem>> -> memref<1x128xi32, #tpu.memory_space<vmem>>
        %dma_wait3A_52 = tpu.memref_squeeze %dma_wait3A_51 : memref<1x128xi32, #tpu.memory_space<vmem>> -> memref<128xi32, #tpu.memory_space<vmem>>
        %dma_wait3A_53 = arith.constant 0 : i32
        %dma_wait3A_54 = arith.constant 0 : i32
        %dma_wait3A_55 = tpu.memref_slice %arg11[%dma_wait3A_53, %dma_wait3A_54] : memref<10112x128xf32, #tpu.memory_space<vmem_shared>> -> memref<10112x128xf32, #tpu.memory_space<vmem_shared>>
        tpu.wait_indirect_dma semaphore(%run_scoped3A : memref<!tpu.dma_semaphore, #tpu.memory_space<semaphore_mem>>) src(%arg10 : memref<128x128xf32, #tpu.memory_space<vmem>>) dst(%dma_wait3A_55 : memref<10112x128xf32, #tpu.memory_space<vmem_shared>>)
        tpu.yield
      }) : () -> ()
    }
    %scan3A_7 = arith.constant 20 : i32
    "tpu.region"() ({
      %run_scoped3A = tpu.sem_alloc : memref<!tpu.dma_semaphore, #tpu.memory_space<semaphore_mem>>
      %dma_start3A = arith.constant 40 : i32
      %dma_start3A_15 = arith.constant 0 : i32
      %dma_start3A_16 = tpu.memref_slice %arg3[%add3A, %dma_start3A, %dma_start3A_15] : memref<32x80x128xi32, #tpu.memory_space<hbm>> -> memref<1x40x128xi32, #tpu.memory_space<hbm>>
      %dma_start3A_17 = tpu.memref_squeeze %dma_start3A_16 : memref<1x40x128xi32, #tpu.memory_space<hbm>> -> memref<40x128xi32, #tpu.memory_space<hbm>>
      %dma_start3A_18 = arith.constant 40 : i32
      %dma_start3A_19 = arith.constant 0 : i32
      %dma_start3A_20 = tpu.memref_slice %arg3[%add3A, %dma_start3A_18, %dma_start3A_19] : memref<32x80x128xi32, #tpu.memory_space<hbm>> -> memref<1x40x128xi32, #tpu.memory_space<hbm>>
      %dma_start3A_21 = tpu.memref_squeeze %dma_start3A_20 : memref<1x40x128xi32, #tpu.memory_space<hbm>> -> memref<40x128xi32, #tpu.memory_space<hbm>>
      tpu.enqueue_dma source(%dma_start3A_21 : memref<40x128xi32, #tpu.memory_space<hbm>>) target(%arg7 : memref<40x128xi32, #tpu.memory_space<vmem>>) target_semaphore(%run_scoped3A : memref<!tpu.dma_semaphore, #tpu.memory_space<semaphore_mem>>)
      %dma_wait3A = arith.constant 40 : i32
      %dma_wait3A_22 = arith.constant 0 : i32
      %dma_wait3A_23 = tpu.memref_slice %arg3[%add3A, %dma_wait3A, %dma_wait3A_22] : memref<32x80x128xi32, #tpu.memory_space<hbm>> -> memref<1x40x128xi32, #tpu.memory_space<hbm>>
      %dma_wait3A_24 = tpu.memref_squeeze %dma_wait3A_23 : memref<1x40x128xi32, #tpu.memory_space<hbm>> -> memref<40x128xi32, #tpu.memory_space<hbm>>
      %dma_wait3A_25 = arith.constant 40 : i32
      %dma_wait3A_26 = arith.constant 0 : i32
      %dma_wait3A_27 = tpu.memref_slice %arg3[%add3A, %dma_wait3A_25, %dma_wait3A_26] : memref<32x80x128xi32, #tpu.memory_space<hbm>> -> memref<1x40x128xi32, #tpu.memory_space<hbm>>
      %dma_wait3A_28 = tpu.memref_squeeze %dma_wait3A_27 : memref<1x40x128xi32, #tpu.memory_space<hbm>> -> memref<40x128xi32, #tpu.memory_space<hbm>>
      tpu.wait_dma2 semaphore(%run_scoped3A : memref<!tpu.dma_semaphore, #tpu.memory_space<semaphore_mem>>) src(%dma_wait3A_28 : memref<40x128xi32, #tpu.memory_space<hbm>>) dst(%arg7 : memref<40x128xi32, #tpu.memory_space<vmem>>)
      tpu.yield
    }) : () -> ()
    "tpu.region"() ({
      %run_scoped3A = tpu.sem_alloc : memref<!tpu.dma_semaphore, #tpu.memory_space<semaphore_mem>>
      %dma_start3A = arith.constant 40 : i32
      %dma_start3A_15 = arith.constant 0 : i32
      %dma_start3A_16 = tpu.memref_slice %arg4[%add3A, %dma_start3A, %dma_start3A_15] : memref<32x80x128xi32, #tpu.memory_space<hbm>> -> memref<1x40x128xi32, #tpu.memory_space<hbm>>
      %dma_start3A_17 = tpu.memref_squeeze %dma_start3A_16 : memref<1x40x128xi32, #tpu.memory_space<hbm>> -> memref<40x128xi32, #tpu.memory_space<hbm>>
      %dma_start3A_18 = arith.constant 40 : i32
      %dma_start3A_19 = arith.constant 0 : i32
      %dma_start3A_20 = tpu.memref_slice %arg4[%add3A, %dma_start3A_18, %dma_start3A_19] : memref<32x80x128xi32, #tpu.memory_space<hbm>> -> memref<1x40x128xi32, #tpu.memory_space<hbm>>
      %dma_start3A_21 = tpu.memref_squeeze %dma_start3A_20 : memref<1x40x128xi32, #tpu.memory_space<hbm>> -> memref<40x128xi32, #tpu.memory_space<hbm>>
      tpu.enqueue_dma source(%dma_start3A_21 : memref<40x128xi32, #tpu.memory_space<hbm>>) target(%arg8 : memref<40x128xi32, #tpu.memory_space<vmem>>) target_semaphore(%run_scoped3A : memref<!tpu.dma_semaphore, #tpu.memory_space<semaphore_mem>>)
      %dma_wait3A = arith.constant 40 : i32
      %dma_wait3A_22 = arith.constant 0 : i32
      %dma_wait3A_23 = tpu.memref_slice %arg4[%add3A, %dma_wait3A, %dma_wait3A_22] : memref<32x80x128xi32, #tpu.memory_space<hbm>> -> memref<1x40x128xi32, #tpu.memory_space<hbm>>
      %dma_wait3A_24 = tpu.memref_squeeze %dma_wait3A_23 : memref<1x40x128xi32, #tpu.memory_space<hbm>> -> memref<40x128xi32, #tpu.memory_space<hbm>>
      %dma_wait3A_25 = arith.constant 40 : i32
      %dma_wait3A_26 = arith.constant 0 : i32
      %dma_wait3A_27 = tpu.memref_slice %arg4[%add3A, %dma_wait3A_25, %dma_wait3A_26] : memref<32x80x128xi32, #tpu.memory_space<hbm>> -> memref<1x40x128xi32, #tpu.memory_space<hbm>>
      %dma_wait3A_28 = tpu.memref_squeeze %dma_wait3A_27 : memref<1x40x128xi32, #tpu.memory_space<hbm>> -> memref<40x128xi32, #tpu.memory_space<hbm>>
      tpu.wait_dma2 semaphore(%run_scoped3A : memref<!tpu.dma_semaphore, #tpu.memory_space<semaphore_mem>>) src(%dma_wait3A_28 : memref<40x128xi32, #tpu.memory_space<hbm>>) dst(%arg8 : memref<40x128xi32, #tpu.memory_space<vmem>>)
      tpu.yield
    }) : () -> ()
    %scan3A_8 = arith.constant 0 : i32
    %scan3A_9 = arith.constant 0 : i32
    %scan3A_10 = arith.constant 20 : i32
    %scan3A_11 = arith.addi %scan3A_9, %scan3A_10 : i32
    %scan3A_12 = arith.constant 1 : i32
    scf.for %scan3A_15 = %scan3A_9 to %scan3A_11 step %scan3A_12  : i32 {
      %mul3A_16 = arith.constant 2 : i32
      %mul3A_17 = arith.muli %mul3A_16, %scan3A_15 : i32
      %dma_start3A = arith.constant 0 : i32
      %dma_start3A_18 = tpu.memref_slice %arg7[%mul3A_17, %dma_start3A] : memref<40x128xi32, #tpu.memory_space<vmem>> -> memref<1x128xi32, #tpu.memory_space<vmem>>
      %dma_start3A_19 = tpu.memref_squeeze %dma_start3A_18 : memref<1x128xi32, #tpu.memory_space<vmem>> -> memref<128xi32, #tpu.memory_space<vmem>>
      %dma_start3A_20 = arith.constant 0 : i32
      %dma_start3A_21 = arith.constant 0 : i32
      %dma_start3A_22 = tpu.memref_slice %arg2[%dma_start3A_20, %dma_start3A_21] : memref<10112x128xf32, #tpu.memory_space<hbm>> -> memref<10112x128xf32, #tpu.memory_space<hbm>>
      tpu.enqueue_indirect_dma source(%dma_start3A_22 : memref<10112x128xf32, #tpu.memory_space<hbm>>) target(%arg9 : memref<128x128xf32, #tpu.memory_space<vmem>>) offsets(%dma_start3A_19 : memref<128xi32, #tpu.memory_space<vmem>>) semaphore(%arg12 : memref<!tpu.dma_semaphore, #tpu.memory_space<semaphore_mem>>)
      %add3A_23 = arith.constant 1 : i32
      %add3A_24 = arith.addi %mul3A_17, %add3A_23 : i32
      %dma_start3A_25 = arith.constant 0 : i32
      %dma_start3A_26 = tpu.memref_slice %arg7[%add3A_24, %dma_start3A_25] : memref<40x128xi32, #tpu.memory_space<vmem>> -> memref<1x128xi32, #tpu.memory_space<vmem>>
      %dma_start3A_27 = tpu.memref_squeeze %dma_start3A_26 : memref<1x128xi32, #tpu.memory_space<vmem>> -> memref<128xi32, #tpu.memory_space<vmem>>
      %dma_start3A_28 = arith.constant 0 : i32
      %dma_start3A_29 = arith.constant 0 : i32
      %dma_start3A_30 = tpu.memref_slice %arg2[%dma_start3A_28, %dma_start3A_29] : memref<10112x128xf32, #tpu.memory_space<hbm>> -> memref<10112x128xf32, #tpu.memory_space<hbm>>
      tpu.enqueue_indirect_dma source(%dma_start3A_30 : memref<10112x128xf32, #tpu.memory_space<hbm>>) target(%arg10 : memref<128x128xf32, #tpu.memory_space<vmem>>) offsets(%dma_start3A_27 : memref<128xi32, #tpu.memory_space<vmem>>) semaphore(%arg12 : memref<!tpu.dma_semaphore, #tpu.memory_space<semaphore_mem>>)
      %dma_wait3A = arith.constant 0 : i32
      %dma_wait3A_31 = tpu.memref_slice %arg7[%mul3A_17, %dma_wait3A] : memref<40x128xi32, #tpu.memory_space<vmem>> -> memref<1x128xi32, #tpu.memory_space<vmem>>
      %dma_wait3A_32 = tpu.memref_squeeze %dma_wait3A_31 : memref<1x128xi32, #tpu.memory_space<vmem>> -> memref<128xi32, #tpu.memory_space<vmem>>
      %dma_wait3A_33 = arith.constant 0 : i32
      %dma_wait3A_34 = arith.constant 0 : i32
      %dma_wait3A_35 = tpu.memref_slice %arg2[%dma_wait3A_33, %dma_wait3A_34] : memref<10112x128xf32, #tpu.memory_space<hbm>> -> memref<10112x128xf32, #tpu.memory_space<hbm>>
      tpu.wait_indirect_dma semaphore(%arg12 : memref<!tpu.dma_semaphore, #tpu.memory_space<semaphore_mem>>) src(%dma_wait3A_35 : memref<10112x128xf32, #tpu.memory_space<hbm>>) dst(%arg9 : memref<128x128xf32, #tpu.memory_space<vmem>>)
      "tpu.region"() ({
        %run_scoped3A = tpu.sem_alloc : memref<!tpu.dma_semaphore, #tpu.memory_space<semaphore_mem>>
        %dma_start3A_44 = arith.constant 0 : i32
        %dma_start3A_45 = tpu.memref_slice %arg8[%mul3A_17, %dma_start3A_44] : memref<40x128xi32, #tpu.memory_space<vmem>> -> memref<1x128xi32, #tpu.memory_space<vmem>>
        %dma_start3A_46 = tpu.memref_squeeze %dma_start3A_45 : memref<1x128xi32, #tpu.memory_space<vmem>> -> memref<128xi32, #tpu.memory_space<vmem>>
        %dma_start3A_47 = arith.constant 0 : i32
        %dma_start3A_48 = arith.constant 0 : i32
        %dma_start3A_49 = tpu.memref_slice %arg11[%dma_start3A_47, %dma_start3A_48] : memref<10112x128xf32, #tpu.memory_space<vmem_shared>> -> memref<10112x128xf32, #tpu.memory_space<vmem_shared>>
        tpu.enqueue_indirect_dma source(%arg9 : memref<128x128xf32, #tpu.memory_space<vmem>>) target(%dma_start3A_49 : memref<10112x128xf32, #tpu.memory_space<vmem_shared>>) offsets(%dma_start3A_46 : memref<128xi32, #tpu.memory_space<vmem>>) semaphore(%run_scoped3A : memref<!tpu.dma_semaphore, #tpu.memory_space<semaphore_mem>>) {add = true}
        %dma_wait3A_50 = arith.constant 0 : i32
        %dma_wait3A_51 = tpu.memref_slice %arg8[%mul3A_17, %dma_wait3A_50] : memref<40x128xi32, #tpu.memory_space<vmem>> -> memref<1x128xi32, #tpu.memory_space<vmem>>
        %dma_wait3A_52 = tpu.memref_squeeze %dma_wait3A_51 : memref<1x128xi32, #tpu.memory_space<vmem>> -> memref<128xi32, #tpu.memory_space<vmem>>
        %dma_wait3A_53 = arith.constant 0 : i32
        %dma_wait3A_54 = arith.constant 0 : i32
        %dma_wait3A_55 = tpu.memref_slice %arg11[%dma_wait3A_53, %dma_wait3A_54] : memref<10112x128xf32, #tpu.memory_space<vmem_shared>> -> memref<10112x128xf32, #tpu.memory_space<vmem_shared>>
        tpu.wait_indirect_dma semaphore(%run_scoped3A : memref<!tpu.dma_semaphore, #tpu.memory_space<semaphore_mem>>) src(%arg9 : memref<128x128xf32, #tpu.memory_space<vmem>>) dst(%dma_wait3A_55 : memref<10112x128xf32, #tpu.memory_space<vmem_shared>>)
        tpu.yield
      }) : () -> ()
      %dma_wait3A_36 = arith.constant 0 : i32
      %dma_wait3A_37 = tpu.memref_slice %arg7[%add3A_24, %dma_wait3A_36] : memref<40x128xi32, #tpu.memory_space<vmem>> -> memref<1x128xi32, #tpu.memory_space<vmem>>
      %dma_wait3A_38 = tpu.memref_squeeze %dma_wait3A_37 : memref<1x128xi32, #tpu.memory_space<vmem>> -> memref<128xi32, #tpu.memory_space<vmem>>
      %dma_wait3A_39 = arith.constant 0 : i32
      %dma_wait3A_40 = arith.constant 0 : i32
      %dma_wait3A_41 = tpu.memref_slice %arg2[%dma_wait3A_39, %dma_wait3A_40] : memref<10112x128xf32, #tpu.memory_space<hbm>> -> memref<10112x128xf32, #tpu.memory_space<hbm>>
      tpu.wait_indirect_dma semaphore(%arg12 : memref<!tpu.dma_semaphore, #tpu.memory_space<semaphore_mem>>) src(%dma_wait3A_41 : memref<10112x128xf32, #tpu.memory_space<hbm>>) dst(%arg10 : memref<128x128xf32, #tpu.memory_space<vmem>>)
      %add3A_42 = arith.constant 1 : i32
      %add3A_43 = arith.addi %mul3A_17, %add3A_42 : i32
      "tpu.region"() ({
        %run_scoped3A = tpu.sem_alloc : memref<!tpu.dma_semaphore, #tpu.memory_space<semaphore_mem>>
        %dma_start3A_44 = arith.constant 0 : i32
        %dma_start3A_45 = tpu.memref_slice %arg8[%add3A_43, %dma_start3A_44] : memref<40x128xi32, #tpu.memory_space<vmem>> -> memref<1x128xi32, #tpu.memory_space<vmem>>
        %dma_start3A_46 = tpu.memref_squeeze %dma_start3A_45 : memref<1x128xi32, #tpu.memory_space<vmem>> -> memref<128xi32, #tpu.memory_space<vmem>>
        %dma_start3A_47 = arith.constant 0 : i32
        %dma_start3A_48 = arith.constant 0 : i32
        %dma_start3A_49 = tpu.memref_slice %arg11[%dma_start3A_47, %dma_start3A_48] : memref<10112x128xf32, #tpu.memory_space<vmem_shared>> -> memref<10112x128xf32, #tpu.memory_space<vmem_shared>>
        tpu.enqueue_indirect_dma source(%arg10 : memref<128x128xf32, #tpu.memory_space<vmem>>) target(%dma_start3A_49 : memref<10112x128xf32, #tpu.memory_space<vmem_shared>>) offsets(%dma_start3A_46 : memref<128xi32, #tpu.memory_space<vmem>>) semaphore(%run_scoped3A : memref<!tpu.dma_semaphore, #tpu.memory_space<semaphore_mem>>) {add = true}
        %dma_wait3A_50 = arith.constant 0 : i32
        %dma_wait3A_51 = tpu.memref_slice %arg8[%add3A_43, %dma_wait3A_50] : memref<40x128xi32, #tpu.memory_space<vmem>> -> memref<1x128xi32, #tpu.memory_space<vmem>>
        %dma_wait3A_52 = tpu.memref_squeeze %dma_wait3A_51 : memref<1x128xi32, #tpu.memory_space<vmem>> -> memref<128xi32, #tpu.memory_space<vmem>>
        %dma_wait3A_53 = arith.constant 0 : i32
        %dma_wait3A_54 = arith.constant 0 : i32
        %dma_wait3A_55 = tpu.memref_slice %arg11[%dma_wait3A_53, %dma_wait3A_54] : memref<10112x128xf32, #tpu.memory_space<vmem_shared>> -> memref<10112x128xf32, #tpu.memory_space<vmem_shared>>
        tpu.wait_indirect_dma semaphore(%run_scoped3A : memref<!tpu.dma_semaphore, #tpu.memory_space<semaphore_mem>>) src(%arg10 : memref<128x128xf32, #tpu.memory_space<vmem>>) dst(%dma_wait3A_55 : memref<10112x128xf32, #tpu.memory_space<vmem_shared>>)
        tpu.yield
      }) : () -> ()
    }
    %scan3A_13 = arith.constant 20 : i32
    %barrier3A_14 = arith.constant 0 : index
    tpu.barrier barrier_id(%barrier3A_14)
    "tpu.region"() ({
      %run_scoped3A = tpu.sem_alloc : memref<!tpu.dma_semaphore, #tpu.memory_space<semaphore_mem>>
      %dma_start3A = arith.constant 0 : i32
      %dma_start3A_15 = tpu.memref_slice %arg6[%arg0, %mul3A_2, %dma_start3A] : memref<2x10112x128xf32, #tpu.memory_space<hbm>> -> memref<1x632x128xf32, #tpu.memory_space<hbm>>
      %dma_start3A_16 = tpu.memref_squeeze %dma_start3A_15 : memref<1x632x128xf32, #tpu.memory_space<hbm>> -> memref<632x128xf32, #tpu.memory_space<hbm>>
      %dma_start3A_17 = arith.constant 0 : i32
      %dma_start3A_18 = tpu.memref_slice %arg11[%mul3A_2, %dma_start3A_17] : memref<10112x128xf32, #tpu.memory_space<vmem_shared>> -> memref<632x128xf32, #tpu.memory_space<vmem_shared>>
      tpu.enqueue_dma source(%dma_start3A_18 : memref<632x128xf32, #tpu.memory_space<vmem_shared>>) target(%dma_start3A_16 : memref<632x128xf32, #tpu.memory_space<hbm>>) target_semaphore(%run_scoped3A : memref<!tpu.dma_semaphore, #tpu.memory_space<semaphore_mem>>)
      %dma_wait3A = arith.constant 0 : i32
      %dma_wait3A_19 = tpu.memref_slice %arg6[%arg0, %mul3A_2, %dma_wait3A] : memref<2x10112x128xf32, #tpu.memory_space<hbm>> -> memref<1x632x128xf32, #tpu.memory_space<hbm>>
      %dma_wait3A_20 = tpu.memref_squeeze %dma_wait3A_19 : memref<1x632x128xf32, #tpu.memory_space<hbm>> -> memref<632x128xf32, #tpu.memory_space<hbm>>
      %dma_wait3A_21 = arith.constant 0 : i32
      %dma_wait3A_22 = tpu.memref_slice %arg11[%mul3A_2, %dma_wait3A_21] : memref<10112x128xf32, #tpu.memory_space<vmem_shared>> -> memref<632x128xf32, #tpu.memory_space<vmem_shared>>
      tpu.wait_dma2 semaphore(%run_scoped3A : memref<!tpu.dma_semaphore, #tpu.memory_space<semaphore_mem>>) src(%dma_wait3A_22 : memref<632x128xf32, #tpu.memory_space<vmem_shared>>) dst(%dma_wait3A_20 : memref<632x128xf32, #tpu.memory_space<hbm>>)
      tpu.yield
    }) : () -> ()
    return
  }
}

#map = affine_map<(d0, d1) -> (0, 0)>
#map1 = affine_map<(d0, d1) -> (0, 0, 0)>
module attributes {stable_mosaic.version = 14 : i64} {
  func.func @_agg_kernel(%arg0: i32, %arg1: i32, %arg2: memref<10112x128xf32, #tpu.memory_space<hbm>>, %arg3: memref<32x80x128xi32, #tpu.memory_space<hbm>>, %arg4: memref<32x80x128xi32, #tpu.memory_space<hbm>>, %arg5: memref<10112x128xf32, #tpu.memory_space<hbm>>, %arg6: memref<2x10112x128xf32, #tpu.memory_space<hbm>>, %arg7: memref<40x128xi32, #tpu.memory_space<vmem>>, %arg8: memref<40x128xi32, #tpu.memory_space<vmem>>, %arg9: memref<128x128xf32, #tpu.memory_space<vmem>>, %arg10: memref<128x128xf32, #tpu.memory_space<vmem>>, %arg11: memref<10112x128xf32, #tpu.memory_space<vmem_shared>>, %arg12: memref<!tpu.dma_semaphore, #tpu.memory_space<semaphore_mem>>) attributes {dimension_semantics = [#tpu.dimension_semantics<core_parallel>, #tpu.dimension_semantics<subcore_parallel>], iteration_bounds = array<i64: 2, 16>, scalar_prefetch = 0 : i64, scratch_operands = 6 : i64, tpu.core_type = #tpu.core_type<sc_vector_subcore>, window_params = [{transform_indices = #map}, {transform_indices = #map1}, {transform_indices = #map1}, {transform_indices = #map}, {transform_indices = #map1}]} {
    %mul3A = arith.constant 2 : i32
    %mul3A_0 = arith.muli %arg1, %mul3A : i32
    %add3A = arith.addi %mul3A_0, %arg0 : i32
    %mul3A_1 = arith.constant 632 : i32
    %mul3A_2 = arith.muli %arg1, %mul3A_1 : i32
    "tpu.region"() ({
      %run_scoped3A = tpu.sem_alloc : memref<!tpu.dma_semaphore, #tpu.memory_space<semaphore_mem>>
      %dma_start3A = arith.constant 0 : i32
      %dma_start3A_15 = tpu.memref_slice %arg11[%mul3A_2, %dma_start3A] : memref<10112x128xf32, #tpu.memory_space<vmem_shared>> -> memref<632x128xf32, #tpu.memory_space<vmem_shared>>
      %dma_start3A_16 = arith.constant 0 : i32
      %dma_start3A_17 = tpu.memref_slice %arg5[%mul3A_2, %dma_start3A_16] : memref<10112x128xf32, #tpu.memory_space<hbm>> -> memref<632x128xf32, #tpu.memory_space<hbm>>
      tpu.enqueue_dma source(%dma_start3A_17 : memref<632x128xf32, #tpu.memory_space<hbm>>) target(%dma_start3A_15 : memref<632x128xf32, #tpu.memory_space<vmem_shared>>) target_semaphore(%run_scoped3A : memref<!tpu.dma_semaphore, #tpu.memory_space<semaphore_mem>>)
      %dma_wait3A = arith.constant 0 : i32
      %dma_wait3A_18 = tpu.memref_slice %arg11[%mul3A_2, %dma_wait3A] : memref<10112x128xf32, #tpu.memory_space<vmem_shared>> -> memref<632x128xf32, #tpu.memory_space<vmem_shared>>
      %dma_wait3A_19 = arith.constant 0 : i32
      %dma_wait3A_20 = tpu.memref_slice %arg5[%mul3A_2, %dma_wait3A_19] : memref<10112x128xf32, #tpu.memory_space<hbm>> -> memref<632x128xf32, #tpu.memory_space<hbm>>
      tpu.wait_dma2 semaphore(%run_scoped3A : memref<!tpu.dma_semaphore, #tpu.memory_space<semaphore_mem>>) src(%dma_wait3A_20 : memref<632x128xf32, #tpu.memory_space<hbm>>) dst(%dma_wait3A_18 : memref<632x128xf32, #tpu.memory_space<vmem_shared>>)
      tpu.yield
    }) : () -> ()
    %barrier3A = arith.constant 0 : index
    tpu.barrier barrier_id(%barrier3A)
    "tpu.region"() ({
      %run_scoped3A = tpu.sem_alloc : memref<!tpu.dma_semaphore, #tpu.memory_space<semaphore_mem>>
      %dma_start3A = arith.constant 0 : i32
      %dma_start3A_15 = arith.constant 0 : i32
      %dma_start3A_16 = tpu.memref_slice %arg3[%add3A, %dma_start3A, %dma_start3A_15] : memref<32x80x128xi32, #tpu.memory_space<hbm>> -> memref<1x40x128xi32, #tpu.memory_space<hbm>>
      %dma_start3A_17 = tpu.memref_squeeze %dma_start3A_16 : memref<1x40x128xi32, #tpu.memory_space<hbm>> -> memref<40x128xi32, #tpu.memory_space<hbm>>
      %dma_start3A_18 = arith.constant 0 : i32
      %dma_start3A_19 = arith.constant 0 : i32
      %dma_start3A_20 = tpu.memref_slice %arg3[%add3A, %dma_start3A_18, %dma_start3A_19] : memref<32x80x128xi32, #tpu.memory_space<hbm>> -> memref<1x40x128xi32, #tpu.memory_space<hbm>>
      %dma_start3A_21 = tpu.memref_squeeze %dma_start3A_20 : memref<1x40x128xi32, #tpu.memory_space<hbm>> -> memref<40x128xi32, #tpu.memory_space<hbm>>
      tpu.enqueue_dma source(%dma_start3A_21 : memref<40x128xi32, #tpu.memory_space<hbm>>) target(%arg7 : memref<40x128xi32, #tpu.memory_space<vmem>>) target_semaphore(%run_scoped3A : memref<!tpu.dma_semaphore, #tpu.memory_space<semaphore_mem>>)
      %dma_wait3A = arith.constant 0 : i32
      %dma_wait3A_22 = arith.constant 0 : i32
      %dma_wait3A_23 = tpu.memref_slice %arg3[%add3A, %dma_wait3A, %dma_wait3A_22] : memref<32x80x128xi32, #tpu.memory_space<hbm>> -> memref<1x40x128xi32, #tpu.memory_space<hbm>>
      %dma_wait3A_24 = tpu.memref_squeeze %dma_wait3A_23 : memref<1x40x128xi32, #tpu.memory_space<hbm>> -> memref<40x128xi32, #tpu.memory_space<hbm>>
      %dma_wait3A_25 = arith.constant 0 : i32
      %dma_wait3A_26 = arith.constant 0 : i32
      %dma_wait3A_27 = tpu.memref_slice %arg3[%add3A, %dma_wait3A_25, %dma_wait3A_26] : memref<32x80x128xi32, #tpu.memory_space<hbm>> -> memref<1x40x128xi32, #tpu.memory_space<hbm>>
      %dma_wait3A_28 = tpu.memref_squeeze %dma_wait3A_27 : memref<1x40x128xi32, #tpu.memory_space<hbm>> -> memref<40x128xi32, #tpu.memory_space<hbm>>
      tpu.wait_dma2 semaphore(%run_scoped3A : memref<!tpu.dma_semaphore, #tpu.memory_space<semaphore_mem>>) src(%dma_wait3A_28 : memref<40x128xi32, #tpu.memory_space<hbm>>) dst(%arg7 : memref<40x128xi32, #tpu.memory_space<vmem>>)
      tpu.yield
    }) : () -> ()
    "tpu.region"() ({
      %run_scoped3A = tpu.sem_alloc : memref<!tpu.dma_semaphore, #tpu.memory_space<semaphore_mem>>
      %dma_start3A = arith.constant 0 : i32
      %dma_start3A_15 = arith.constant 0 : i32
      %dma_start3A_16 = tpu.memref_slice %arg4[%add3A, %dma_start3A, %dma_start3A_15] : memref<32x80x128xi32, #tpu.memory_space<hbm>> -> memref<1x40x128xi32, #tpu.memory_space<hbm>>
      %dma_start3A_17 = tpu.memref_squeeze %dma_start3A_16 : memref<1x40x128xi32, #tpu.memory_space<hbm>> -> memref<40x128xi32, #tpu.memory_space<hbm>>
      %dma_start3A_18 = arith.constant 0 : i32
      %dma_start3A_19 = arith.constant 0 : i32
      %dma_start3A_20 = tpu.memref_slice %arg4[%add3A, %dma_start3A_18, %dma_start3A_19] : memref<32x80x128xi32, #tpu.memory_space<hbm>> -> memref<1x40x128xi32, #tpu.memory_space<hbm>>
      %dma_start3A_21 = tpu.memref_squeeze %dma_start3A_20 : memref<1x40x128xi32, #tpu.memory_space<hbm>> -> memref<40x128xi32, #tpu.memory_space<hbm>>
      tpu.enqueue_dma source(%dma_start3A_21 : memref<40x128xi32, #tpu.memory_space<hbm>>) target(%arg8 : memref<40x128xi32, #tpu.memory_space<vmem>>) target_semaphore(%run_scoped3A : memref<!tpu.dma_semaphore, #tpu.memory_space<semaphore_mem>>)
      %dma_wait3A = arith.constant 0 : i32
      %dma_wait3A_22 = arith.constant 0 : i32
      %dma_wait3A_23 = tpu.memref_slice %arg4[%add3A, %dma_wait3A, %dma_wait3A_22] : memref<32x80x128xi32, #tpu.memory_space<hbm>> -> memref<1x40x128xi32, #tpu.memory_space<hbm>>
      %dma_wait3A_24 = tpu.memref_squeeze %dma_wait3A_23 : memref<1x40x128xi32, #tpu.memory_space<hbm>> -> memref<40x128xi32, #tpu.memory_space<hbm>>
      %dma_wait3A_25 = arith.constant 0 : i32
      %dma_wait3A_26 = arith.constant 0 : i32
      %dma_wait3A_27 = tpu.memref_slice %arg4[%add3A, %dma_wait3A_25, %dma_wait3A_26] : memref<32x80x128xi32, #tpu.memory_space<hbm>> -> memref<1x40x128xi32, #tpu.memory_space<hbm>>
      %dma_wait3A_28 = tpu.memref_squeeze %dma_wait3A_27 : memref<1x40x128xi32, #tpu.memory_space<hbm>> -> memref<40x128xi32, #tpu.memory_space<hbm>>
      tpu.wait_dma2 semaphore(%run_scoped3A : memref<!tpu.dma_semaphore, #tpu.memory_space<semaphore_mem>>) src(%dma_wait3A_28 : memref<40x128xi32, #tpu.memory_space<hbm>>) dst(%arg8 : memref<40x128xi32, #tpu.memory_space<vmem>>)
      tpu.yield
    }) : () -> ()
    %scan3A = arith.constant 0 : i32
    %scan3A_3 = arith.constant 0 : i32
    %scan3A_4 = arith.constant 20 : i32
    %scan3A_5 = arith.addi %scan3A_3, %scan3A_4 : i32
    %scan3A_6 = arith.constant 1 : i32
    scf.for %scan3A_15 = %scan3A_3 to %scan3A_5 step %scan3A_6  : i32 {
      %mul3A_16 = arith.constant 2 : i32
      %mul3A_17 = arith.muli %mul3A_16, %scan3A_15 : i32
      %dma_start3A = arith.constant 0 : i32
      %dma_start3A_18 = tpu.memref_slice %arg7[%mul3A_17, %dma_start3A] : memref<40x128xi32, #tpu.memory_space<vmem>> -> memref<1x128xi32, #tpu.memory_space<vmem>>
      %dma_start3A_19 = tpu.memref_squeeze %dma_start3A_18 : memref<1x128xi32, #tpu.memory_space<vmem>> -> memref<128xi32, #tpu.memory_space<vmem>>
      %dma_start3A_20 = arith.constant 0 : i32
      %dma_start3A_21 = arith.constant 0 : i32
      %dma_start3A_22 = tpu.memref_slice %arg2[%dma_start3A_20, %dma_start3A_21] : memref<10112x128xf32, #tpu.memory_space<hbm>> -> memref<10112x128xf32, #tpu.memory_space<hbm>>
      tpu.enqueue_indirect_dma source(%dma_start3A_22 : memref<10112x128xf32, #tpu.memory_space<hbm>>) target(%arg9 : memref<128x128xf32, #tpu.memory_space<vmem>>) offsets(%dma_start3A_19 : memref<128xi32, #tpu.memory_space<vmem>>) semaphore(%arg12 : memref<!tpu.dma_semaphore, #tpu.memory_space<semaphore_mem>>)
      %add3A_23 = arith.constant 1 : i32
      %add3A_24 = arith.addi %mul3A_17, %add3A_23 : i32
      %dma_start3A_25 = arith.constant 0 : i32
      %dma_start3A_26 = tpu.memref_slice %arg7[%add3A_24, %dma_start3A_25] : memref<40x128xi32, #tpu.memory_space<vmem>> -> memref<1x128xi32, #tpu.memory_space<vmem>>
      %dma_start3A_27 = tpu.memref_squeeze %dma_start3A_26 : memref<1x128xi32, #tpu.memory_space<vmem>> -> memref<128xi32, #tpu.memory_space<vmem>>
      %dma_start3A_28 = arith.constant 0 : i32
      %dma_start3A_29 = arith.constant 0 : i32
      %dma_start3A_30 = tpu.memref_slice %arg2[%dma_start3A_28, %dma_start3A_29] : memref<10112x128xf32, #tpu.memory_space<hbm>> -> memref<10112x128xf32, #tpu.memory_space<hbm>>
      tpu.enqueue_indirect_dma source(%dma_start3A_30 : memref<10112x128xf32, #tpu.memory_space<hbm>>) target(%arg10 : memref<128x128xf32, #tpu.memory_space<vmem>>) offsets(%dma_start3A_27 : memref<128xi32, #tpu.memory_space<vmem>>) semaphore(%arg12 : memref<!tpu.dma_semaphore, #tpu.memory_space<semaphore_mem>>)
      %dma_wait3A = arith.constant 0 : i32
      %dma_wait3A_31 = tpu.memref_slice %arg7[%mul3A_17, %dma_wait3A] : memref<40x128xi32, #tpu.memory_space<vmem>> -> memref<1x128xi32, #tpu.memory_space<vmem>>
      %dma_wait3A_32 = tpu.memref_squeeze %dma_wait3A_31 : memref<1x128xi32, #tpu.memory_space<vmem>> -> memref<128xi32, #tpu.memory_space<vmem>>
      %dma_wait3A_33 = arith.constant 0 : i32
      %dma_wait3A_34 = arith.constant 0 : i32
      %dma_wait3A_35 = tpu.memref_slice %arg2[%dma_wait3A_33, %dma_wait3A_34] : memref<10112x128xf32, #tpu.memory_space<hbm>> -> memref<10112x128xf32, #tpu.memory_space<hbm>>
      tpu.wait_indirect_dma semaphore(%arg12 : memref<!tpu.dma_semaphore, #tpu.memory_space<semaphore_mem>>) src(%dma_wait3A_35 : memref<10112x128xf32, #tpu.memory_space<hbm>>) dst(%arg9 : memref<128x128xf32, #tpu.memory_space<vmem>>)
      "tpu.region"() ({
        %run_scoped3A = tpu.sem_alloc : memref<!tpu.dma_semaphore, #tpu.memory_space<semaphore_mem>>
        %dma_start3A_44 = arith.constant 0 : i32
        %dma_start3A_45 = tpu.memref_slice %arg8[%mul3A_17, %dma_start3A_44] : memref<40x128xi32, #tpu.memory_space<vmem>> -> memref<1x128xi32, #tpu.memory_space<vmem>>
        %dma_start3A_46 = tpu.memref_squeeze %dma_start3A_45 : memref<1x128xi32, #tpu.memory_space<vmem>> -> memref<128xi32, #tpu.memory_space<vmem>>
        %dma_start3A_47 = arith.constant 0 : i32
        %dma_start3A_48 = arith.constant 0 : i32
        %dma_start3A_49 = tpu.memref_slice %arg11[%dma_start3A_47, %dma_start3A_48] : memref<10112x128xf32, #tpu.memory_space<vmem_shared>> -> memref<10112x128xf32, #tpu.memory_space<vmem_shared>>
        tpu.enqueue_indirect_dma source(%arg9 : memref<128x128xf32, #tpu.memory_space<vmem>>) target(%dma_start3A_49 : memref<10112x128xf32, #tpu.memory_space<vmem_shared>>) offsets(%dma_start3A_46 : memref<128xi32, #tpu.memory_space<vmem>>) semaphore(%run_scoped3A : memref<!tpu.dma_semaphore, #tpu.memory_space<semaphore_mem>>) {add = true}
        %dma_wait3A_50 = arith.constant 0 : i32
        %dma_wait3A_51 = tpu.memref_slice %arg8[%mul3A_17, %dma_wait3A_50] : memref<40x128xi32, #tpu.memory_space<vmem>> -> memref<1x128xi32, #tpu.memory_space<vmem>>
        %dma_wait3A_52 = tpu.memref_squeeze %dma_wait3A_51 : memref<1x128xi32, #tpu.memory_space<vmem>> -> memref<128xi32, #tpu.memory_space<vmem>>
        %dma_wait3A_53 = arith.constant 0 : i32
        %dma_wait3A_54 = arith.constant 0 : i32
        %dma_wait3A_55 = tpu.memref_slice %arg11[%dma_wait3A_53, %dma_wait3A_54] : memref<10112x128xf32, #tpu.memory_space<vmem_shared>> -> memref<10112x128xf32, #tpu.memory_space<vmem_shared>>
        tpu.wait_indirect_dma semaphore(%run_scoped3A : memref<!tpu.dma_semaphore, #tpu.memory_space<semaphore_mem>>) src(%arg9 : memref<128x128xf32, #tpu.memory_space<vmem>>) dst(%dma_wait3A_55 : memref<10112x128xf32, #tpu.memory_space<vmem_shared>>)
        tpu.yield
      }) : () -> ()
      %dma_wait3A_36 = arith.constant 0 : i32
      %dma_wait3A_37 = tpu.memref_slice %arg7[%add3A_24, %dma_wait3A_36] : memref<40x128xi32, #tpu.memory_space<vmem>> -> memref<1x128xi32, #tpu.memory_space<vmem>>
      %dma_wait3A_38 = tpu.memref_squeeze %dma_wait3A_37 : memref<1x128xi32, #tpu.memory_space<vmem>> -> memref<128xi32, #tpu.memory_space<vmem>>
      %dma_wait3A_39 = arith.constant 0 : i32
      %dma_wait3A_40 = arith.constant 0 : i32
      %dma_wait3A_41 = tpu.memref_slice %arg2[%dma_wait3A_39, %dma_wait3A_40] : memref<10112x128xf32, #tpu.memory_space<hbm>> -> memref<10112x128xf32, #tpu.memory_space<hbm>>
      tpu.wait_indirect_dma semaphore(%arg12 : memref<!tpu.dma_semaphore, #tpu.memory_space<semaphore_mem>>) src(%dma_wait3A_41 : memref<10112x128xf32, #tpu.memory_space<hbm>>) dst(%arg10 : memref<128x128xf32, #tpu.memory_space<vmem>>)
      %add3A_42 = arith.constant 1 : i32
      %add3A_43 = arith.addi %mul3A_17, %add3A_42 : i32
      "tpu.region"() ({
        %run_scoped3A = tpu.sem_alloc : memref<!tpu.dma_semaphore, #tpu.memory_space<semaphore_mem>>
        %dma_start3A_44 = arith.constant 0 : i32
        %dma_start3A_45 = tpu.memref_slice %arg8[%add3A_43, %dma_start3A_44] : memref<40x128xi32, #tpu.memory_space<vmem>> -> memref<1x128xi32, #tpu.memory_space<vmem>>
        %dma_start3A_46 = tpu.memref_squeeze %dma_start3A_45 : memref<1x128xi32, #tpu.memory_space<vmem>> -> memref<128xi32, #tpu.memory_space<vmem>>
        %dma_start3A_47 = arith.constant 0 : i32
        %dma_start3A_48 = arith.constant 0 : i32
        %dma_start3A_49 = tpu.memref_slice %arg11[%dma_start3A_47, %dma_start3A_48] : memref<10112x128xf32, #tpu.memory_space<vmem_shared>> -> memref<10112x128xf32, #tpu.memory_space<vmem_shared>>
        tpu.enqueue_indirect_dma source(%arg10 : memref<128x128xf32, #tpu.memory_space<vmem>>) target(%dma_start3A_49 : memref<10112x128xf32, #tpu.memory_space<vmem_shared>>) offsets(%dma_start3A_46 : memref<128xi32, #tpu.memory_space<vmem>>) semaphore(%run_scoped3A : memref<!tpu.dma_semaphore, #tpu.memory_space<semaphore_mem>>) {add = true}
        %dma_wait3A_50 = arith.constant 0 : i32
        %dma_wait3A_51 = tpu.memref_slice %arg8[%add3A_43, %dma_wait3A_50] : memref<40x128xi32, #tpu.memory_space<vmem>> -> memref<1x128xi32, #tpu.memory_space<vmem>>
        %dma_wait3A_52 = tpu.memref_squeeze %dma_wait3A_51 : memref<1x128xi32, #tpu.memory_space<vmem>> -> memref<128xi32, #tpu.memory_space<vmem>>
        %dma_wait3A_53 = arith.constant 0 : i32
        %dma_wait3A_54 = arith.constant 0 : i32
        %dma_wait3A_55 = tpu.memref_slice %arg11[%dma_wait3A_53, %dma_wait3A_54] : memref<10112x128xf32, #tpu.memory_space<vmem_shared>> -> memref<10112x128xf32, #tpu.memory_space<vmem_shared>>
        tpu.wait_indirect_dma semaphore(%run_scoped3A : memref<!tpu.dma_semaphore, #tpu.memory_space<semaphore_mem>>) src(%arg10 : memref<128x128xf32, #tpu.memory_space<vmem>>) dst(%dma_wait3A_55 : memref<10112x128xf32, #tpu.memory_space<vmem_shared>>)
        tpu.yield
      }) : () -> ()
    }
    %scan3A_7 = arith.constant 20 : i32
    "tpu.region"() ({
      %run_scoped3A = tpu.sem_alloc : memref<!tpu.dma_semaphore, #tpu.memory_space<semaphore_mem>>
      %dma_start3A = arith.constant 40 : i32
      %dma_start3A_15 = arith.constant 0 : i32
      %dma_start3A_16 = tpu.memref_slice %arg3[%add3A, %dma_start3A, %dma_start3A_15] : memref<32x80x128xi32, #tpu.memory_space<hbm>> -> memref<1x40x128xi32, #tpu.memory_space<hbm>>
      %dma_start3A_17 = tpu.memref_squeeze %dma_start3A_16 : memref<1x40x128xi32, #tpu.memory_space<hbm>> -> memref<40x128xi32, #tpu.memory_space<hbm>>
      %dma_start3A_18 = arith.constant 40 : i32
      %dma_start3A_19 = arith.constant 0 : i32
      %dma_start3A_20 = tpu.memref_slice %arg3[%add3A, %dma_start3A_18, %dma_start3A_19] : memref<32x80x128xi32, #tpu.memory_space<hbm>> -> memref<1x40x128xi32, #tpu.memory_space<hbm>>
      %dma_start3A_21 = tpu.memref_squeeze %dma_start3A_20 : memref<1x40x128xi32, #tpu.memory_space<hbm>> -> memref<40x128xi32, #tpu.memory_space<hbm>>
      tpu.enqueue_dma source(%dma_start3A_21 : memref<40x128xi32, #tpu.memory_space<hbm>>) target(%arg7 : memref<40x128xi32, #tpu.memory_space<vmem>>) target_semaphore(%run_scoped3A : memref<!tpu.dma_semaphore, #tpu.memory_space<semaphore_mem>>)
      %dma_wait3A = arith.constant 40 : i32
      %dma_wait3A_22 = arith.constant 0 : i32
      %dma_wait3A_23 = tpu.memref_slice %arg3[%add3A, %dma_wait3A, %dma_wait3A_22] : memref<32x80x128xi32, #tpu.memory_space<hbm>> -> memref<1x40x128xi32, #tpu.memory_space<hbm>>
      %dma_wait3A_24 = tpu.memref_squeeze %dma_wait3A_23 : memref<1x40x128xi32, #tpu.memory_space<hbm>> -> memref<40x128xi32, #tpu.memory_space<hbm>>
      %dma_wait3A_25 = arith.constant 40 : i32
      %dma_wait3A_26 = arith.constant 0 : i32
      %dma_wait3A_27 = tpu.memref_slice %arg3[%add3A, %dma_wait3A_25, %dma_wait3A_26] : memref<32x80x128xi32, #tpu.memory_space<hbm>> -> memref<1x40x128xi32, #tpu.memory_space<hbm>>
      %dma_wait3A_28 = tpu.memref_squeeze %dma_wait3A_27 : memref<1x40x128xi32, #tpu.memory_space<hbm>> -> memref<40x128xi32, #tpu.memory_space<hbm>>
      tpu.wait_dma2 semaphore(%run_scoped3A : memref<!tpu.dma_semaphore, #tpu.memory_space<semaphore_mem>>) src(%dma_wait3A_28 : memref<40x128xi32, #tpu.memory_space<hbm>>) dst(%arg7 : memref<40x128xi32, #tpu.memory_space<vmem>>)
      tpu.yield
    }) : () -> ()
    "tpu.region"() ({
      %run_scoped3A = tpu.sem_alloc : memref<!tpu.dma_semaphore, #tpu.memory_space<semaphore_mem>>
      %dma_start3A = arith.constant 40 : i32
      %dma_start3A_15 = arith.constant 0 : i32
      %dma_start3A_16 = tpu.memref_slice %arg4[%add3A, %dma_start3A, %dma_start3A_15] : memref<32x80x128xi32, #tpu.memory_space<hbm>> -> memref<1x40x128xi32, #tpu.memory_space<hbm>>
      %dma_start3A_17 = tpu.memref_squeeze %dma_start3A_16 : memref<1x40x128xi32, #tpu.memory_space<hbm>> -> memref<40x128xi32, #tpu.memory_space<hbm>>
      %dma_start3A_18 = arith.constant 40 : i32
      %dma_start3A_19 = arith.constant 0 : i32
      %dma_start3A_20 = tpu.memref_slice %arg4[%add3A, %dma_start3A_18, %dma_start3A_19] : memref<32x80x128xi32, #tpu.memory_space<hbm>> -> memref<1x40x128xi32, #tpu.memory_space<hbm>>
      %dma_start3A_21 = tpu.memref_squeeze %dma_start3A_20 : memref<1x40x128xi32, #tpu.memory_space<hbm>> -> memref<40x128xi32, #tpu.memory_space<hbm>>
      tpu.enqueue_dma source(%dma_start3A_21 : memref<40x128xi32, #tpu.memory_space<hbm>>) target(%arg8 : memref<40x128xi32, #tpu.memory_space<vmem>>) target_semaphore(%run_scoped3A : memref<!tpu.dma_semaphore, #tpu.memory_space<semaphore_mem>>)
      %dma_wait3A = arith.constant 40 : i32
      %dma_wait3A_22 = arith.constant 0 : i32
      %dma_wait3A_23 = tpu.memref_slice %arg4[%add3A, %dma_wait3A, %dma_wait3A_22] : memref<32x80x128xi32, #tpu.memory_space<hbm>> -> memref<1x40x128xi32, #tpu.memory_space<hbm>>
      %dma_wait3A_24 = tpu.memref_squeeze %dma_wait3A_23 : memref<1x40x128xi32, #tpu.memory_space<hbm>> -> memref<40x128xi32, #tpu.memory_space<hbm>>
      %dma_wait3A_25 = arith.constant 40 : i32
      %dma_wait3A_26 = arith.constant 0 : i32
      %dma_wait3A_27 = tpu.memref_slice %arg4[%add3A, %dma_wait3A_25, %dma_wait3A_26] : memref<32x80x128xi32, #tpu.memory_space<hbm>> -> memref<1x40x128xi32, #tpu.memory_space<hbm>>
      %dma_wait3A_28 = tpu.memref_squeeze %dma_wait3A_27 : memref<1x40x128xi32, #tpu.memory_space<hbm>> -> memref<40x128xi32, #tpu.memory_space<hbm>>
      tpu.wait_dma2 semaphore(%run_scoped3A : memref<!tpu.dma_semaphore, #tpu.memory_space<semaphore_mem>>) src(%dma_wait3A_28 : memref<40x128xi32, #tpu.memory_space<hbm>>) dst(%arg8 : memref<40x128xi32, #tpu.memory_space<vmem>>)
      tpu.yield
    }) : () -> ()
    %scan3A_8 = arith.constant 0 : i32
    %scan3A_9 = arith.constant 0 : i32
    %scan3A_10 = arith.constant 20 : i32
    %scan3A_11 = arith.addi %scan3A_9, %scan3A_10 : i32
    %scan3A_12 = arith.constant 1 : i32
    scf.for %scan3A_15 = %scan3A_9 to %scan3A_11 step %scan3A_12  : i32 {
      %mul3A_16 = arith.constant 2 : i32
      %mul3A_17 = arith.muli %mul3A_16, %scan3A_15 : i32
      %dma_start3A = arith.constant 0 : i32
      %dma_start3A_18 = tpu.memref_slice %arg7[%mul3A_17, %dma_start3A] : memref<40x128xi32, #tpu.memory_space<vmem>> -> memref<1x128xi32, #tpu.memory_space<vmem>>
      %dma_start3A_19 = tpu.memref_squeeze %dma_start3A_18 : memref<1x128xi32, #tpu.memory_space<vmem>> -> memref<128xi32, #tpu.memory_space<vmem>>
      %dma_start3A_20 = arith.constant 0 : i32
      %dma_start3A_21 = arith.constant 0 : i32
      %dma_start3A_22 = tpu.memref_slice %arg2[%dma_start3A_20, %dma_start3A_21] : memref<10112x128xf32, #tpu.memory_space<hbm>> -> memref<10112x128xf32, #tpu.memory_space<hbm>>
      tpu.enqueue_indirect_dma source(%dma_start3A_22 : memref<10112x128xf32, #tpu.memory_space<hbm>>) target(%arg9 : memref<128x128xf32, #tpu.memory_space<vmem>>) offsets(%dma_start3A_19 : memref<128xi32, #tpu.memory_space<vmem>>) semaphore(%arg12 : memref<!tpu.dma_semaphore, #tpu.memory_space<semaphore_mem>>)
      %add3A_23 = arith.constant 1 : i32
      %add3A_24 = arith.addi %mul3A_17, %add3A_23 : i32
      %dma_start3A_25 = arith.constant 0 : i32
      %dma_start3A_26 = tpu.memref_slice %arg7[%add3A_24, %dma_start3A_25] : memref<40x128xi32, #tpu.memory_space<vmem>> -> memref<1x128xi32, #tpu.memory_space<vmem>>
      %dma_start3A_27 = tpu.memref_squeeze %dma_start3A_26 : memref<1x128xi32, #tpu.memory_space<vmem>> -> memref<128xi32, #tpu.memory_space<vmem>>
      %dma_start3A_28 = arith.constant 0 : i32
      %dma_start3A_29 = arith.constant 0 : i32
      %dma_start3A_30 = tpu.memref_slice %arg2[%dma_start3A_28, %dma_start3A_29] : memref<10112x128xf32, #tpu.memory_space<hbm>> -> memref<10112x128xf32, #tpu.memory_space<hbm>>
      tpu.enqueue_indirect_dma source(%dma_start3A_30 : memref<10112x128xf32, #tpu.memory_space<hbm>>) target(%arg10 : memref<128x128xf32, #tpu.memory_space<vmem>>) offsets(%dma_start3A_27 : memref<128xi32, #tpu.memory_space<vmem>>) semaphore(%arg12 : memref<!tpu.dma_semaphore, #tpu.memory_space<semaphore_mem>>)
      %dma_wait3A = arith.constant 0 : i32
      %dma_wait3A_31 = tpu.memref_slice %arg7[%mul3A_17, %dma_wait3A] : memref<40x128xi32, #tpu.memory_space<vmem>> -> memref<1x128xi32, #tpu.memory_space<vmem>>
      %dma_wait3A_32 = tpu.memref_squeeze %dma_wait3A_31 : memref<1x128xi32, #tpu.memory_space<vmem>> -> memref<128xi32, #tpu.memory_space<vmem>>
      %dma_wait3A_33 = arith.constant 0 : i32
      %dma_wait3A_34 = arith.constant 0 : i32
      %dma_wait3A_35 = tpu.memref_slice %arg2[%dma_wait3A_33, %dma_wait3A_34] : memref<10112x128xf32, #tpu.memory_space<hbm>> -> memref<10112x128xf32, #tpu.memory_space<hbm>>
      tpu.wait_indirect_dma semaphore(%arg12 : memref<!tpu.dma_semaphore, #tpu.memory_space<semaphore_mem>>) src(%dma_wait3A_35 : memref<10112x128xf32, #tpu.memory_space<hbm>>) dst(%arg9 : memref<128x128xf32, #tpu.memory_space<vmem>>)
      "tpu.region"() ({
        %run_scoped3A = tpu.sem_alloc : memref<!tpu.dma_semaphore, #tpu.memory_space<semaphore_mem>>
        %dma_start3A_44 = arith.constant 0 : i32
        %dma_start3A_45 = tpu.memref_slice %arg8[%mul3A_17, %dma_start3A_44] : memref<40x128xi32, #tpu.memory_space<vmem>> -> memref<1x128xi32, #tpu.memory_space<vmem>>
        %dma_start3A_46 = tpu.memref_squeeze %dma_start3A_45 : memref<1x128xi32, #tpu.memory_space<vmem>> -> memref<128xi32, #tpu.memory_space<vmem>>
        %dma_start3A_47 = arith.constant 0 : i32
        %dma_start3A_48 = arith.constant 0 : i32
        %dma_start3A_49 = tpu.memref_slice %arg11[%dma_start3A_47, %dma_start3A_48] : memref<10112x128xf32, #tpu.memory_space<vmem_shared>> -> memref<10112x128xf32, #tpu.memory_space<vmem_shared>>
        tpu.enqueue_indirect_dma source(%arg9 : memref<128x128xf32, #tpu.memory_space<vmem>>) target(%dma_start3A_49 : memref<10112x128xf32, #tpu.memory_space<vmem_shared>>) offsets(%dma_start3A_46 : memref<128xi32, #tpu.memory_space<vmem>>) semaphore(%run_scoped3A : memref<!tpu.dma_semaphore, #tpu.memory_space<semaphore_mem>>) {add = true}
        %dma_wait3A_50 = arith.constant 0 : i32
        %dma_wait3A_51 = tpu.memref_slice %arg8[%mul3A_17, %dma_wait3A_50] : memref<40x128xi32, #tpu.memory_space<vmem>> -> memref<1x128xi32, #tpu.memory_space<vmem>>
        %dma_wait3A_52 = tpu.memref_squeeze %dma_wait3A_51 : memref<1x128xi32, #tpu.memory_space<vmem>> -> memref<128xi32, #tpu.memory_space<vmem>>
        %dma_wait3A_53 = arith.constant 0 : i32
        %dma_wait3A_54 = arith.constant 0 : i32
        %dma_wait3A_55 = tpu.memref_slice %arg11[%dma_wait3A_53, %dma_wait3A_54] : memref<10112x128xf32, #tpu.memory_space<vmem_shared>> -> memref<10112x128xf32, #tpu.memory_space<vmem_shared>>
        tpu.wait_indirect_dma semaphore(%run_scoped3A : memref<!tpu.dma_semaphore, #tpu.memory_space<semaphore_mem>>) src(%arg9 : memref<128x128xf32, #tpu.memory_space<vmem>>) dst(%dma_wait3A_55 : memref<10112x128xf32, #tpu.memory_space<vmem_shared>>)
        tpu.yield
      }) : () -> ()
      %dma_wait3A_36 = arith.constant 0 : i32
      %dma_wait3A_37 = tpu.memref_slice %arg7[%add3A_24, %dma_wait3A_36] : memref<40x128xi32, #tpu.memory_space<vmem>> -> memref<1x128xi32, #tpu.memory_space<vmem>>
      %dma_wait3A_38 = tpu.memref_squeeze %dma_wait3A_37 : memref<1x128xi32, #tpu.memory_space<vmem>> -> memref<128xi32, #tpu.memory_space<vmem>>
      %dma_wait3A_39 = arith.constant 0 : i32
      %dma_wait3A_40 = arith.constant 0 : i32
      %dma_wait3A_41 = tpu.memref_slice %arg2[%dma_wait3A_39, %dma_wait3A_40] : memref<10112x128xf32, #tpu.memory_space<hbm>> -> memref<10112x128xf32, #tpu.memory_space<hbm>>
      tpu.wait_indirect_dma semaphore(%arg12 : memref<!tpu.dma_semaphore, #tpu.memory_space<semaphore_mem>>) src(%dma_wait3A_41 : memref<10112x128xf32, #tpu.memory_space<hbm>>) dst(%arg10 : memref<128x128xf32, #tpu.memory_space<vmem>>)
      %add3A_42 = arith.constant 1 : i32
      %add3A_43 = arith.addi %mul3A_17, %add3A_42 : i32
      "tpu.region"() ({
        %run_scoped3A = tpu.sem_alloc : memref<!tpu.dma_semaphore, #tpu.memory_space<semaphore_mem>>
        %dma_start3A_44 = arith.constant 0 : i32
        %dma_start3A_45 = tpu.memref_slice %arg8[%add3A_43, %dma_start3A_44] : memref<40x128xi32, #tpu.memory_space<vmem>> -> memref<1x128xi32, #tpu.memory_space<vmem>>
        %dma_start3A_46 = tpu.memref_squeeze %dma_start3A_45 : memref<1x128xi32, #tpu.memory_space<vmem>> -> memref<128xi32, #tpu.memory_space<vmem>>
        %dma_start3A_47 = arith.constant 0 : i32
        %dma_start3A_48 = arith.constant 0 : i32
        %dma_start3A_49 = tpu.memref_slice %arg11[%dma_start3A_47, %dma_start3A_48] : memref<10112x128xf32, #tpu.memory_space<vmem_shared>> -> memref<10112x128xf32, #tpu.memory_space<vmem_shared>>
        tpu.enqueue_indirect_dma source(%arg10 : memref<128x128xf32, #tpu.memory_space<vmem>>) target(%dma_start3A_49 : memref<10112x128xf32, #tpu.memory_space<vmem_shared>>) offsets(%dma_start3A_46 : memref<128xi32, #tpu.memory_space<vmem>>) semaphore(%run_scoped3A : memref<!tpu.dma_semaphore, #tpu.memory_space<semaphore_mem>>) {add = true}
        %dma_wait3A_50 = arith.constant 0 : i32
        %dma_wait3A_51 = tpu.memref_slice %arg8[%add3A_43, %dma_wait3A_50] : memref<40x128xi32, #tpu.memory_space<vmem>> -> memref<1x128xi32, #tpu.memory_space<vmem>>
        %dma_wait3A_52 = tpu.memref_squeeze %dma_wait3A_51 : memref<1x128xi32, #tpu.memory_space<vmem>> -> memref<128xi32, #tpu.memory_space<vmem>>
        %dma_wait3A_53 = arith.constant 0 : i32
        %dma_wait3A_54 = arith.constant 0 : i32
        %dma_wait3A_55 = tpu.memref_slice %arg11[%dma_wait3A_53, %dma_wait3A_54] : memref<10112x128xf32, #tpu.memory_space<vmem_shared>> -> memref<10112x128xf32, #tpu.memory_space<vmem_shared>>
        tpu.wait_indirect_dma semaphore(%run_scoped3A : memref<!tpu.dma_semaphore, #tpu.memory_space<semaphore_mem>>) src(%arg10 : memref<128x128xf32, #tpu.memory_space<vmem>>) dst(%dma_wait3A_55 : memref<10112x128xf32, #tpu.memory_space<vmem_shared>>)
        tpu.yield
      }) : () -> ()
    }
    %scan3A_13 = arith.constant 20 : i32
    %barrier3A_14 = arith.constant 0 : index
    tpu.barrier barrier_id(%barrier3A_14)
    "tpu.region"() ({
      %run_scoped3A = tpu.sem_alloc : memref<!tpu.dma_semaphore, #tpu.memory_space<semaphore_mem>>
      %dma_start3A = arith.constant 0 : i32
      %dma_start3A_15 = tpu.memref_slice %arg6[%arg0, %mul3A_2, %dma_start3A] : memref<2x10112x128xf32, #tpu.memory_space<hbm>> -> memref<1x632x128xf32, #tpu.memory_space<hbm>>
      %dma_start3A_16 = tpu.memref_squeeze %dma_start3A_15 : memref<1x632x128xf32, #tpu.memory_space<hbm>> -> memref<632x128xf32, #tpu.memory_space<hbm>>
      %dma_start3A_17 = arith.constant 0 : i32
      %dma_start3A_18 = tpu.memref_slice %arg11[%mul3A_2, %dma_start3A_17] : memref<10112x128xf32, #tpu.memory_space<vmem_shared>> -> memref<632x128xf32, #tpu.memory_space<vmem_shared>>
      tpu.enqueue_dma source(%dma_start3A_18 : memref<632x128xf32, #tpu.memory_space<vmem_shared>>) target(%dma_start3A_16 : memref<632x128xf32, #tpu.memory_space<hbm>>) target_semaphore(%run_scoped3A : memref<!tpu.dma_semaphore, #tpu.memory_space<semaphore_mem>>)
      %dma_wait3A = arith.constant 0 : i32
      %dma_wait3A_19 = tpu.memref_slice %arg6[%arg0, %mul3A_2, %dma_wait3A] : memref<2x10112x128xf32, #tpu.memory_space<hbm>> -> memref<1x632x128xf32, #tpu.memory_space<hbm>>
      %dma_wait3A_20 = tpu.memref_squeeze %dma_wait3A_19 : memref<1x632x128xf32, #tpu.memory_space<hbm>> -> memref<632x128xf32, #tpu.memory_space<hbm>>
      %dma_wait3A_21 = arith.constant 0 : i32
      %dma_wait3A_22 = tpu.memref_slice %arg11[%mul3A_2, %dma_wait3A_21] : memref<10112x128xf32, #tpu.memory_space<vmem_shared>> -> memref<632x128xf32, #tpu.memory_space<vmem_shared>>
      tpu.wait_dma2 semaphore(%run_scoped3A : memref<!tpu.dma_semaphore, #tpu.memory_space<semaphore_mem>>) src(%dma_wait3A_22 : memref<632x128xf32, #tpu.memory_space<vmem_shared>>) dst(%dma_wait3A_20 : memref<632x128xf32, #tpu.memory_space<hbm>>)
      tpu.yield
    }) : () -> ()
    return
  }
}

#map = affine_map<(d0, d1) -> (0, 0)>
#map1 = affine_map<(d0, d1) -> (0, 0, 0)>
module attributes {stable_mosaic.version = 14 : i64} {
  func.func @_agg_kernel(%arg0: i32, %arg1: i32, %arg2: memref<10112x128xf32, #tpu.memory_space<hbm>>, %arg3: memref<32x80x128xi32, #tpu.memory_space<hbm>>, %arg4: memref<32x80x128xi32, #tpu.memory_space<hbm>>, %arg5: memref<10112x128xf32, #tpu.memory_space<hbm>>, %arg6: memref<2x10112x128xf32, #tpu.memory_space<hbm>>, %arg7: memref<40x128xi32, #tpu.memory_space<vmem>>, %arg8: memref<40x128xi32, #tpu.memory_space<vmem>>, %arg9: memref<128x128xf32, #tpu.memory_space<vmem>>, %arg10: memref<128x128xf32, #tpu.memory_space<vmem>>, %arg11: memref<10112x128xf32, #tpu.memory_space<vmem_shared>>, %arg12: memref<!tpu.dma_semaphore, #tpu.memory_space<semaphore_mem>>) attributes {dimension_semantics = [#tpu.dimension_semantics<core_parallel>, #tpu.dimension_semantics<subcore_parallel>], iteration_bounds = array<i64: 2, 16>, scalar_prefetch = 0 : i64, scratch_operands = 6 : i64, tpu.core_type = #tpu.core_type<sc_vector_subcore>, window_params = [{transform_indices = #map}, {transform_indices = #map1}, {transform_indices = #map1}, {transform_indices = #map}, {transform_indices = #map1}]} {
    %mul3A = arith.constant 2 : i32
    %mul3A_0 = arith.muli %arg1, %mul3A : i32
    %add3A = arith.addi %mul3A_0, %arg0 : i32
    %mul3A_1 = arith.constant 632 : i32
    %mul3A_2 = arith.muli %arg1, %mul3A_1 : i32
    "tpu.region"() ({
      %run_scoped3A = tpu.sem_alloc : memref<!tpu.dma_semaphore, #tpu.memory_space<semaphore_mem>>
      %dma_start3A = arith.constant 0 : i32
      %dma_start3A_15 = tpu.memref_slice %arg11[%mul3A_2, %dma_start3A] : memref<10112x128xf32, #tpu.memory_space<vmem_shared>> -> memref<632x128xf32, #tpu.memory_space<vmem_shared>>
      %dma_start3A_16 = arith.constant 0 : i32
      %dma_start3A_17 = tpu.memref_slice %arg5[%mul3A_2, %dma_start3A_16] : memref<10112x128xf32, #tpu.memory_space<hbm>> -> memref<632x128xf32, #tpu.memory_space<hbm>>
      tpu.enqueue_dma source(%dma_start3A_17 : memref<632x128xf32, #tpu.memory_space<hbm>>) target(%dma_start3A_15 : memref<632x128xf32, #tpu.memory_space<vmem_shared>>) target_semaphore(%run_scoped3A : memref<!tpu.dma_semaphore, #tpu.memory_space<semaphore_mem>>)
      %dma_wait3A = arith.constant 0 : i32
      %dma_wait3A_18 = tpu.memref_slice %arg11[%mul3A_2, %dma_wait3A] : memref<10112x128xf32, #tpu.memory_space<vmem_shared>> -> memref<632x128xf32, #tpu.memory_space<vmem_shared>>
      %dma_wait3A_19 = arith.constant 0 : i32
      %dma_wait3A_20 = tpu.memref_slice %arg5[%mul3A_2, %dma_wait3A_19] : memref<10112x128xf32, #tpu.memory_space<hbm>> -> memref<632x128xf32, #tpu.memory_space<hbm>>
      tpu.wait_dma2 semaphore(%run_scoped3A : memref<!tpu.dma_semaphore, #tpu.memory_space<semaphore_mem>>) src(%dma_wait3A_20 : memref<632x128xf32, #tpu.memory_space<hbm>>) dst(%dma_wait3A_18 : memref<632x128xf32, #tpu.memory_space<vmem_shared>>)
      tpu.yield
    }) : () -> ()
    %barrier3A = arith.constant 0 : index
    tpu.barrier barrier_id(%barrier3A)
    "tpu.region"() ({
      %run_scoped3A = tpu.sem_alloc : memref<!tpu.dma_semaphore, #tpu.memory_space<semaphore_mem>>
      %dma_start3A = arith.constant 0 : i32
      %dma_start3A_15 = arith.constant 0 : i32
      %dma_start3A_16 = tpu.memref_slice %arg3[%add3A, %dma_start3A, %dma_start3A_15] : memref<32x80x128xi32, #tpu.memory_space<hbm>> -> memref<1x40x128xi32, #tpu.memory_space<hbm>>
      %dma_start3A_17 = tpu.memref_squeeze %dma_start3A_16 : memref<1x40x128xi32, #tpu.memory_space<hbm>> -> memref<40x128xi32, #tpu.memory_space<hbm>>
      %dma_start3A_18 = arith.constant 0 : i32
      %dma_start3A_19 = arith.constant 0 : i32
      %dma_start3A_20 = tpu.memref_slice %arg3[%add3A, %dma_start3A_18, %dma_start3A_19] : memref<32x80x128xi32, #tpu.memory_space<hbm>> -> memref<1x40x128xi32, #tpu.memory_space<hbm>>
      %dma_start3A_21 = tpu.memref_squeeze %dma_start3A_20 : memref<1x40x128xi32, #tpu.memory_space<hbm>> -> memref<40x128xi32, #tpu.memory_space<hbm>>
      tpu.enqueue_dma source(%dma_start3A_21 : memref<40x128xi32, #tpu.memory_space<hbm>>) target(%arg7 : memref<40x128xi32, #tpu.memory_space<vmem>>) target_semaphore(%run_scoped3A : memref<!tpu.dma_semaphore, #tpu.memory_space<semaphore_mem>>)
      %dma_wait3A = arith.constant 0 : i32
      %dma_wait3A_22 = arith.constant 0 : i32
      %dma_wait3A_23 = tpu.memref_slice %arg3[%add3A, %dma_wait3A, %dma_wait3A_22] : memref<32x80x128xi32, #tpu.memory_space<hbm>> -> memref<1x40x128xi32, #tpu.memory_space<hbm>>
      %dma_wait3A_24 = tpu.memref_squeeze %dma_wait3A_23 : memref<1x40x128xi32, #tpu.memory_space<hbm>> -> memref<40x128xi32, #tpu.memory_space<hbm>>
      %dma_wait3A_25 = arith.constant 0 : i32
      %dma_wait3A_26 = arith.constant 0 : i32
      %dma_wait3A_27 = tpu.memref_slice %arg3[%add3A, %dma_wait3A_25, %dma_wait3A_26] : memref<32x80x128xi32, #tpu.memory_space<hbm>> -> memref<1x40x128xi32, #tpu.memory_space<hbm>>
      %dma_wait3A_28 = tpu.memref_squeeze %dma_wait3A_27 : memref<1x40x128xi32, #tpu.memory_space<hbm>> -> memref<40x128xi32, #tpu.memory_space<hbm>>
      tpu.wait_dma2 semaphore(%run_scoped3A : memref<!tpu.dma_semaphore, #tpu.memory_space<semaphore_mem>>) src(%dma_wait3A_28 : memref<40x128xi32, #tpu.memory_space<hbm>>) dst(%arg7 : memref<40x128xi32, #tpu.memory_space<vmem>>)
      tpu.yield
    }) : () -> ()
    "tpu.region"() ({
      %run_scoped3A = tpu.sem_alloc : memref<!tpu.dma_semaphore, #tpu.memory_space<semaphore_mem>>
      %dma_start3A = arith.constant 0 : i32
      %dma_start3A_15 = arith.constant 0 : i32
      %dma_start3A_16 = tpu.memref_slice %arg4[%add3A, %dma_start3A, %dma_start3A_15] : memref<32x80x128xi32, #tpu.memory_space<hbm>> -> memref<1x40x128xi32, #tpu.memory_space<hbm>>
      %dma_start3A_17 = tpu.memref_squeeze %dma_start3A_16 : memref<1x40x128xi32, #tpu.memory_space<hbm>> -> memref<40x128xi32, #tpu.memory_space<hbm>>
      %dma_start3A_18 = arith.constant 0 : i32
      %dma_start3A_19 = arith.constant 0 : i32
      %dma_start3A_20 = tpu.memref_slice %arg4[%add3A, %dma_start3A_18, %dma_start3A_19] : memref<32x80x128xi32, #tpu.memory_space<hbm>> -> memref<1x40x128xi32, #tpu.memory_space<hbm>>
      %dma_start3A_21 = tpu.memref_squeeze %dma_start3A_20 : memref<1x40x128xi32, #tpu.memory_space<hbm>> -> memref<40x128xi32, #tpu.memory_space<hbm>>
      tpu.enqueue_dma source(%dma_start3A_21 : memref<40x128xi32, #tpu.memory_space<hbm>>) target(%arg8 : memref<40x128xi32, #tpu.memory_space<vmem>>) target_semaphore(%run_scoped3A : memref<!tpu.dma_semaphore, #tpu.memory_space<semaphore_mem>>)
      %dma_wait3A = arith.constant 0 : i32
      %dma_wait3A_22 = arith.constant 0 : i32
      %dma_wait3A_23 = tpu.memref_slice %arg4[%add3A, %dma_wait3A, %dma_wait3A_22] : memref<32x80x128xi32, #tpu.memory_space<hbm>> -> memref<1x40x128xi32, #tpu.memory_space<hbm>>
      %dma_wait3A_24 = tpu.memref_squeeze %dma_wait3A_23 : memref<1x40x128xi32, #tpu.memory_space<hbm>> -> memref<40x128xi32, #tpu.memory_space<hbm>>
      %dma_wait3A_25 = arith.constant 0 : i32
      %dma_wait3A_26 = arith.constant 0 : i32
      %dma_wait3A_27 = tpu.memref_slice %arg4[%add3A, %dma_wait3A_25, %dma_wait3A_26] : memref<32x80x128xi32, #tpu.memory_space<hbm>> -> memref<1x40x128xi32, #tpu.memory_space<hbm>>
      %dma_wait3A_28 = tpu.memref_squeeze %dma_wait3A_27 : memref<1x40x128xi32, #tpu.memory_space<hbm>> -> memref<40x128xi32, #tpu.memory_space<hbm>>
      tpu.wait_dma2 semaphore(%run_scoped3A : memref<!tpu.dma_semaphore, #tpu.memory_space<semaphore_mem>>) src(%dma_wait3A_28 : memref<40x128xi32, #tpu.memory_space<hbm>>) dst(%arg8 : memref<40x128xi32, #tpu.memory_space<vmem>>)
      tpu.yield
    }) : () -> ()
    %scan3A = arith.constant 0 : i32
    %scan3A_3 = arith.constant 0 : i32
    %scan3A_4 = arith.constant 20 : i32
    %scan3A_5 = arith.addi %scan3A_3, %scan3A_4 : i32
    %scan3A_6 = arith.constant 1 : i32
    scf.for %scan3A_15 = %scan3A_3 to %scan3A_5 step %scan3A_6  : i32 {
      %mul3A_16 = arith.constant 2 : i32
      %mul3A_17 = arith.muli %mul3A_16, %scan3A_15 : i32
      %dma_start3A = arith.constant 0 : i32
      %dma_start3A_18 = tpu.memref_slice %arg7[%mul3A_17, %dma_start3A] : memref<40x128xi32, #tpu.memory_space<vmem>> -> memref<1x128xi32, #tpu.memory_space<vmem>>
      %dma_start3A_19 = tpu.memref_squeeze %dma_start3A_18 : memref<1x128xi32, #tpu.memory_space<vmem>> -> memref<128xi32, #tpu.memory_space<vmem>>
      %dma_start3A_20 = arith.constant 0 : i32
      %dma_start3A_21 = arith.constant 0 : i32
      %dma_start3A_22 = tpu.memref_slice %arg2[%dma_start3A_20, %dma_start3A_21] : memref<10112x128xf32, #tpu.memory_space<hbm>> -> memref<10112x128xf32, #tpu.memory_space<hbm>>
      tpu.enqueue_indirect_dma source(%dma_start3A_22 : memref<10112x128xf32, #tpu.memory_space<hbm>>) target(%arg9 : memref<128x128xf32, #tpu.memory_space<vmem>>) offsets(%dma_start3A_19 : memref<128xi32, #tpu.memory_space<vmem>>) semaphore(%arg12 : memref<!tpu.dma_semaphore, #tpu.memory_space<semaphore_mem>>)
      %add3A_23 = arith.constant 1 : i32
      %add3A_24 = arith.addi %mul3A_17, %add3A_23 : i32
      %dma_start3A_25 = arith.constant 0 : i32
      %dma_start3A_26 = tpu.memref_slice %arg7[%add3A_24, %dma_start3A_25] : memref<40x128xi32, #tpu.memory_space<vmem>> -> memref<1x128xi32, #tpu.memory_space<vmem>>
      %dma_start3A_27 = tpu.memref_squeeze %dma_start3A_26 : memref<1x128xi32, #tpu.memory_space<vmem>> -> memref<128xi32, #tpu.memory_space<vmem>>
      %dma_start3A_28 = arith.constant 0 : i32
      %dma_start3A_29 = arith.constant 0 : i32
      %dma_start3A_30 = tpu.memref_slice %arg2[%dma_start3A_28, %dma_start3A_29] : memref<10112x128xf32, #tpu.memory_space<hbm>> -> memref<10112x128xf32, #tpu.memory_space<hbm>>
      tpu.enqueue_indirect_dma source(%dma_start3A_30 : memref<10112x128xf32, #tpu.memory_space<hbm>>) target(%arg10 : memref<128x128xf32, #tpu.memory_space<vmem>>) offsets(%dma_start3A_27 : memref<128xi32, #tpu.memory_space<vmem>>) semaphore(%arg12 : memref<!tpu.dma_semaphore, #tpu.memory_space<semaphore_mem>>)
      %dma_wait3A = arith.constant 0 : i32
      %dma_wait3A_31 = tpu.memref_slice %arg7[%mul3A_17, %dma_wait3A] : memref<40x128xi32, #tpu.memory_space<vmem>> -> memref<1x128xi32, #tpu.memory_space<vmem>>
      %dma_wait3A_32 = tpu.memref_squeeze %dma_wait3A_31 : memref<1x128xi32, #tpu.memory_space<vmem>> -> memref<128xi32, #tpu.memory_space<vmem>>
      %dma_wait3A_33 = arith.constant 0 : i32
      %dma_wait3A_34 = arith.constant 0 : i32
      %dma_wait3A_35 = tpu.memref_slice %arg2[%dma_wait3A_33, %dma_wait3A_34] : memref<10112x128xf32, #tpu.memory_space<hbm>> -> memref<10112x128xf32, #tpu.memory_space<hbm>>
      tpu.wait_indirect_dma semaphore(%arg12 : memref<!tpu.dma_semaphore, #tpu.memory_space<semaphore_mem>>) src(%dma_wait3A_35 : memref<10112x128xf32, #tpu.memory_space<hbm>>) dst(%arg9 : memref<128x128xf32, #tpu.memory_space<vmem>>)
      "tpu.region"() ({
        %run_scoped3A = tpu.sem_alloc : memref<!tpu.dma_semaphore, #tpu.memory_space<semaphore_mem>>
        %dma_start3A_44 = arith.constant 0 : i32
        %dma_start3A_45 = tpu.memref_slice %arg8[%mul3A_17, %dma_start3A_44] : memref<40x128xi32, #tpu.memory_space<vmem>> -> memref<1x128xi32, #tpu.memory_space<vmem>>
        %dma_start3A_46 = tpu.memref_squeeze %dma_start3A_45 : memref<1x128xi32, #tpu.memory_space<vmem>> -> memref<128xi32, #tpu.memory_space<vmem>>
        %dma_start3A_47 = arith.constant 0 : i32
        %dma_start3A_48 = arith.constant 0 : i32
        %dma_start3A_49 = tpu.memref_slice %arg11[%dma_start3A_47, %dma_start3A_48] : memref<10112x128xf32, #tpu.memory_space<vmem_shared>> -> memref<10112x128xf32, #tpu.memory_space<vmem_shared>>
        tpu.enqueue_indirect_dma source(%arg9 : memref<128x128xf32, #tpu.memory_space<vmem>>) target(%dma_start3A_49 : memref<10112x128xf32, #tpu.memory_space<vmem_shared>>) offsets(%dma_start3A_46 : memref<128xi32, #tpu.memory_space<vmem>>) semaphore(%run_scoped3A : memref<!tpu.dma_semaphore, #tpu.memory_space<semaphore_mem>>) {add = true}
        %dma_wait3A_50 = arith.constant 0 : i32
        %dma_wait3A_51 = tpu.memref_slice %arg8[%mul3A_17, %dma_wait3A_50] : memref<40x128xi32, #tpu.memory_space<vmem>> -> memref<1x128xi32, #tpu.memory_space<vmem>>
        %dma_wait3A_52 = tpu.memref_squeeze %dma_wait3A_51 : memref<1x128xi32, #tpu.memory_space<vmem>> -> memref<128xi32, #tpu.memory_space<vmem>>
        %dma_wait3A_53 = arith.constant 0 : i32
        %dma_wait3A_54 = arith.constant 0 : i32
        %dma_wait3A_55 = tpu.memref_slice %arg11[%dma_wait3A_53, %dma_wait3A_54] : memref<10112x128xf32, #tpu.memory_space<vmem_shared>> -> memref<10112x128xf32, #tpu.memory_space<vmem_shared>>
        tpu.wait_indirect_dma semaphore(%run_scoped3A : memref<!tpu.dma_semaphore, #tpu.memory_space<semaphore_mem>>) src(%arg9 : memref<128x128xf32, #tpu.memory_space<vmem>>) dst(%dma_wait3A_55 : memref<10112x128xf32, #tpu.memory_space<vmem_shared>>)
        tpu.yield
      }) : () -> ()
      %dma_wait3A_36 = arith.constant 0 : i32
      %dma_wait3A_37 = tpu.memref_slice %arg7[%add3A_24, %dma_wait3A_36] : memref<40x128xi32, #tpu.memory_space<vmem>> -> memref<1x128xi32, #tpu.memory_space<vmem>>
      %dma_wait3A_38 = tpu.memref_squeeze %dma_wait3A_37 : memref<1x128xi32, #tpu.memory_space<vmem>> -> memref<128xi32, #tpu.memory_space<vmem>>
      %dma_wait3A_39 = arith.constant 0 : i32
      %dma_wait3A_40 = arith.constant 0 : i32
      %dma_wait3A_41 = tpu.memref_slice %arg2[%dma_wait3A_39, %dma_wait3A_40] : memref<10112x128xf32, #tpu.memory_space<hbm>> -> memref<10112x128xf32, #tpu.memory_space<hbm>>
      tpu.wait_indirect_dma semaphore(%arg12 : memref<!tpu.dma_semaphore, #tpu.memory_space<semaphore_mem>>) src(%dma_wait3A_41 : memref<10112x128xf32, #tpu.memory_space<hbm>>) dst(%arg10 : memref<128x128xf32, #tpu.memory_space<vmem>>)
      %add3A_42 = arith.constant 1 : i32
      %add3A_43 = arith.addi %mul3A_17, %add3A_42 : i32
      "tpu.region"() ({
        %run_scoped3A = tpu.sem_alloc : memref<!tpu.dma_semaphore, #tpu.memory_space<semaphore_mem>>
        %dma_start3A_44 = arith.constant 0 : i32
        %dma_start3A_45 = tpu.memref_slice %arg8[%add3A_43, %dma_start3A_44] : memref<40x128xi32, #tpu.memory_space<vmem>> -> memref<1x128xi32, #tpu.memory_space<vmem>>
        %dma_start3A_46 = tpu.memref_squeeze %dma_start3A_45 : memref<1x128xi32, #tpu.memory_space<vmem>> -> memref<128xi32, #tpu.memory_space<vmem>>
        %dma_start3A_47 = arith.constant 0 : i32
        %dma_start3A_48 = arith.constant 0 : i32
        %dma_start3A_49 = tpu.memref_slice %arg11[%dma_start3A_47, %dma_start3A_48] : memref<10112x128xf32, #tpu.memory_space<vmem_shared>> -> memref<10112x128xf32, #tpu.memory_space<vmem_shared>>
        tpu.enqueue_indirect_dma source(%arg10 : memref<128x128xf32, #tpu.memory_space<vmem>>) target(%dma_start3A_49 : memref<10112x128xf32, #tpu.memory_space<vmem_shared>>) offsets(%dma_start3A_46 : memref<128xi32, #tpu.memory_space<vmem>>) semaphore(%run_scoped3A : memref<!tpu.dma_semaphore, #tpu.memory_space<semaphore_mem>>) {add = true}
        %dma_wait3A_50 = arith.constant 0 : i32
        %dma_wait3A_51 = tpu.memref_slice %arg8[%add3A_43, %dma_wait3A_50] : memref<40x128xi32, #tpu.memory_space<vmem>> -> memref<1x128xi32, #tpu.memory_space<vmem>>
        %dma_wait3A_52 = tpu.memref_squeeze %dma_wait3A_51 : memref<1x128xi32, #tpu.memory_space<vmem>> -> memref<128xi32, #tpu.memory_space<vmem>>
        %dma_wait3A_53 = arith.constant 0 : i32
        %dma_wait3A_54 = arith.constant 0 : i32
        %dma_wait3A_55 = tpu.memref_slice %arg11[%dma_wait3A_53, %dma_wait3A_54] : memref<10112x128xf32, #tpu.memory_space<vmem_shared>> -> memref<10112x128xf32, #tpu.memory_space<vmem_shared>>
        tpu.wait_indirect_dma semaphore(%run_scoped3A : memref<!tpu.dma_semaphore, #tpu.memory_space<semaphore_mem>>) src(%arg10 : memref<128x128xf32, #tpu.memory_space<vmem>>) dst(%dma_wait3A_55 : memref<10112x128xf32, #tpu.memory_space<vmem_shared>>)
        tpu.yield
      }) : () -> ()
    }
    %scan3A_7 = arith.constant 20 : i32
    "tpu.region"() ({
      %run_scoped3A = tpu.sem_alloc : memref<!tpu.dma_semaphore, #tpu.memory_space<semaphore_mem>>
      %dma_start3A = arith.constant 40 : i32
      %dma_start3A_15 = arith.constant 0 : i32
      %dma_start3A_16 = tpu.memref_slice %arg3[%add3A, %dma_start3A, %dma_start3A_15] : memref<32x80x128xi32, #tpu.memory_space<hbm>> -> memref<1x40x128xi32, #tpu.memory_space<hbm>>
      %dma_start3A_17 = tpu.memref_squeeze %dma_start3A_16 : memref<1x40x128xi32, #tpu.memory_space<hbm>> -> memref<40x128xi32, #tpu.memory_space<hbm>>
      %dma_start3A_18 = arith.constant 40 : i32
      %dma_start3A_19 = arith.constant 0 : i32
      %dma_start3A_20 = tpu.memref_slice %arg3[%add3A, %dma_start3A_18, %dma_start3A_19] : memref<32x80x128xi32, #tpu.memory_space<hbm>> -> memref<1x40x128xi32, #tpu.memory_space<hbm>>
      %dma_start3A_21 = tpu.memref_squeeze %dma_start3A_20 : memref<1x40x128xi32, #tpu.memory_space<hbm>> -> memref<40x128xi32, #tpu.memory_space<hbm>>
      tpu.enqueue_dma source(%dma_start3A_21 : memref<40x128xi32, #tpu.memory_space<hbm>>) target(%arg7 : memref<40x128xi32, #tpu.memory_space<vmem>>) target_semaphore(%run_scoped3A : memref<!tpu.dma_semaphore, #tpu.memory_space<semaphore_mem>>)
      %dma_wait3A = arith.constant 40 : i32
      %dma_wait3A_22 = arith.constant 0 : i32
      %dma_wait3A_23 = tpu.memref_slice %arg3[%add3A, %dma_wait3A, %dma_wait3A_22] : memref<32x80x128xi32, #tpu.memory_space<hbm>> -> memref<1x40x128xi32, #tpu.memory_space<hbm>>
      %dma_wait3A_24 = tpu.memref_squeeze %dma_wait3A_23 : memref<1x40x128xi32, #tpu.memory_space<hbm>> -> memref<40x128xi32, #tpu.memory_space<hbm>>
      %dma_wait3A_25 = arith.constant 40 : i32
      %dma_wait3A_26 = arith.constant 0 : i32
      %dma_wait3A_27 = tpu.memref_slice %arg3[%add3A, %dma_wait3A_25, %dma_wait3A_26] : memref<32x80x128xi32, #tpu.memory_space<hbm>> -> memref<1x40x128xi32, #tpu.memory_space<hbm>>
      %dma_wait3A_28 = tpu.memref_squeeze %dma_wait3A_27 : memref<1x40x128xi32, #tpu.memory_space<hbm>> -> memref<40x128xi32, #tpu.memory_space<hbm>>
      tpu.wait_dma2 semaphore(%run_scoped3A : memref<!tpu.dma_semaphore, #tpu.memory_space<semaphore_mem>>) src(%dma_wait3A_28 : memref<40x128xi32, #tpu.memory_space<hbm>>) dst(%arg7 : memref<40x128xi32, #tpu.memory_space<vmem>>)
      tpu.yield
    }) : () -> ()
    "tpu.region"() ({
      %run_scoped3A = tpu.sem_alloc : memref<!tpu.dma_semaphore, #tpu.memory_space<semaphore_mem>>
      %dma_start3A = arith.constant 40 : i32
      %dma_start3A_15 = arith.constant 0 : i32
      %dma_start3A_16 = tpu.memref_slice %arg4[%add3A, %dma_start3A, %dma_start3A_15] : memref<32x80x128xi32, #tpu.memory_space<hbm>> -> memref<1x40x128xi32, #tpu.memory_space<hbm>>
      %dma_start3A_17 = tpu.memref_squeeze %dma_start3A_16 : memref<1x40x128xi32, #tpu.memory_space<hbm>> -> memref<40x128xi32, #tpu.memory_space<hbm>>
      %dma_start3A_18 = arith.constant 40 : i32
      %dma_start3A_19 = arith.constant 0 : i32
      %dma_start3A_20 = tpu.memref_slice %arg4[%add3A, %dma_start3A_18, %dma_start3A_19] : memref<32x80x128xi32, #tpu.memory_space<hbm>> -> memref<1x40x128xi32, #tpu.memory_space<hbm>>
      %dma_start3A_21 = tpu.memref_squeeze %dma_start3A_20 : memref<1x40x128xi32, #tpu.memory_space<hbm>> -> memref<40x128xi32, #tpu.memory_space<hbm>>
      tpu.enqueue_dma source(%dma_start3A_21 : memref<40x128xi32, #tpu.memory_space<hbm>>) target(%arg8 : memref<40x128xi32, #tpu.memory_space<vmem>>) target_semaphore(%run_scoped3A : memref<!tpu.dma_semaphore, #tpu.memory_space<semaphore_mem>>)
      %dma_wait3A = arith.constant 40 : i32
      %dma_wait3A_22 = arith.constant 0 : i32
      %dma_wait3A_23 = tpu.memref_slice %arg4[%add3A, %dma_wait3A, %dma_wait3A_22] : memref<32x80x128xi32, #tpu.memory_space<hbm>> -> memref<1x40x128xi32, #tpu.memory_space<hbm>>
      %dma_wait3A_24 = tpu.memref_squeeze %dma_wait3A_23 : memref<1x40x128xi32, #tpu.memory_space<hbm>> -> memref<40x128xi32, #tpu.memory_space<hbm>>
      %dma_wait3A_25 = arith.constant 40 : i32
      %dma_wait3A_26 = arith.constant 0 : i32
      %dma_wait3A_27 = tpu.memref_slice %arg4[%add3A, %dma_wait3A_25, %dma_wait3A_26] : memref<32x80x128xi32, #tpu.memory_space<hbm>> -> memref<1x40x128xi32, #tpu.memory_space<hbm>>
      %dma_wait3A_28 = tpu.memref_squeeze %dma_wait3A_27 : memref<1x40x128xi32, #tpu.memory_space<hbm>> -> memref<40x128xi32, #tpu.memory_space<hbm>>
      tpu.wait_dma2 semaphore(%run_scoped3A : memref<!tpu.dma_semaphore, #tpu.memory_space<semaphore_mem>>) src(%dma_wait3A_28 : memref<40x128xi32, #tpu.memory_space<hbm>>) dst(%arg8 : memref<40x128xi32, #tpu.memory_space<vmem>>)
      tpu.yield
    }) : () -> ()
    %scan3A_8 = arith.constant 0 : i32
    %scan3A_9 = arith.constant 0 : i32
    %scan3A_10 = arith.constant 20 : i32
    %scan3A_11 = arith.addi %scan3A_9, %scan3A_10 : i32
    %scan3A_12 = arith.constant 1 : i32
    scf.for %scan3A_15 = %scan3A_9 to %scan3A_11 step %scan3A_12  : i32 {
      %mul3A_16 = arith.constant 2 : i32
      %mul3A_17 = arith.muli %mul3A_16, %scan3A_15 : i32
      %dma_start3A = arith.constant 0 : i32
      %dma_start3A_18 = tpu.memref_slice %arg7[%mul3A_17, %dma_start3A] : memref<40x128xi32, #tpu.memory_space<vmem>> -> memref<1x128xi32, #tpu.memory_space<vmem>>
      %dma_start3A_19 = tpu.memref_squeeze %dma_start3A_18 : memref<1x128xi32, #tpu.memory_space<vmem>> -> memref<128xi32, #tpu.memory_space<vmem>>
      %dma_start3A_20 = arith.constant 0 : i32
      %dma_start3A_21 = arith.constant 0 : i32
      %dma_start3A_22 = tpu.memref_slice %arg2[%dma_start3A_20, %dma_start3A_21] : memref<10112x128xf32, #tpu.memory_space<hbm>> -> memref<10112x128xf32, #tpu.memory_space<hbm>>
      tpu.enqueue_indirect_dma source(%dma_start3A_22 : memref<10112x128xf32, #tpu.memory_space<hbm>>) target(%arg9 : memref<128x128xf32, #tpu.memory_space<vmem>>) offsets(%dma_start3A_19 : memref<128xi32, #tpu.memory_space<vmem>>) semaphore(%arg12 : memref<!tpu.dma_semaphore, #tpu.memory_space<semaphore_mem>>)
      %add3A_23 = arith.constant 1 : i32
      %add3A_24 = arith.addi %mul3A_17, %add3A_23 : i32
      %dma_start3A_25 = arith.constant 0 : i32
      %dma_start3A_26 = tpu.memref_slice %arg7[%add3A_24, %dma_start3A_25] : memref<40x128xi32, #tpu.memory_space<vmem>> -> memref<1x128xi32, #tpu.memory_space<vmem>>
      %dma_start3A_27 = tpu.memref_squeeze %dma_start3A_26 : memref<1x128xi32, #tpu.memory_space<vmem>> -> memref<128xi32, #tpu.memory_space<vmem>>
      %dma_start3A_28 = arith.constant 0 : i32
      %dma_start3A_29 = arith.constant 0 : i32
      %dma_start3A_30 = tpu.memref_slice %arg2[%dma_start3A_28, %dma_start3A_29] : memref<10112x128xf32, #tpu.memory_space<hbm>> -> memref<10112x128xf32, #tpu.memory_space<hbm>>
      tpu.enqueue_indirect_dma source(%dma_start3A_30 : memref<10112x128xf32, #tpu.memory_space<hbm>>) target(%arg10 : memref<128x128xf32, #tpu.memory_space<vmem>>) offsets(%dma_start3A_27 : memref<128xi32, #tpu.memory_space<vmem>>) semaphore(%arg12 : memref<!tpu.dma_semaphore, #tpu.memory_space<semaphore_mem>>)
      %dma_wait3A = arith.constant 0 : i32
      %dma_wait3A_31 = tpu.memref_slice %arg7[%mul3A_17, %dma_wait3A] : memref<40x128xi32, #tpu.memory_space<vmem>> -> memref<1x128xi32, #tpu.memory_space<vmem>>
      %dma_wait3A_32 = tpu.memref_squeeze %dma_wait3A_31 : memref<1x128xi32, #tpu.memory_space<vmem>> -> memref<128xi32, #tpu.memory_space<vmem>>
      %dma_wait3A_33 = arith.constant 0 : i32
      %dma_wait3A_34 = arith.constant 0 : i32
      %dma_wait3A_35 = tpu.memref_slice %arg2[%dma_wait3A_33, %dma_wait3A_34] : memref<10112x128xf32, #tpu.memory_space<hbm>> -> memref<10112x128xf32, #tpu.memory_space<hbm>>
      tpu.wait_indirect_dma semaphore(%arg12 : memref<!tpu.dma_semaphore, #tpu.memory_space<semaphore_mem>>) src(%dma_wait3A_35 : memref<10112x128xf32, #tpu.memory_space<hbm>>) dst(%arg9 : memref<128x128xf32, #tpu.memory_space<vmem>>)
      "tpu.region"() ({
        %run_scoped3A = tpu.sem_alloc : memref<!tpu.dma_semaphore, #tpu.memory_space<semaphore_mem>>
        %dma_start3A_44 = arith.constant 0 : i32
        %dma_start3A_45 = tpu.memref_slice %arg8[%mul3A_17, %dma_start3A_44] : memref<40x128xi32, #tpu.memory_space<vmem>> -> memref<1x128xi32, #tpu.memory_space<vmem>>
        %dma_start3A_46 = tpu.memref_squeeze %dma_start3A_45 : memref<1x128xi32, #tpu.memory_space<vmem>> -> memref<128xi32, #tpu.memory_space<vmem>>
        %dma_start3A_47 = arith.constant 0 : i32
        %dma_start3A_48 = arith.constant 0 : i32
        %dma_start3A_49 = tpu.memref_slice %arg11[%dma_start3A_47, %dma_start3A_48] : memref<10112x128xf32, #tpu.memory_space<vmem_shared>> -> memref<10112x128xf32, #tpu.memory_space<vmem_shared>>
        tpu.enqueue_indirect_dma source(%arg9 : memref<128x128xf32, #tpu.memory_space<vmem>>) target(%dma_start3A_49 : memref<10112x128xf32, #tpu.memory_space<vmem_shared>>) offsets(%dma_start3A_46 : memref<128xi32, #tpu.memory_space<vmem>>) semaphore(%run_scoped3A : memref<!tpu.dma_semaphore, #tpu.memory_space<semaphore_mem>>) {add = true}
        %dma_wait3A_50 = arith.constant 0 : i32
        %dma_wait3A_51 = tpu.memref_slice %arg8[%mul3A_17, %dma_wait3A_50] : memref<40x128xi32, #tpu.memory_space<vmem>> -> memref<1x128xi32, #tpu.memory_space<vmem>>
        %dma_wait3A_52 = tpu.memref_squeeze %dma_wait3A_51 : memref<1x128xi32, #tpu.memory_space<vmem>> -> memref<128xi32, #tpu.memory_space<vmem>>
        %dma_wait3A_53 = arith.constant 0 : i32
        %dma_wait3A_54 = arith.constant 0 : i32
        %dma_wait3A_55 = tpu.memref_slice %arg11[%dma_wait3A_53, %dma_wait3A_54] : memref<10112x128xf32, #tpu.memory_space<vmem_shared>> -> memref<10112x128xf32, #tpu.memory_space<vmem_shared>>
        tpu.wait_indirect_dma semaphore(%run_scoped3A : memref<!tpu.dma_semaphore, #tpu.memory_space<semaphore_mem>>) src(%arg9 : memref<128x128xf32, #tpu.memory_space<vmem>>) dst(%dma_wait3A_55 : memref<10112x128xf32, #tpu.memory_space<vmem_shared>>)
        tpu.yield
      }) : () -> ()
      %dma_wait3A_36 = arith.constant 0 : i32
      %dma_wait3A_37 = tpu.memref_slice %arg7[%add3A_24, %dma_wait3A_36] : memref<40x128xi32, #tpu.memory_space<vmem>> -> memref<1x128xi32, #tpu.memory_space<vmem>>
      %dma_wait3A_38 = tpu.memref_squeeze %dma_wait3A_37 : memref<1x128xi32, #tpu.memory_space<vmem>> -> memref<128xi32, #tpu.memory_space<vmem>>
      %dma_wait3A_39 = arith.constant 0 : i32
      %dma_wait3A_40 = arith.constant 0 : i32
      %dma_wait3A_41 = tpu.memref_slice %arg2[%dma_wait3A_39, %dma_wait3A_40] : memref<10112x128xf32, #tpu.memory_space<hbm>> -> memref<10112x128xf32, #tpu.memory_space<hbm>>
      tpu.wait_indirect_dma semaphore(%arg12 : memref<!tpu.dma_semaphore, #tpu.memory_space<semaphore_mem>>) src(%dma_wait3A_41 : memref<10112x128xf32, #tpu.memory_space<hbm>>) dst(%arg10 : memref<128x128xf32, #tpu.memory_space<vmem>>)
      %add3A_42 = arith.constant 1 : i32
      %add3A_43 = arith.addi %mul3A_17, %add3A_42 : i32
      "tpu.region"() ({
        %run_scoped3A = tpu.sem_alloc : memref<!tpu.dma_semaphore, #tpu.memory_space<semaphore_mem>>
        %dma_start3A_44 = arith.constant 0 : i32
        %dma_start3A_45 = tpu.memref_slice %arg8[%add3A_43, %dma_start3A_44] : memref<40x128xi32, #tpu.memory_space<vmem>> -> memref<1x128xi32, #tpu.memory_space<vmem>>
        %dma_start3A_46 = tpu.memref_squeeze %dma_start3A_45 : memref<1x128xi32, #tpu.memory_space<vmem>> -> memref<128xi32, #tpu.memory_space<vmem>>
        %dma_start3A_47 = arith.constant 0 : i32
        %dma_start3A_48 = arith.constant 0 : i32
        %dma_start3A_49 = tpu.memref_slice %arg11[%dma_start3A_47, %dma_start3A_48] : memref<10112x128xf32, #tpu.memory_space<vmem_shared>> -> memref<10112x128xf32, #tpu.memory_space<vmem_shared>>
        tpu.enqueue_indirect_dma source(%arg10 : memref<128x128xf32, #tpu.memory_space<vmem>>) target(%dma_start3A_49 : memref<10112x128xf32, #tpu.memory_space<vmem_shared>>) offsets(%dma_start3A_46 : memref<128xi32, #tpu.memory_space<vmem>>) semaphore(%run_scoped3A : memref<!tpu.dma_semaphore, #tpu.memory_space<semaphore_mem>>) {add = true}
        %dma_wait3A_50 = arith.constant 0 : i32
        %dma_wait3A_51 = tpu.memref_slice %arg8[%add3A_43, %dma_wait3A_50] : memref<40x128xi32, #tpu.memory_space<vmem>> -> memref<1x128xi32, #tpu.memory_space<vmem>>
        %dma_wait3A_52 = tpu.memref_squeeze %dma_wait3A_51 : memref<1x128xi32, #tpu.memory_space<vmem>> -> memref<128xi32, #tpu.memory_space<vmem>>
        %dma_wait3A_53 = arith.constant 0 : i32
        %dma_wait3A_54 = arith.constant 0 : i32
        %dma_wait3A_55 = tpu.memref_slice %arg11[%dma_wait3A_53, %dma_wait3A_54] : memref<10112x128xf32, #tpu.memory_space<vmem_shared>> -> memref<10112x128xf32, #tpu.memory_space<vmem_shared>>
        tpu.wait_indirect_dma semaphore(%run_scoped3A : memref<!tpu.dma_semaphore, #tpu.memory_space<semaphore_mem>>) src(%arg10 : memref<128x128xf32, #tpu.memory_space<vmem>>) dst(%dma_wait3A_55 : memref<10112x128xf32, #tpu.memory_space<vmem_shared>>)
        tpu.yield
      }) : () -> ()
    }
    %scan3A_13 = arith.constant 20 : i32
    %barrier3A_14 = arith.constant 0 : index
    tpu.barrier barrier_id(%barrier3A_14)
    "tpu.region"() ({
      %run_scoped3A = tpu.sem_alloc : memref<!tpu.dma_semaphore, #tpu.memory_space<semaphore_mem>>
      %dma_start3A = arith.constant 0 : i32
      %dma_start3A_15 = tpu.memref_slice %arg6[%arg0, %mul3A_2, %dma_start3A] : memref<2x10112x128xf32, #tpu.memory_space<hbm>> -> memref<1x632x128xf32, #tpu.memory_space<hbm>>
      %dma_start3A_16 = tpu.memref_squeeze %dma_start3A_15 : memref<1x632x128xf32, #tpu.memory_space<hbm>> -> memref<632x128xf32, #tpu.memory_space<hbm>>
      %dma_start3A_17 = arith.constant 0 : i32
      %dma_start3A_18 = tpu.memref_slice %arg11[%mul3A_2, %dma_start3A_17] : memref<10112x128xf32, #tpu.memory_space<vmem_shared>> -> memref<632x128xf32, #tpu.memory_space<vmem_shared>>
      tpu.enqueue_dma source(%dma_start3A_18 : memref<632x128xf32, #tpu.memory_space<vmem_shared>>) target(%dma_start3A_16 : memref<632x128xf32, #tpu.memory_space<hbm>>) target_semaphore(%run_scoped3A : memref<!tpu.dma_semaphore, #tpu.memory_space<semaphore_mem>>)
      %dma_wait3A = arith.constant 0 : i32
      %dma_wait3A_19 = tpu.memref_slice %arg6[%arg0, %mul3A_2, %dma_wait3A] : memref<2x10112x128xf32, #tpu.memory_space<hbm>> -> memref<1x632x128xf32, #tpu.memory_space<hbm>>
      %dma_wait3A_20 = tpu.memref_squeeze %dma_wait3A_19 : memref<1x632x128xf32, #tpu.memory_space<hbm>> -> memref<632x128xf32, #tpu.memory_space<hbm>>
      %dma_wait3A_21 = arith.constant 0 : i32
      %dma_wait3A_22 = tpu.memref_slice %arg11[%mul3A_2, %dma_wait3A_21] : memref<10112x128xf32, #tpu.memory_space<vmem_shared>> -> memref<632x128xf32, #tpu.memory_space<vmem_shared>>
      tpu.wait_dma2 semaphore(%run_scoped3A : memref<!tpu.dma_semaphore, #tpu.memory_space<semaphore_mem>>) src(%dma_wait3A_22 : memref<632x128xf32, #tpu.memory_space<vmem_shared>>) dst(%dma_wait3A_20 : memref<632x128xf32, #tpu.memory_space<hbm>>)
      tpu.yield
    }) : () -> ()
    return
  }
}

module attributes {stable_mosaic.version = 14 : i64} {
  func.func @_tc0_body(%arg0: memref<2x10112x16xf32, #tpu.memory_space<vmem>>, %arg1: memref<10112x128xf32, #tpu.memory_space<vmem>>, %arg2: memref<128x128xf32, #tpu.memory_space<vmem>>, %arg3: memref<10112x16xf32, #tpu.memory_space<vmem>>, %arg4: memref<10112x128xf32, #tpu.memory_space<vmem>>) attributes {dimension_semantics = [], scalar_prefetch = 0 : i64, scratch_operands = 0 : i64, tpu.core_type = #tpu.core_type<tc>} {
    %get3A = arith.constant 0 : index
    %get3A_0 = arith.constant 0 : index
    %get3A_1 = arith.constant 0 : index
    %get3A_2 = vector.load %arg0[%get3A, %get3A_0, %get3A_1] : memref<2x10112x16xf32, #tpu.memory_space<vmem>>, vector<1x10112x16xf32>
    %get3A_3 = vector.shape_cast %get3A_2 : vector<1x10112x16xf32> to vector<10112x16xf32>
    %slice3A = vector.extract_strided_slice %get3A_3 {offsets = [0, 0], sizes = [10112, 1], strides = [1, 1]} : vector<10112x16xf32> to vector<10112x1xf32>
    %get3A_4 = arith.constant 1 : index
    %get3A_5 = arith.constant 0 : index
    %get3A_6 = arith.constant 0 : index
    %get3A_7 = vector.load %arg0[%get3A_4, %get3A_5, %get3A_6] : memref<2x10112x16xf32, #tpu.memory_space<vmem>>, vector<1x10112x16xf32>
    %get3A_8 = vector.shape_cast %get3A_7 : vector<1x10112x16xf32> to vector<10112x16xf32>
    %slice3A_9 = vector.extract_strided_slice %get3A_8 {offsets = [0, 0], sizes = [10112, 1], strides = [1, 1]} : vector<10112x16xf32> to vector<10112x1xf32>
    %add3A = arith.addf %slice3A, %slice3A_9 : vector<10112x1xf32>
    %add3A_10 = arith.constant 1.000000e+00 : f32
    %add3A_11 = vector.broadcast %add3A_10 : f32 to vector<10112x1xf32>
    %add3A_12 = arith.addf %add3A, %add3A_11 : vector<10112x1xf32>
    %rsqrt3A = math.rsqrt %add3A_12 : vector<10112x1xf32>
    %broadcast_in_dim3A = vector.shape_cast %rsqrt3A : vector<10112x1xf32> to vector<10112x1xf32>
    %broadcast_in_dim3A_13 = vector.broadcast %broadcast_in_dim3A : vector<10112x1xf32> to vector<10112x16xf32>
    %swap3A = arith.constant 0 : index
    %swap3A_14 = arith.constant 0 : index
    %swap3A_15 = vector.load %arg3[%swap3A, %swap3A_14] : memref<10112x16xf32, #tpu.memory_space<vmem>>, vector<10112x16xf32>
    tpu.vector_store %arg3[%swap3A, %swap3A_14], %broadcast_in_dim3A_13 {strides = array<i32>} : memref<10112x16xf32, #tpu.memory_space<vmem>>, vector<10112x16xf32>,
    %get3A_16 = arith.constant 0 : index
    %get3A_17 = arith.constant 0 : index
    %get3A_18 = vector.load %arg1[%get3A_16, %get3A_17] : memref<10112x128xf32, #tpu.memory_space<vmem>>, vector<10112x128xf32>
    %get3A_19 = arith.constant 0 : index
    %get3A_20 = arith.constant 0 : index
    %get3A_21 = vector.load %arg2[%get3A_19, %get3A_20] : memref<128x128xf32, #tpu.memory_space<vmem>>, vector<128x128xf32>
    %dot_general3A = arith.constant dense<0.000000e+00> : vector<10112x128xf32>
    %dot_general3A_22 = tpu.matmul %get3A_18, %get3A_21, %dot_general3A {dimension_numbers = #tpu.dot_dimension_numbers<[1], [0], [0], [1], [0, 0, 1, 1], [], []>, transpose_lhs_hint = false} : vector<10112x128xf32>, vector<128x128xf32>, vector<10112x128xf32> -> vector<10112x128xf32>
    %mul3A = vector.broadcast %rsqrt3A : vector<10112x1xf32> to vector<10112x128xf32>
    %mul3A_23 = arith.mulf %mul3A, %dot_general3A_22 : vector<10112x128xf32>
    %swap3A_24 = arith.constant 0 : index
    %swap3A_25 = arith.constant 0 : index
    %swap3A_26 = vector.load %arg4[%swap3A_24, %swap3A_25] : memref<10112x128xf32, #tpu.memory_space<vmem>>, vector<10112x128xf32>
    tpu.vector_store %arg4[%swap3A_24, %swap3A_25], %mul3A_23 {strides = array<i32>} : memref<10112x128xf32, #tpu.memory_space<vmem>>, vector<10112x128xf32>,
    return
  }
}

module attributes {stable_mosaic.version = 14 : i64} {
  func.func @_tc_mid_body(%arg0: memref<2x10112x128xf32, #tpu.memory_space<vmem>>, %arg1: memref<10112x128xf32, #tpu.memory_space<vmem>>, %arg2: memref<10112x16xf32, #tpu.memory_space<vmem>>, %arg3: memref<1x128xf32, #tpu.memory_space<vmem>>, %arg4: memref<1x128xf32, #tpu.memory_space<vmem>>, %arg5: memref<1x128xf32, #tpu.memory_space<vmem>>, %arg6: memref<128x128xf32, #tpu.memory_space<vmem>>, %arg7: memref<10112x128xf32, #tpu.memory_space<vmem>>) attributes {dimension_semantics = [], scalar_prefetch = 0 : i64, scratch_operands = 0 : i64, tpu.core_type = #tpu.core_type<tc>} {
    %get3A = arith.constant 0 : index
    %get3A_0 = arith.constant 0 : index
    %get3A_1 = vector.load %arg2[%get3A, %get3A_0] : memref<10112x16xf32, #tpu.memory_space<vmem>>, vector<10112x16xf32>
    %slice3A = vector.extract_strided_slice %get3A_1 {offsets = [0, 0], sizes = [10112, 1], strides = [1, 1]} : vector<10112x16xf32> to vector<10112x1xf32>
    %get3A_2 = arith.constant 0 : index
    %get3A_3 = arith.constant 0 : index
    %get3A_4 = arith.constant 0 : index
    %get3A_5 = vector.load %arg0[%get3A_2, %get3A_3, %get3A_4] : memref<2x10112x128xf32, #tpu.memory_space<vmem>>, vector<1x10112x128xf32>
    %get3A_6 = vector.shape_cast %get3A_5 : vector<1x10112x128xf32> to vector<10112x128xf32>
    %get3A_7 = arith.constant 1 : index
    %get3A_8 = arith.constant 0 : index
    %get3A_9 = arith.constant 0 : index
    %get3A_10 = vector.load %arg0[%get3A_7, %get3A_8, %get3A_9] : memref<2x10112x128xf32, #tpu.memory_space<vmem>>, vector<1x10112x128xf32>
    %get3A_11 = vector.shape_cast %get3A_10 : vector<1x10112x128xf32> to vector<10112x128xf32>
    %add3A = arith.addf %get3A_6, %get3A_11 : vector<10112x128xf32>
    %get3A_12 = arith.constant 0 : index
    %get3A_13 = arith.constant 0 : index
    %get3A_14 = vector.load %arg1[%get3A_12, %get3A_13] : memref<10112x128xf32, #tpu.memory_space<vmem>>, vector<10112x128xf32>
    %add3A_15 = arith.addf %add3A, %get3A_14 : vector<10112x128xf32>
    %mul3A = vector.broadcast %slice3A : vector<10112x1xf32> to vector<10112x128xf32>
    %mul3A_16 = arith.mulf %mul3A, %add3A_15 : vector<10112x128xf32>
    %get3A_17 = arith.constant 0 : index
    %get3A_18 = arith.constant 0 : index
    %get3A_19 = vector.load %arg3[%get3A_17, %get3A_18] : memref<1x128xf32, #tpu.memory_space<vmem>>, vector<1x128xf32>
    %add3A_20 = vector.broadcast %get3A_19 : vector<1x128xf32> to vector<10112x128xf32>
    %add3A_21 = arith.addf %mul3A_16, %add3A_20 : vector<10112x128xf32>
    %slice3A_22 = vector.extract_strided_slice %add3A_21 {offsets = [0, 0], sizes = [10000, 128], strides = [1, 1]} : vector<10112x128xf32> to vector<10000x128xf32>
    %reduce_sum3A = arith.constant dense<0.000000e+00> : vector<128xf32>
    %reduce_sum3A_23 = vector.multi_reduction <add>, %slice3A_22, %reduce_sum3A [0] : vector<10000x128xf32> to vector<128xf32>
    %broadcast_in_dim3A = vector.shape_cast %reduce_sum3A_23 : vector<128xf32> to vector<1x128xf32>
    %div3A = arith.constant 1.000000e+04 : f32
    %div3A_24 = vector.broadcast %div3A : f32 to vector<1x128xf32>
    %div3A_25 = arith.divf %broadcast_in_dim3A, %div3A_24 : vector<1x128xf32>
    %sub3A = vector.broadcast %div3A_25 : vector<1x128xf32> to vector<10112x128xf32>
    %sub3A_26 = arith.subf %add3A_21, %sub3A : vector<10112x128xf32>
    %slice3A_27 = vector.extract_strided_slice %sub3A_26 {offsets = [0, 0], sizes = [10000, 128], strides = [1, 1]} : vector<10112x128xf32> to vector<10000x128xf32>
    %slice3A_28 = vector.extract_strided_slice %sub3A_26 {offsets = [0, 0], sizes = [10000, 128], strides = [1, 1]} : vector<10112x128xf32> to vector<10000x128xf32>
    %mul3A_29 = arith.mulf %slice3A_27, %slice3A_28 : vector<10000x128xf32>
    %reduce_sum3A_30 = arith.constant dense<0.000000e+00> : vector<128xf32>
    %reduce_sum3A_31 = vector.multi_reduction <add>, %mul3A_29, %reduce_sum3A_30 [0] : vector<10000x128xf32> to vector<128xf32>
    %broadcast_in_dim3A_32 = vector.shape_cast %reduce_sum3A_31 : vector<128xf32> to vector<1x128xf32>
    %div3A_33 = arith.constant 1.000000e+04 : f32
    %div3A_34 = vector.broadcast %div3A_33 : f32 to vector<1x128xf32>
    %div3A_35 = arith.divf %broadcast_in_dim3A_32, %div3A_34 : vector<1x128xf32>
    %add3A_36 = arith.constant 9.99999974E-6 : f32
    %add3A_37 = vector.broadcast %add3A_36 : f32 to vector<1x128xf32>
    %add3A_38 = arith.addf %div3A_35, %add3A_37 : vector<1x128xf32>
    %rsqrt3A = math.rsqrt %add3A_38 : vector<1x128xf32>
    %mul3A_39 = vector.broadcast %rsqrt3A : vector<1x128xf32> to vector<10112x128xf32>
    %mul3A_40 = arith.mulf %sub3A_26, %mul3A_39 : vector<10112x128xf32>
    %get3A_41 = arith.constant 0 : index
    %get3A_42 = arith.constant 0 : index
    %get3A_43 = vector.load %arg4[%get3A_41, %get3A_42] : memref<1x128xf32, #tpu.memory_space<vmem>>, vector<1x128xf32>
    %mul3A_44 = vector.broadcast %get3A_43 : vector<1x128xf32> to vector<10112x128xf32>
    %mul3A_45 = arith.mulf %mul3A_40, %mul3A_44 : vector<10112x128xf32>
    %get3A_46 = arith.constant 0 : index
    %get3A_47 = arith.constant 0 : index
    %get3A_48 = vector.load %arg5[%get3A_46, %get3A_47] : memref<1x128xf32, #tpu.memory_space<vmem>>, vector<1x128xf32>
    %add3A_49 = vector.broadcast %get3A_48 : vector<1x128xf32> to vector<10112x128xf32>
    %add3A_50 = arith.addf %mul3A_45, %add3A_49 : vector<10112x128xf32>
    %max3A = arith.constant 0.000000e+00 : f32
    %max3A_51 = vector.broadcast %max3A : f32 to vector<10112x128xf32>
    %max3A_52 = arith.maximumf %add3A_50, %max3A_51 : vector<10112x128xf32>
    %iota3A = tpu.iota {dimensions = array<i32: 0>} : vector<10112x1xi32>
    %lt3A = arith.constant 10000 : i32
    %lt3A_53 = vector.broadcast %lt3A : i32 to vector<10112x1xi32>
    %lt3A_54 = arith.cmpi slt, %iota3A, %lt3A_53 : vector<10112x1xi32>
    %convert_element_type3A = arith.extui %lt3A_54 : vector<10112x1xi1> to vector<10112x1xi32>
    %convert_element_type3A_55 = arith.sitofp %convert_element_type3A : vector<10112x1xi32> to vector<10112x1xf32>
    %mul3A_56 = vector.broadcast %convert_element_type3A_55 : vector<10112x1xf32> to vector<10112x128xf32>
    %mul3A_57 = arith.mulf %max3A_52, %mul3A_56 : vector<10112x128xf32>
    %get3A_58 = arith.constant 0 : index
    %get3A_59 = arith.constant 0 : index
    %get3A_60 = vector.load %arg6[%get3A_58, %get3A_59] : memref<128x128xf32, #tpu.memory_space<vmem>>, vector<128x128xf32>
    %dot_general3A = arith.constant dense<0.000000e+00> : vector<10112x128xf32>
    %dot_general3A_61 = tpu.matmul %mul3A_57, %get3A_60, %dot_general3A {dimension_numbers = #tpu.dot_dimension_numbers<[1], [0], [0], [1], [0, 0, 1, 1], [], []>, transpose_lhs_hint = false} : vector<10112x128xf32>, vector<128x128xf32>, vector<10112x128xf32> -> vector<10112x128xf32>
    %mul3A_62 = vector.broadcast %slice3A : vector<10112x1xf32> to vector<10112x128xf32>
    %mul3A_63 = arith.mulf %mul3A_62, %dot_general3A_61 : vector<10112x128xf32>
    %swap3A = arith.constant 0 : index
    %swap3A_64 = arith.constant 0 : index
    %swap3A_65 = vector.load %arg7[%swap3A, %swap3A_64] : memref<10112x128xf32, #tpu.memory_space<vmem>>, vector<10112x128xf32>
    tpu.vector_store %arg7[%swap3A, %swap3A_64], %mul3A_63 {strides = array<i32>} : memref<10112x128xf32, #tpu.memory_space<vmem>>, vector<10112x128xf32>,
    return
  }
}

module attributes {stable_mosaic.version = 14 : i64} {
  func.func @_tc_fin_body(%arg0: memref<2x10112x128xf32, #tpu.memory_space<vmem>>, %arg1: memref<10112x128xf32, #tpu.memory_space<vmem>>, %arg2: memref<10112x16xf32, #tpu.memory_space<vmem>>, %arg3: memref<1x128xf32, #tpu.memory_space<vmem>>, %arg4: memref<1x128xf32, #tpu.memory_space<vmem>>, %arg5: memref<1x128xf32, #tpu.memory_space<vmem>>, %arg6: memref<1x10112xi32, #tpu.memory_space<vmem>>, %arg7: memref<16x6xf32, #tpu.memory_space<vmem>>, %arg8: memref<128x256xf32, #tpu.memory_space<vmem>>, %arg9: memref<6x256xf32, #tpu.memory_space<vmem>>, %arg10: memref<1x256xf32, #tpu.memory_space<vmem>>, %arg11: memref<256x256xf32, #tpu.memory_space<vmem>>, %arg12: memref<1x256xf32, #tpu.memory_space<vmem>>, %arg13: memref<256x256xf32, #tpu.memory_space<vmem>>, %arg14: memref<1x256xf32, #tpu.memory_space<vmem>>, %arg15: memref<256x3xf32, #tpu.memory_space<vmem>>, %arg16: memref<1x3xf32, #tpu.memory_space<vmem>>, %arg17: memref<16x3xf32, #tpu.memory_space<vmem>>) attributes {dimension_semantics = [], scalar_prefetch = 0 : i64, scratch_operands = 0 : i64, tpu.core_type = #tpu.core_type<tc>} {
    %get3A = arith.constant 0 : index
    %get3A_0 = arith.constant 0 : index
    %get3A_1 = vector.load %arg2[%get3A, %get3A_0] : memref<10112x16xf32, #tpu.memory_space<vmem>>, vector<10112x16xf32>
    %slice3A = vector.extract_strided_slice %get3A_1 {offsets = [0, 0], sizes = [10112, 1], strides = [1, 1]} : vector<10112x16xf32> to vector<10112x1xf32>
    %get3A_2 = arith.constant 0 : index
    %get3A_3 = arith.constant 0 : index
    %get3A_4 = arith.constant 0 : index
    %get3A_5 = vector.load %arg0[%get3A_2, %get3A_3, %get3A_4] : memref<2x10112x128xf32, #tpu.memory_space<vmem>>, vector<1x10112x128xf32>
    %get3A_6 = vector.shape_cast %get3A_5 : vector<1x10112x128xf32> to vector<10112x128xf32>
    %get3A_7 = arith.constant 1 : index
    %get3A_8 = arith.constant 0 : index
    %get3A_9 = arith.constant 0 : index
    %get3A_10 = vector.load %arg0[%get3A_7, %get3A_8, %get3A_9] : memref<2x10112x128xf32, #tpu.memory_space<vmem>>, vector<1x10112x128xf32>
    %get3A_11 = vector.shape_cast %get3A_10 : vector<1x10112x128xf32> to vector<10112x128xf32>
    %add3A = arith.addf %get3A_6, %get3A_11 : vector<10112x128xf32>
    %get3A_12 = arith.constant 0 : index
    %get3A_13 = arith.constant 0 : index
    %get3A_14 = vector.load %arg1[%get3A_12, %get3A_13] : memref<10112x128xf32, #tpu.memory_space<vmem>>, vector<10112x128xf32>
    %add3A_15 = arith.addf %add3A, %get3A_14 : vector<10112x128xf32>
    %mul3A = vector.broadcast %slice3A : vector<10112x1xf32> to vector<10112x128xf32>
    %mul3A_16 = arith.mulf %mul3A, %add3A_15 : vector<10112x128xf32>
    %get3A_17 = arith.constant 0 : index
    %get3A_18 = arith.constant 0 : index
    %get3A_19 = vector.load %arg3[%get3A_17, %get3A_18] : memref<1x128xf32, #tpu.memory_space<vmem>>, vector<1x128xf32>
    %add3A_20 = vector.broadcast %get3A_19 : vector<1x128xf32> to vector<10112x128xf32>
    %add3A_21 = arith.addf %mul3A_16, %add3A_20 : vector<10112x128xf32>
    %slice3A_22 = vector.extract_strided_slice %add3A_21 {offsets = [0, 0], sizes = [10000, 128], strides = [1, 1]} : vector<10112x128xf32> to vector<10000x128xf32>
    %reduce_sum3A = arith.constant dense<0.000000e+00> : vector<128xf32>
    %reduce_sum3A_23 = vector.multi_reduction <add>, %slice3A_22, %reduce_sum3A [0] : vector<10000x128xf32> to vector<128xf32>
    %broadcast_in_dim3A = vector.shape_cast %reduce_sum3A_23 : vector<128xf32> to vector<1x128xf32>
    %div3A = arith.constant 1.000000e+04 : f32
    %div3A_24 = vector.broadcast %div3A : f32 to vector<1x128xf32>
    %div3A_25 = arith.divf %broadcast_in_dim3A, %div3A_24 : vector<1x128xf32>
    %sub3A = vector.broadcast %div3A_25 : vector<1x128xf32> to vector<10112x128xf32>
    %sub3A_26 = arith.subf %add3A_21, %sub3A : vector<10112x128xf32>
    %slice3A_27 = vector.extract_strided_slice %sub3A_26 {offsets = [0, 0], sizes = [10000, 128], strides = [1, 1]} : vector<10112x128xf32> to vector<10000x128xf32>
    %slice3A_28 = vector.extract_strided_slice %sub3A_26 {offsets = [0, 0], sizes = [10000, 128], strides = [1, 1]} : vector<10112x128xf32> to vector<10000x128xf32>
    %mul3A_29 = arith.mulf %slice3A_27, %slice3A_28 : vector<10000x128xf32>
    %reduce_sum3A_30 = arith.constant dense<0.000000e+00> : vector<128xf32>
    %reduce_sum3A_31 = vector.multi_reduction <add>, %mul3A_29, %reduce_sum3A_30 [0] : vector<10000x128xf32> to vector<128xf32>
    %broadcast_in_dim3A_32 = vector.shape_cast %reduce_sum3A_31 : vector<128xf32> to vector<1x128xf32>
    %div3A_33 = arith.constant 1.000000e+04 : f32
    %div3A_34 = vector.broadcast %div3A_33 : f32 to vector<1x128xf32>
    %div3A_35 = arith.divf %broadcast_in_dim3A_32, %div3A_34 : vector<1x128xf32>
    %add3A_36 = arith.constant 9.99999974E-6 : f32
    %add3A_37 = vector.broadcast %add3A_36 : f32 to vector<1x128xf32>
    %add3A_38 = arith.addf %div3A_35, %add3A_37 : vector<1x128xf32>
    %rsqrt3A = math.rsqrt %add3A_38 : vector<1x128xf32>
    %mul3A_39 = vector.broadcast %rsqrt3A : vector<1x128xf32> to vector<10112x128xf32>
    %mul3A_40 = arith.mulf %sub3A_26, %mul3A_39 : vector<10112x128xf32>
    %get3A_41 = arith.constant 0 : index
    %get3A_42 = arith.constant 0 : index
    %get3A_43 = vector.load %arg4[%get3A_41, %get3A_42] : memref<1x128xf32, #tpu.memory_space<vmem>>, vector<1x128xf32>
    %mul3A_44 = vector.broadcast %get3A_43 : vector<1x128xf32> to vector<10112x128xf32>
    %mul3A_45 = arith.mulf %mul3A_40, %mul3A_44 : vector<10112x128xf32>
    %get3A_46 = arith.constant 0 : index
    %get3A_47 = arith.constant 0 : index
    %get3A_48 = vector.load %arg5[%get3A_46, %get3A_47] : memref<1x128xf32, #tpu.memory_space<vmem>>, vector<1x128xf32>
    %add3A_49 = vector.broadcast %get3A_48 : vector<1x128xf32> to vector<10112x128xf32>
    %add3A_50 = arith.addf %mul3A_45, %add3A_49 : vector<10112x128xf32>
    %iota3A = tpu.iota {dimensions = array<i32: 0>} : vector<16x10112xi32>
    %get3A_51 = arith.constant 0 : index
    %get3A_52 = arith.constant 0 : index
    %get3A_53 = vector.load %arg6[%get3A_51, %get3A_52] : memref<1x10112xi32, #tpu.memory_space<vmem>>, vector<1x10112xi32>
    %eq3A = vector.broadcast %get3A_53 : vector<1x10112xi32> to vector<16x10112xi32>
    %eq3A_54 = arith.cmpi eq, %iota3A, %eq3A : vector<16x10112xi32>
    %convert_element_type3A = arith.extui %eq3A_54 : vector<16x10112xi1> to vector<16x10112xi32>
    %convert_element_type3A_55 = arith.sitofp %convert_element_type3A : vector<16x10112xi32> to vector<16x10112xf32>
    %dot_general3A = arith.constant dense<0.000000e+00> : vector<16x128xf32>
    %dot_general3A_56 = tpu.matmul %convert_element_type3A_55, %add3A_50, %dot_general3A {dimension_numbers = #tpu.dot_dimension_numbers<[1], [0], [0], [1], [0, 0, 1, 1], [], []>, transpose_lhs_hint = false} : vector<16x10112xf32>, vector<10112x128xf32>, vector<16x128xf32> -> vector<16x128xf32>
    %reduce_sum3A_57 = arith.constant dense<0.000000e+00> : vector<16xf32>
    %reduce_sum3A_58 = vector.multi_reduction <add>, %convert_element_type3A_55, %reduce_sum3A_57 [1] : vector<16x10112xf32> to vector<16xf32>
    %broadcast_in_dim3A_59 = vector.shape_cast %reduce_sum3A_58 : vector<16xf32> to vector<16x1xf32>
    %max3A = arith.constant 1.000000e+00 : f32
    %max3A_60 = vector.broadcast %max3A : f32 to vector<16x1xf32>
    %max3A_61 = arith.maximumf %broadcast_in_dim3A_59, %max3A_60 : vector<16x1xf32>
    %div3A_62 = vector.broadcast %max3A_61 : vector<16x1xf32> to vector<16x128xf32>
    %div3A_63 = arith.divf %dot_general3A_56, %div3A_62 : vector<16x128xf32>
    %get3A_64 = arith.constant 0 : index
    %get3A_65 = arith.constant 0 : index
    %get3A_66 = vector.load %arg8[%get3A_64, %get3A_65] : memref<128x256xf32, #tpu.memory_space<vmem>>, vector<128x256xf32>
    %dot_general3A_67 = arith.constant dense<0.000000e+00> : vector<16x256xf32>
    %dot_general3A_68 = tpu.matmul %div3A_63, %get3A_66, %dot_general3A_67 {dimension_numbers = #tpu.dot_dimension_numbers<[1], [0], [0], [1], [0, 0, 1, 1], [], []>, transpose_lhs_hint = false} : vector<16x128xf32>, vector<128x256xf32>, vector<16x256xf32> -> vector<16x256xf32>
    %get3A_69 = arith.constant 0 : index
    %get3A_70 = arith.constant 0 : index
    %get3A_71 = vector.load %arg7[%get3A_69, %get3A_70] : memref<16x6xf32, #tpu.memory_space<vmem>>, vector<16x6xf32>
    %get3A_72 = arith.constant 0 : index
    %get3A_73 = arith.constant 0 : index
    %get3A_74 = vector.load %arg9[%get3A_72, %get3A_73] : memref<6x256xf32, #tpu.memory_space<vmem>>, vector<6x256xf32>
    %dot_general3A_75 = arith.constant dense<0.000000e+00> : vector<16x256xf32>
    %dot_general3A_76 = tpu.matmul %get3A_71, %get3A_74, %dot_general3A_75 {dimension_numbers = #tpu.dot_dimension_numbers<[1], [0], [0], [1], [0, 0, 1, 1], [], []>, transpose_lhs_hint = false} : vector<16x6xf32>, vector<6x256xf32>, vector<16x256xf32> -> vector<16x256xf32>
    %add3A_77 = arith.addf %dot_general3A_68, %dot_general3A_76 : vector<16x256xf32>
    %get3A_78 = arith.constant 0 : index
    %get3A_79 = arith.constant 0 : index
    %get3A_80 = vector.load %arg10[%get3A_78, %get3A_79] : memref<1x256xf32, #tpu.memory_space<vmem>>, vector<1x256xf32>
    %add3A_81 = vector.broadcast %get3A_80 : vector<1x256xf32> to vector<16x256xf32>
    %add3A_82 = arith.addf %add3A_77, %add3A_81 : vector<16x256xf32>
    %max3A_83 = arith.constant 0.000000e+00 : f32
    %max3A_84 = vector.broadcast %max3A_83 : f32 to vector<16x256xf32>
    %max3A_85 = arith.maximumf %add3A_82, %max3A_84 : vector<16x256xf32>
    %get3A_86 = arith.constant 0 : index
    %get3A_87 = arith.constant 0 : index
    %get3A_88 = vector.load %arg11[%get3A_86, %get3A_87] : memref<256x256xf32, #tpu.memory_space<vmem>>, vector<256x256xf32>
    %dot_general3A_89 = arith.constant dense<0.000000e+00> : vector<16x256xf32>
    %dot_general3A_90 = tpu.matmul %max3A_85, %get3A_88, %dot_general3A_89 {dimension_numbers = #tpu.dot_dimension_numbers<[1], [0], [0], [1], [0, 0, 1, 1], [], []>, transpose_lhs_hint = false} : vector<16x256xf32>, vector<256x256xf32>, vector<16x256xf32> -> vector<16x256xf32>
    %get3A_91 = arith.constant 0 : index
    %get3A_92 = arith.constant 0 : index
    %get3A_93 = vector.load %arg12[%get3A_91, %get3A_92] : memref<1x256xf32, #tpu.memory_space<vmem>>, vector<1x256xf32>
    %add3A_94 = vector.broadcast %get3A_93 : vector<1x256xf32> to vector<16x256xf32>
    %add3A_95 = arith.addf %dot_general3A_90, %add3A_94 : vector<16x256xf32>
    %max3A_96 = arith.constant 0.000000e+00 : f32
    %max3A_97 = vector.broadcast %max3A_96 : f32 to vector<16x256xf32>
    %max3A_98 = arith.maximumf %add3A_95, %max3A_97 : vector<16x256xf32>
    %get3A_99 = arith.constant 0 : index
    %get3A_100 = arith.constant 0 : index
    %get3A_101 = vector.load %arg13[%get3A_99, %get3A_100] : memref<256x256xf32, #tpu.memory_space<vmem>>, vector<256x256xf32>
    %dot_general3A_102 = arith.constant dense<0.000000e+00> : vector<16x256xf32>
    %dot_general3A_103 = tpu.matmul %max3A_98, %get3A_101, %dot_general3A_102 {dimension_numbers = #tpu.dot_dimension_numbers<[1], [0], [0], [1], [0, 0, 1, 1], [], []>, transpose_lhs_hint = false} : vector<16x256xf32>, vector<256x256xf32>, vector<16x256xf32> -> vector<16x256xf32>
    %get3A_104 = arith.constant 0 : index
    %get3A_105 = arith.constant 0 : index
    %get3A_106 = vector.load %arg14[%get3A_104, %get3A_105] : memref<1x256xf32, #tpu.memory_space<vmem>>, vector<1x256xf32>
    %add3A_107 = vector.broadcast %get3A_106 : vector<1x256xf32> to vector<16x256xf32>
    %add3A_108 = arith.addf %dot_general3A_103, %add3A_107 : vector<16x256xf32>
    %max3A_109 = arith.constant 0.000000e+00 : f32
    %max3A_110 = vector.broadcast %max3A_109 : f32 to vector<16x256xf32>
    %max3A_111 = arith.maximumf %add3A_108, %max3A_110 : vector<16x256xf32>
    %get3A_112 = arith.constant 0 : index
    %get3A_113 = arith.constant 0 : index
    %get3A_114 = vector.load %arg15[%get3A_112, %get3A_113] : memref<256x3xf32, #tpu.memory_space<vmem>>, vector<256x3xf32>
    %dot_general3A_115 = arith.constant dense<0.000000e+00> : vector<16x3xf32>
    %dot_general3A_116 = tpu.matmul %max3A_111, %get3A_114, %dot_general3A_115 {dimension_numbers = #tpu.dot_dimension_numbers<[1], [0], [0], [1], [0, 0, 1, 1], [], []>, transpose_lhs_hint = false} : vector<16x256xf32>, vector<256x3xf32>, vector<16x3xf32> -> vector<16x3xf32>
    %get3A_117 = arith.constant 0 : index
    %get3A_118 = arith.constant 0 : index
    %get3A_119 = vector.load %arg16[%get3A_117, %get3A_118] : memref<1x3xf32, #tpu.memory_space<vmem>>, vector<1x3xf32>
    %add3A_120 = vector.broadcast %get3A_119 : vector<1x3xf32> to vector<16x3xf32>
    %add3A_121 = arith.addf %dot_general3A_116, %add3A_120 : vector<16x3xf32>
    %swap3A = arith.constant 0 : index
    %swap3A_122 = arith.constant 0 : index
    %swap3A_123 = vector.load %arg17[%swap3A, %swap3A_122] : memref<16x3xf32, #tpu.memory_space<vmem>>, vector<16x3xf32>
    tpu.vector_store %arg17[%swap3A, %swap3A_122], %add3A_121 {strides = array<i32>} : memref<16x3xf32, #tpu.memory_space<vmem>>, vector<16x3xf32>,
    return
  }
}

</mosaic_0001>

<sc_bundles>
// kernel: kernel.10.cloned.1.call-start
scs
__scs_entry_jumppad:
0x0: {  	(pc) =	sbr.rel $0x88, $3  }
0x1: {  	(tag) =	ssettag $0x0;
	lr =	simm.s32 $0x1  }
0x2: {  	[smem:$0x3F88] =	sst lr;
	_ =	strace $0xD0000000  }
0x3: {  	_ = 	snop  }
0x4: {  	_ = 	snop  }
0x5: {  	_ = 	snop  }
0x6: {  	_ = 	snop  }
0x7: {  	_ = 	snop  }
__scs_overlays_trampoline_lowered:
0x8: {  	[smem:$0x3F97] =	sst s0  }
0x9: {  	[smem:$0x3F98] =	sst s1  }
0xa: {  	[smem:$0x3F99] =	sst s2  }
0xb: {  	[smem:$0x3F9A] =	sst s3  }
0xc: {  	[smem:$0x3F9B] =	sst s4  }
0xd: {  	[smem:$0x3F9C] =	sst s5  }
0xe: {  	[smem:$0x3F9D] =	sst s6  }
0xf: {  	[smem:$0x3F9E] =	sst s7  }
0x10: {  	[smem:$0x3F9F] =	sst s8  }
0x11: {  	[smem:$0x3FA0] =	sst s9;
	s0 =	simm.s32 @!p0 $0x0  }
0x12: {  	s1 =	sld [smem:$0x3F86];
	s0 =	simm.s32 @p0 $0x1  }
0x13: {  	[smem:$0x3FA1] =	sst s0;
	s0 =	simm.s32 @!p1 $0x0  }
0x14: {  	s2 =	sld [smem:$0x3F85];
	s0 =	simm.s32 @p1 $0x1  }
0x15: {  	[smem:$0x3FA2] =	sst s0;
	s0 =	simm.s32 @!p2 $0x0  }
0x16: {  	s3 =	sld [smem:$0x3FDB];
	s0 =	simm.s32 @p2 $0x1  }
0x17: {  	s4 =	simm.s32 $0x1BF5;
	[smem:$0x3FA4] =	sst s0  }
0x18: {  	s0 =	sld [smem:$0x3F87];
	_ =	swait.ge [sflag:s4], $0x0  }
0x19: {  	s7 =	sld [smem:$0x3F88]  }
0x1a: {  	s8 =	sadd.s32 $0xFFFFE003, lr  }
0x1b: {  	s9 =	sadd.s32 $0xFFFFFEF7, lr;
	s5 =	simm.s32 $0xFFFFFFFF;
	p2 =	slt.u32 s8, $0xFFFFF086  }
0x1c: {  	p1 =	slt.u32 s9, $0xF7A;
	s5 =	simm.s32 @!p2 $0x0  }
0x1d: {  	s5 =	simm.s32 @p1 $0x1;
	p0 =	seq.s32 s7, s2  }
0x1e: {  	s7 =	smul.u32 @!p0 $0xF7A, s2;
	p2 =	seq.s32 @!p0 s5, $0x0  }
0x1f: {  	s9 =	smul.u32 $0xF7A, s1;
	s8 =	simm.s32 @!p0 $0x1BF5;
	p2 =	por !p2, p0  }
0x20: {  	[sflag:s8] =	ssyncset.s32 @!p0 $0xFFFFF086;
	s6 =	sadd.s32 @!p0 s3, s7;
	s7 =	simm.s32 @!p0 $0x108  }
0x21: {  	s3 =	sadd.s32 s3, s9;
	s6 =	sadd.s32 @!p0 $0x88, s6;
	s7 =	simm.s32 @p2 $0x1082  }
0x22: {  	[simem:s7], [sflag:s8] =	dma.local @!p0 [hbm:s6], $0xF7A  }
0x23: {  	s9 =	sor.u32 $0xD0000000, s2;
	s6 =	simm.s32 $0x108;
	_ =	swait.ge @!p0 [sflag:s8], $0x0  }
0x24: {  	s3 =	sadd.s32 $0x88, s3;
	s6 =	simm.s32 @!p1 $0x1082;
	[sflag:s4] =	ssyncset.s32 $0xFFFFF086  }
0x25: {  	[simem:s6], [sflag:s4] =	dma.local [hbm:s3], $0xF7A  }
0x26: {  	[smem:$0x3F88] =	sst s1;
	(tag) =	ssettag s2;
	_ =	strace s9  }
0x27: {  	s1 =	sld [smem:$0x3F98]  }
0x28: {  	s2 =	sld [smem:$0x3F99]  }
0x29: {  	s4 =	sld [smem:$0x3F9B]  }
0x2a: {  	p0 =	seq.s32 s5, $0x0;
	s5 =	sld [smem:$0x3F9C]  }
0x2b: {  	s6 =	sld [smem:$0x3F9D]  }
0x2c: {  	s7 =	sld [smem:$0x3F9E]  }
0x2d: {  	s3 =	simm.s32 $0x108;
	s8 =	sld [smem:$0x3F9F]  }
0x2e: {  	s3 =	simm.s32 @!p0 $0x1082;
	s9 =	sld [smem:$0x3FA0]  }
0x2f: {  	lr =	sadd.s32 s0, s3;
	s0 =	sld [smem:$0x3F97]  }
0x30: {  	s3 =	sld [smem:$0x3F9A]  }
0x31: {  	[smem:$0x3FA3] =	sst s10  }
0x32: {  	s10 =	sld [smem:$0x3FA1];
	_ =	sdelay $0x3  }
0x33: {  	p0 =	seq.s32 s10, $0x1;
	s10 =	sld [smem:$0x3FA3];
	_ =	sdelay $0x3  }
0x34: {  	[smem:$0x3FA3] =	sst s10  }
0x35: {  	s10 =	sld [smem:$0x3FA2];
	_ =	sdelay $0x3  }
0x36: {  	p1 =	seq.s32 s10, $0x1;
	s10 =	sld [smem:$0x3FA3];
	_ =	sdelay $0x3  }
0x37: {  	[smem:$0x3FA3] =	sst s10  }
0x38: {  	s10 =	sld [smem:$0x3FA4]  }
0x39: {  	_ = 	snop;
	(pc) =	sbr.ind lr, $3  }
0x3a: {  	_ = 	snop  }
0x3b: {  	_ = 	snop  }
0x3c: {  	p2 =	seq.s32 s10, $0x1;
	s10 =	sld [smem:$0x3FA3]  }
0x3d: {  	_ =	shalt  }
0x3e: {  	_ =	shalt  }
0x3f: {  	_ =	shalt  }
0x40: {  	_ =	shalt  }
0x41: {  	_ =	shalt  }
0x42: {  	_ =	shalt  }
0x43: {  	_ =	shalt  }
0x44: {  	_ =	shalt  }
0x45: {  	_ =	shalt  }
0x46: {  	_ =	shalt  }
0x47: {  	_ =	shalt  }
0x48: {  	_ =	shalt  }
0x49: {  	_ =	shalt  }
0x4a: {  	_ =	shalt  }
0x4b: {  	_ =	shalt  }
0x4c: {  	_ =	shalt  }
0x4d: {  	_ =	shalt  }
0x4e: {  	_ =	shalt  }
0x4f: {  	_ =	shalt  }
0x50: {  	_ =	shalt  }
0x51: {  	_ =	shalt  }
0x52: {  	_ =	shalt  }
0x53: {  	_ =	shalt  }
0x54: {  	_ =	shalt  }
0x55: {  	_ =	shalt  }
0x56: {  	_ =	shalt  }
0x57: {  	_ =	shalt  }
0x58: {  	_ =	shalt  }
0x59: {  	_ =	shalt  }
0x5a: {  	_ =	shalt  }
0x5b: {  	_ =	shalt  }
0x5c: {  	_ =	shalt  }
0x5d: {  	_ =	shalt  }
0x5e: {  	_ =	shalt  }
0x5f: {  	_ =	shalt  }
0x60: {  	_ =	shalt  }
0x61: {  	_ =	shalt  }
0x62: {  	_ =	shalt  }
0x63: {  	_ =	shalt  }
0x64: {  	_ =	shalt  }
0x65: {  	_ =	shalt  }
0x66: {  	_ =	shalt  }
0x67: {  	_ =	shalt  }
0x68: {  	_ =	shalt  }
0x69: {  	_ =	shalt  }
0x6a: {  	_ =	shalt  }
0x6b: {  	_ =	shalt  }
0x6c: {  	_ =	shalt  }
0x6d: {  	_ =	shalt  }
0x6e: {  	_ =	shalt  }
0x6f: {  	_ =	shalt  }
0x70: {  	_ =	shalt  }
0x71: {  	_ =	shalt  }
0x72: {  	_ =	shalt  }
0x73: {  	_ =	shalt  }
0x74: {  	_ =	shalt  }
0x75: {  	_ =	shalt  }
0x76: {  	_ =	shalt  }
0x77: {  	_ =	shalt  }
0x78: {  	_ =	shalt  }
0x79: {  	_ =	shalt  }
0x7a: {  	_ =	shalt  }
0x7b: {  	_ =	shalt  }
0x7c: {  	_ =	shalt  }
0x7d: {  	_ =	shalt  }
0x7e: {  	_ =	shalt  }
0x7f: {  	_ =	shalt  }
0x80: {  	_ =	shalt  }
0x81: {  	_ =	shalt  }
0x82: {  	_ =	shalt  }
0x83: {  	_ =	shalt  }
0x84: {  	_ =	shalt  }
0x85: {  	_ =	shalt  }
0x86: {  	_ =	shalt  }
0x87: {  	_ =	shalt  }
.Lfunc_end0:
.L_simem_size_0:
called_computation_lowered:
.L_overlay_start_0:
0x88: {  	s2 =	sld [smem:$0x3FD9]  }
0x89: {  	s3 =	sld [smem:$0x3FFE];
	_ =	sdelay $0x1  }
0x8a: {  	s1 =	srdreg.scid  }
0x8b: {  	s0 =	sand.u32 $0x1, s1  }
0x8c: {  	s16 =	sshll.u32 s0, $0xA;
	s2 =	sadd.s32 s3, s2  }
0x8d: {  	s2 =	sadd.s32 s2, s16  }
0x8e: {  	[smem:$0x3FAF] =	sst s2  }
0x8f: {  	_ = 	snop  }
0x90: {  	(tm) =	ssettm $0x1  }
0x91: {  	s17 =	sld [smem:$0x3FFB];
	_ =	sdelay $0x3  }
0x92: {  	_ =	strace s17  }
0x93: {  	s2 =	sld [smem:$0x3FFC];
	_ =	sdelay $0x3  }
0x94: {  	_ =	strace s2  }
0x95: {  	s2 =	sld [smem:$0x3FFD];
	_ =	sdelay $0x3  }
0x96: {  	_ =	strace s2  }
0x97: {  	_ =	strace $0x8FFFFFFF  }
0x98: {  	s18 =	sld [smem:$0x3FDB];
	_ =	sdelay $0x1  }
0x99: {  	s19 =	simm.s32 $_scs_section_size  }
0x9a: {  	s4 =	simm.s32 $_size__tile_overlayer_lowered;
	s5 =	simm.s32 $_tile_overlayer_lowered  }
0x9b: {  	s22 =	simm.s32 $0x1BFF;
	s21 =	sshll.u32 s5, $0x1;
	s2 =	sadd.s32 s19, s18  }
0x9c: {  	s6 =	simm.s32 $0x0;
	s20 =	sshll.u32 s4, $0x1;
	s4 =	sadd.s32 s21, s2  }
0x9d: {  	[timem:s6], [sflag:s22] =	dma.local [hbm:s4], s20  }
0x9e: {  	_ =	swait.ge [sflag:s22], s20  }
0x9f: {  	s3 =	ssub.s32 $0x0, s20;
	[sflag:s22] =	ssyncset.done $0x0  }
0xa0: {  	[sflag:s22] =	ssyncadd.s32 s3;
	_ =	sdelay $0x1  }
0xa1: {  	s23 =	simm.s32 $0x1B8B  }
0xa2: {  	_ =	swait.ge [sflag:s23], $0x1  }
0xa3: {  	[sflag:s23] =	ssyncset.done $0x0  }
0xa4: {  	s25 =	simm.s32 $0x1B8E;
	s24 =	sld [smem:$0x3FFE];
	[sflag:s23] =	ssyncadd.s32 $0xFFFFFFFF  }
0xa5: {  	s26 =	simm.s32 $execute0_lowered;
	[smem:$0x3FD2] =	sst s25  }
0xa6: {  	s4 =	sshll.u32 s26, $0x1;
	_ =	strace $0x80000046;
	[dreg:$0x1] =	wrdreg $0xFFFFFFFF  }
0xa7: {  	s28 =	simm.s32 $_size_execute0_lowered;
	s2 =	sadd.s32 s2, s4;
	[dreg:$0x0] =	wrdreg $0x0  }
0xa8: {  	s4 =	sshll.u32 s28, $0x1;
	[dreg:$0x2] =	wrdreg s2  }
0xa9: {  	[dreg:$0x3] =	wrdreg s4  }
0xaa: {  	[dreg:$0x4] =	wrdreg $0xC0  }
0xab: {  	_ =	task [dreg:s6], $0x5FFFF  }
0xac: {  	[dreg:$0x1] =	wrdreg $0xFFFFFFFF  }
0xad: {  	[dreg:$0x0] =	wrdreg $0x60  }
0xae: {  	[dreg:$0x2] =	wrdreg s24  }
0xaf: {  	[dreg:$0x3] =	wrdreg $0x68000  }
0xb0: {  	[dreg:$0x4] =	wrdreg $0x9  }
0xb1: {  	_ =	task.clear_ibuf [dreg:s6], $0x5FFFF;
	_ =	strace $0x90000046  }
0xb2: {  	s29 =	simm.s32 $0x9;
	_ =	strace $0x80000048  }
0xb3: {  	_ =	swait.ge [sflag:s29], $0x1  }
0xb4: {  	[sflag:s29] =	ssyncadd.s32 $0xFFFFFFFF  }
0xb5: {  	_ =	strace $0x90000048  }
0xb6: {  	_ =	sfence  }
0xb7: {  	s30 =	sld [smem:$0x0];
	_ =	sdelay $0x2  }
0xb8: {  	s31 =	sshll.u32 s1, $0xD;
	s1 =	sshrl.u32 s1, $0x2  }
0xb9: {  	s3 =	sand.u32 $0x4000, s31;
	s1 =	sadd.s32 s1, s30  }
0xba: {  	s0 =	sor.u32 s3, s0;
	s1 =	sshll.u32 s1, $0x11  }
0xbb: {  	s0 =	sor.u32 s1, s0  }
0xbc: {  	s0 =	sadd.s32 $0x8F2B, s0  }
0xbd: {  	[sflag:s0] =	ssyncadd.remote.s32 $0x1  }
0xbe: {  	_ =	sfence.sel $0xFFFF  }
0xbf: {  	[dreg:$0x0] =	wrdreg $0xFFFFFFFF;
	(pc) =	sbr.abs _section_cstart, $3  }
0xc0: {  	[dreg:$0x1] =	wrdreg $0xFFFFFFFF  }
0xc1: {  	_ =	task.clear_ibuf [dreg:s6], $0x2FFFF;
	_ =	strace $0x9FFFFFFF  }
0xc2: {  	(tm) =	ssettm $0x7FFFFFFF  }
0xc3: {  	_ =	shalt  }
tec
execute0_lowered:
.L_overlay_start_1:
0x0: {  	(tag) =	ssettag $0x1  }
0x1: {  	s1 =	srdreg.scid;
	s5 =	rddreg [dreg:$0x0]  }
0x2: {  	s0 =	stileid.u32;
	s2 =	rddreg [dreg:$0x1]  }
0x3: {  	s3 =	simm.s32 $0x0;
	s12 =	simm.s32 $0x2800;
	s13 =	simm.s32 $0x0  }
0x4: {  	s4 =	sand.u32 $0x1, s1;
	s28 =	sshll.u32 s0, $0x1;
	s7 =	smul.u32 $0x13C00, s0  }
0x5: {  	[smem:$0x7FF] =	sst s3;
	s29 =	smul.u32 $0x4F000, s0;
	s31 =	sshll.u32 s0, $0x6  }
0x6: {  	s1 =	sor.u32 s4, s28;
	s8 =	smul.u32 $0x13C000, s4;
	s4 =	ssub.s32 $0x2, s4  }
0x7: {  	s6 =	smul.u32 $0x500, s1;
	s1 =	rddreg [dreg:$0x2];
	_ =	strace $0x80000047  }
0x8: {  	s9 =	sshrl.u32 s7, $0x3;
	s10 =	sshrl.u32 s4, $0x1;
	s30 =	sshrl.u32 s29, $0x2  }
0x9: {  	s7 =	sadd.s32 s7, s8;
	s9 =	sadd.s32 s9, s5;
	s10 =	ssub.s32 s4, s10  }
0xa: {  	s11 =	sadd.s32 s30, s2;
	s6 =	sadd.s32 s6, s5;
	s7 =	sshrl.u32 s7, $0x3  }
0xb: {  	s8 =	simm.s32 $0x1;
	s7 =	sadd.s32 s7, s5;
	s4 =	sadd.s32 $0xF600, s6  }
0xc: {  	s5 =	sadd.s32 $0x19600, s9;
	s9 =	sor.u32 $0x1C01, s31;
	s6 =	sadd.s32 $0x40E00, s7  }
0xd: {  	v0 =	vimm.f32 $1.000000000e+00;
	s7 =	smax.u32 s10, $0x1;
	s10 =	sshrl.u32 s11, $0x3;
	s11 =	simm.s32 $0x80  }
.LBB2_1:
0xe: {  	[tilespmem:s3], [sflag:$0x1] =	stream.linear.gather [hbm4b:s4+s3], $0x2800, $0x38;
	[tilespmem:$0x8F80] =	vst v63  }
0xf: {  	_ =	swait.ge [sflag:s8], $0x2800  }
0x10: {  	[sflag:s8] =	ssyncset.done $0x0  }
0x11: {  	s14 =	simm.s32 $0x200;
	s15 =	simm.s32 $0x0;
	[sflag:s8] =	ssyncadd.s32 $0xFFFFD800  }
.LBB2_2:
0x12: {  	p0 =	sne.s32 s14, $0xFE00;
	[tilespmem:s15+$0x2800] =	vst v0;
	s15 =	smov.u32 s14;
	s14 =	sadd.s32 $0x200, s14  }
.Ltmp0:
0x13: {  	(pc) =	sbr.rel @p0 .LBB2_2-.Ltmp0, $2  }
0x14: {  	_ =	sdelay $0x2  }
0x15: {  	s15 =	sshra.s32 s15, $0x2  }
0x16: {  	[tilespmem:s15+$0x2800] =	vst v0  }
0x17: {  	[spmem:s10], [sflag:s9] =	dma.local [hbm:s5], $0x2780  }
0x18: {  	_ =	swait.ge [sflag:s8], $0x2780  }
0x19: {  	[sflag:s8] =	ssyncset.done $0x0  }
0x1a: {  	[sflag:s8] =	ssyncadd.s32 $0xFFFFD880  }
0x1b: {  	s14 =	simm.s32 $0x0;
	[bflag:$0x0] =	sbarrier.arrive $0xFFFF  }
0x1c: {  	[spmem:s2] =	stream.indirect.scatter.add.f32 [tilespmem:s12], [sflag:$0x1], $0x10, s14, s11, $0xb8;
	[tilespmem:$0x8F80] =	vst v63  }
0x1d: {  	_ =	swait.ge [sflag:s8], $0x800  }
0x1e: {  	s14 =	simm.s32 $0x200;
	[sflag:s8] =	ssyncset.done $0x0  }
.LBB2_4:
0x1f: {  	s15 =	sshra.s32 s14, $0x2;
	[sflag:s8] =	ssyncadd.s32 $0xFFFFF800;
	p0 =	sne.s32 s14, $0x9E00  }
0x20: {  	[spmem:s2] =	stream.indirect.scatter.add.f32 [tilespmem:s12], [sflag:$0x1], $0x10, s15, s11, $0xb8;
	[tilespmem:$0x8F80] =	vst v63  }
.Ltmp1:
0x21: {  	_ = 	snop;
	(pc) =	sbr.rel @p0 .LBB2_4-.Ltmp1, $4  }
0x22: {  	_ = 	snop  }
0x23: {  	s14 =	sadd.s32 $0x200, s14  }
0x24: {  	_ =	swait.ge [sflag:s8], $0x800  }
0x25: {  	[sflag:s8] =	ssyncset.done $0x0  }
0x26: {  	s13 =	sadd.s32 $0x1, s13  }
0x27: {  	[sflag:s8] =	ssyncadd.s32 $0xFFFFF800;
	p0 =	sne.s32 s13, s7  }
.Ltmp2:
0x28: {  	[bflag:$0x0] =	sbarrier.arrive $0xFFFF;
	(pc) =	sbr.rel @p0 .LBB2_1-.Ltmp2, $4  }
0x29: {  	[hbm:s6], [sflag:s9] =	dma.local [spmem:s10], $0x2780  }
0x2a: {  	_ =	swait.ge [sflag:s8], $0x2780  }
0x2b: {  	[sflag:s8] =	ssyncset.done $0x0  }
0x2c: {  	[sflag:s8] =	ssyncadd.s32 $0xFFFFD880  }
0x2d: {  	_ =	sfence.sel $0x180000  }
0x2e: {  	[bflag:$0x0] =	sbarrier.arrive $0xFFFF  }
0x2f: {  	p0 =	sne.s32 s0, $0x0;
	_ =	strace $0x90000047  }
0x30: {  	s0 =	sadd.s32 @!p0 $0x100000, s1;
	[bflag:$0x2] =	sbarrier.arrive $0xFFFF  }
0x31: {  	[sflag:s0] =	ssyncadd.tile.s32 @!p0 $0x1;
	_ =	shalt  }
.Lfunc_end2:
_tile_overlayer_lowered:
.L_overlay_start_2:
0x32: {  	(tag) =	ssettag $0x2  }
0x33: {  	s0 =	rddreg [dreg:$0x0];
	s2 =	stileid.u32  }
0x34: {  	s1 =	rddreg [dreg:$0x1];
	p0 =	sne.s32 s2, $0x0  }
0x35: {  	s3 =	rddreg [dreg:$0x2];
	[bflag:$0x3] =	sbarrier.arrive $0xFFFF;
	s2 =	simm.s32 @!p0 $0x1C01  }
0x36: {  	[timem:s3], [sflag:s2] =	dma.local @!p0 [hbm:s0], s1  }
0x37: {  	s0 =	simm.s32 @!p0 $0x1  }
0x38: {  	_ =	swait.ge @!p0 [sflag:s0], s1  }
0x39: {  	s1 =	ssub.s32 @!p0 $0x0, s1;
	[sflag:s0] =	ssyncset.done @!p0 $0x0  }
0x3a: {  	[sflag:s0] =	ssyncadd.s32 @!p0 s1  }
0x3b: {  	[bflag:$0x3] =	sbarrier.arrive $0xFFFF  }
0x3c: {  	_ =	shalt  }

// kernel: kernel.13.cloned.1.call-start
scs
__scs_entry_jumppad:
0x0: {  	(pc) =	sbr.rel $0x88, $3  }
0x1: {  	(tag) =	ssettag $0x0;
	lr =	simm.s32 $0x1  }
0x2: {  	[smem:$0x3F88] =	sst lr;
	_ =	strace $0xD0000000  }
0x3: {  	_ = 	snop  }
0x4: {  	_ = 	snop  }
0x5: {  	_ = 	snop  }
0x6: {  	_ = 	snop  }
0x7: {  	_ = 	snop  }
__scs_overlays_trampoline_lowered:
0x8: {  	[smem:$0x3F97] =	sst s0  }
0x9: {  	[smem:$0x3F98] =	sst s1  }
0xa: {  	[smem:$0x3F99] =	sst s2  }
0xb: {  	[smem:$0x3F9A] =	sst s3  }
0xc: {  	[smem:$0x3F9B] =	sst s4  }
0xd: {  	[smem:$0x3F9C] =	sst s5  }
0xe: {  	[smem:$0x3F9D] =	sst s6  }
0xf: {  	[smem:$0x3F9E] =	sst s7  }
0x10: {  	[smem:$0x3F9F] =	sst s8  }
0x11: {  	[smem:$0x3FA0] =	sst s9;
	s0 =	simm.s32 @!p0 $0x0  }
0x12: {  	s1 =	sld [smem:$0x3F86];
	s0 =	simm.s32 @p0 $0x1  }
0x13: {  	[smem:$0x3FA1] =	sst s0;
	s0 =	simm.s32 @!p1 $0x0  }
0x14: {  	s2 =	sld [smem:$0x3F85];
	s0 =	simm.s32 @p1 $0x1  }
0x15: {  	[smem:$0x3FA2] =	sst s0;
	s0 =	simm.s32 @!p2 $0x0  }
0x16: {  	s3 =	sld [smem:$0x3FDB];
	s0 =	simm.s32 @p2 $0x1  }
0x17: {  	s4 =	simm.s32 $0x1BF5;
	[smem:$0x3FA4] =	sst s0  }
0x18: {  	s0 =	sld [smem:$0x3F87];
	_ =	swait.ge [sflag:s4], $0x0  }
0x19: {  	s7 =	sld [smem:$0x3F88]  }
0x1a: {  	s8 =	sadd.s32 $0xFFFFE003, lr  }
0x1b: {  	s9 =	sadd.s32 $0xFFFFFEF7, lr;
	s5 =	simm.s32 $0xFFFFFFFF;
	p2 =	slt.u32 s8, $0xFFFFF086  }
0x1c: {  	p1 =	slt.u32 s9, $0xF7A;
	s5 =	simm.s32 @!p2 $0x0  }
0x1d: {  	s5 =	simm.s32 @p1 $0x1;
	p0 =	seq.s32 s7, s2  }
0x1e: {  	s7 =	smul.u32 @!p0 $0xF7A, s2;
	p2 =	seq.s32 @!p0 s5, $0x0  }
0x1f: {  	s9 =	smul.u32 $0xF7A, s1;
	s8 =	simm.s32 @!p0 $0x1BF5;
	p2 =	por !p2, p0  }
0x20: {  	[sflag:s8] =	ssyncset.s32 @!p0 $0xFFFFF086;
	s6 =	sadd.s32 @!p0 s3, s7;
	s7 =	simm.s32 @!p0 $0x108  }
0x21: {  	s3 =	sadd.s32 s3, s9;
	s6 =	sadd.s32 @!p0 $0x88, s6;
	s7 =	simm.s32 @p2 $0x1082  }
0x22: {  	[simem:s7], [sflag:s8] =	dma.local @!p0 [hbm:s6], $0xF7A  }
0x23: {  	s9 =	sor.u32 $0xD0000000, s2;
	s6 =	simm.s32 $0x108;
	_ =	swait.ge @!p0 [sflag:s8], $0x0  }
0x24: {  	s3 =	sadd.s32 $0x88, s3;
	s6 =	simm.s32 @!p1 $0x1082;
	[sflag:s4] =	ssyncset.s32 $0xFFFFF086  }
0x25: {  	[simem:s6], [sflag:s4] =	dma.local [hbm:s3], $0xF7A  }
0x26: {  	[smem:$0x3F88] =	sst s1;
	(tag) =	ssettag s2;
	_ =	strace s9  }
0x27: {  	s1 =	sld [smem:$0x3F98]  }
0x28: {  	s2 =	sld [smem:$0x3F99]  }
0x29: {  	s4 =	sld [smem:$0x3F9B]  }
0x2a: {  	p0 =	seq.s32 s5, $0x0;
	s5 =	sld [smem:$0x3F9C]  }
0x2b: {  	s6 =	sld [smem:$0x3F9D]  }
0x2c: {  	s7 =	sld [smem:$0x3F9E]  }
0x2d: {  	s3 =	simm.s32 $0x108;
	s8 =	sld [smem:$0x3F9F]  }
0x2e: {  	s3 =	simm.s32 @!p0 $0x1082;
	s9 =	sld [smem:$0x3FA0]  }
0x2f: {  	lr =	sadd.s32 s0, s3;
	s0 =	sld [smem:$0x3F97]  }
0x30: {  	s3 =	sld [smem:$0x3F9A]  }
0x31: {  	[smem:$0x3FA3] =	sst s10  }
0x32: {  	s10 =	sld [smem:$0x3FA1];
	_ =	sdelay $0x3  }
0x33: {  	p0 =	seq.s32 s10, $0x1;
	s10 =	sld [smem:$0x3FA3];
	_ =	sdelay $0x3  }
0x34: {  	[smem:$0x3FA3] =	sst s10  }
0x35: {  	s10 =	sld [smem:$0x3FA2];
	_ =	sdelay $0x3  }
0x36: {  	p1 =	seq.s32 s10, $0x1;
	s10 =	sld [smem:$0x3FA3];
	_ =	sdelay $0x3  }
0x37: {  	[smem:$0x3FA3] =	sst s10  }
0x38: {  	s10 =	sld [smem:$0x3FA4]  }
0x39: {  	_ = 	snop;
	(pc) =	sbr.ind lr, $3  }
0x3a: {  	_ = 	snop  }
0x3b: {  	_ = 	snop  }
0x3c: {  	p2 =	seq.s32 s10, $0x1;
	s10 =	sld [smem:$0x3FA3]  }
0x3d: {  	_ =	shalt  }
0x3e: {  	_ =	shalt  }
0x3f: {  	_ =	shalt  }
0x40: {  	_ =	shalt  }
0x41: {  	_ =	shalt  }
0x42: {  	_ =	shalt  }
0x43: {  	_ =	shalt  }
0x44: {  	_ =	shalt  }
0x45: {  	_ =	shalt  }
0x46: {  	_ =	shalt  }
0x47: {  	_ =	shalt  }
0x48: {  	_ =	shalt  }
0x49: {  	_ =	shalt  }
0x4a: {  	_ =	shalt  }
0x4b: {  	_ =	shalt  }
0x4c: {  	_ =	shalt  }
0x4d: {  	_ =	shalt  }
0x4e: {  	_ =	shalt  }
0x4f: {  	_ =	shalt  }
0x50: {  	_ =	shalt  }
0x51: {  	_ =	shalt  }
0x52: {  	_ =	shalt  }
0x53: {  	_ =	shalt  }
0x54: {  	_ =	shalt  }
0x55: {  	_ =	shalt  }
0x56: {  	_ =	shalt  }
0x57: {  	_ =	shalt  }
0x58: {  	_ =	shalt  }
0x59: {  	_ =	shalt  }
0x5a: {  	_ =	shalt  }
0x5b: {  	_ =	shalt  }
0x5c: {  	_ =	shalt  }
0x5d: {  	_ =	shalt  }
0x5e: {  	_ =	shalt  }
0x5f: {  	_ =	shalt  }
0x60: {  	_ =	shalt  }
0x61: {  	_ =	shalt  }
0x62: {  	_ =	shalt  }
0x63: {  	_ =	shalt  }
0x64: {  	_ =	shalt  }
0x65: {  	_ =	shalt  }
0x66: {  	_ =	shalt  }
0x67: {  	_ =	shalt  }
0x68: {  	_ =	shalt  }
0x69: {  	_ =	shalt  }
0x6a: {  	_ =	shalt  }
0x6b: {  	_ =	shalt  }
0x6c: {  	_ =	shalt  }
0x6d: {  	_ =	shalt  }
0x6e: {  	_ =	shalt  }
0x6f: {  	_ =	shalt  }
0x70: {  	_ =	shalt  }
0x71: {  	_ =	shalt  }
0x72: {  	_ =	shalt  }
0x73: {  	_ =	shalt  }
0x74: {  	_ =	shalt  }
0x75: {  	_ =	shalt  }
0x76: {  	_ =	shalt  }
0x77: {  	_ =	shalt  }
0x78: {  	_ =	shalt  }
0x79: {  	_ =	shalt  }
0x7a: {  	_ =	shalt  }
0x7b: {  	_ =	shalt  }
0x7c: {  	_ =	shalt  }
0x7d: {  	_ =	shalt  }
0x7e: {  	_ =	shalt  }
0x7f: {  	_ =	shalt  }
0x80: {  	_ =	shalt  }
0x81: {  	_ =	shalt  }
0x82: {  	_ =	shalt  }
0x83: {  	_ =	shalt  }
0x84: {  	_ =	shalt  }
0x85: {  	_ =	shalt  }
0x86: {  	_ =	shalt  }
0x87: {  	_ =	shalt  }
.Lfunc_end0:
.L_simem_size_0:
called_computation.1_lowered:
.L_overlay_start_0:
0x88: {  	s2 =	sld [smem:$0x3FD9]  }
0x89: {  	s3 =	sld [smem:$0x3FFE];
	_ =	sdelay $0x1  }
0x8a: {  	s1 =	srdreg.scid  }
0x8b: {  	s0 =	sand.u32 $0x1, s1  }
0x8c: {  	s16 =	sshll.u32 s0, $0xA;
	s2 =	sadd.s32 s3, s2  }
0x8d: {  	s2 =	sadd.s32 s2, s16  }
0x8e: {  	[smem:$0x3FAF] =	sst s2  }
0x8f: {  	_ = 	snop  }
0x90: {  	(tm) =	ssettm $0x1  }
0x91: {  	s17 =	sld [smem:$0x3FFB];
	_ =	sdelay $0x3  }
0x92: {  	_ =	strace s17  }
0x93: {  	s2 =	sld [smem:$0x3FFC];
	_ =	sdelay $0x3  }
0x94: {  	_ =	strace s2  }
0x95: {  	s2 =	sld [smem:$0x3FFD];
	_ =	sdelay $0x3  }
0x96: {  	_ =	strace s2  }
0x97: {  	_ =	strace $0x8FFFFFFF  }
0x98: {  	s18 =	sld [smem:$0x3FDB];
	_ =	sdelay $0x1  }
0x99: {  	s19 =	simm.s32 $_scs_section_size  }
0x9a: {  	s4 =	simm.s32 $_size__tile_overlayer_lowered;
	s5 =	simm.s32 $_tile_overlayer_lowered  }
0x9b: {  	s22 =	simm.s32 $0x1BFF;
	s21 =	sshll.u32 s5, $0x1;
	s2 =	sadd.s32 s19, s18  }
0x9c: {  	s6 =	simm.s32 $0x0;
	s20 =	sshll.u32 s4, $0x1;
	s4 =	sadd.s32 s21, s2  }
0x9d: {  	[timem:s6], [sflag:s22] =	dma.local [hbm:s4], s20  }
0x9e: {  	_ =	swait.ge [sflag:s22], s20  }
0x9f: {  	s3 =	ssub.s32 $0x0, s20;
	[sflag:s22] =	ssyncset.done $0x0  }
0xa0: {  	[sflag:s22] =	ssyncadd.s32 s3;
	_ =	sdelay $0x1  }
0xa1: {  	s23 =	simm.s32 $0x1B8B  }
0xa2: {  	_ =	swait.ge [sflag:s23], $0x1  }
0xa3: {  	[sflag:s23] =	ssyncset.done $0x0  }
0xa4: {  	s25 =	simm.s32 $0x1B8E;
	s24 =	sld [smem:$0x3FFE];
	[sflag:s23] =	ssyncadd.s32 $0xFFFFFFFF  }
0xa5: {  	s26 =	simm.s32 $execute0_lowered;
	[smem:$0x3FD2] =	sst s25  }
0xa6: {  	s4 =	sshll.u32 s26, $0x1;
	_ =	strace $0x80000049;
	[dreg:$0x1] =	wrdreg $0xFFFFFFFF  }
0xa7: {  	s28 =	simm.s32 $_size_execute0_lowered;
	s2 =	sadd.s32 s2, s4;
	[dreg:$0x0] =	wrdreg $0x0  }
0xa8: {  	s4 =	sshll.u32 s28, $0x1;
	[dreg:$0x2] =	wrdreg s2  }
0xa9: {  	[dreg:$0x3] =	wrdreg s4  }
0xaa: {  	[dreg:$0x4] =	wrdreg $0xC0  }
0xab: {  	_ =	task [dreg:s6], $0x5FFFF  }
0xac: {  	[dreg:$0x1] =	wrdreg $0xFFFFFFFF  }
0xad: {  	[dreg:$0x0] =	wrdreg $0x60  }
0xae: {  	[dreg:$0x2] =	wrdreg s24  }
0xaf: {  	[dreg:$0x3] =	wrdreg $0xA8000  }
0xb0: {  	[dreg:$0x4] =	wrdreg $0x9  }
0xb1: {  	_ =	task.clear_ibuf [dreg:s6], $0x5FFFF;
	_ =	strace $0x90000049  }
0xb2: {  	s29 =	simm.s32 $0x9;
	_ =	strace $0x8000004B  }
0xb3: {  	_ =	swait.ge [sflag:s29], $0x1  }
0xb4: {  	[sflag:s29] =	ssyncadd.s32 $0xFFFFFFFF  }
0xb5: {  	_ =	strace $0x9000004B  }
0xb6: {  	_ =	sfence  }
0xb7: {  	s30 =	sld [smem:$0x0];
	_ =	sdelay $0x2  }
0xb8: {  	s31 =	sshll.u32 s1, $0xD;
	s1 =	sshrl.u32 s1, $0x2  }
0xb9: {  	s3 =	sand.u32 $0x4000, s31;
	s1 =	sadd.s32 s1, s30  }
0xba: {  	s0 =	sor.u32 s3, s0;
	s1 =	sshll.u32 s1, $0x11  }
0xbb: {  	s0 =	sor.u32 s1, s0  }
0xbc: {  	s0 =	sadd.s32 $0x8F2B, s0  }
0xbd: {  	[sflag:s0] =	ssyncadd.remote.s32 $0x1  }
0xbe: {  	_ =	sfence.sel $0xFFFF  }
0xbf: {  	[dreg:$0x0] =	wrdreg $0xFFFFFFFF;
	(pc) =	sbr.abs _section_cstart, $3  }
0xc0: {  	[dreg:$0x1] =	wrdreg $0xFFFFFFFF  }
0xc1: {  	_ =	task.clear_ibuf [dreg:s6], $0x2FFFF;
	_ =	strace $0x9FFFFFFF  }
0xc2: {  	(tm) =	ssettm $0x7FFFFFFF  }
0xc3: {  	_ =	shalt  }
tec
execute0_lowered:
.L_overlay_start_1:
0x0: {  	(tag) =	ssettag $0x1  }
0x1: {  	s5 =	rddreg [dreg:$0x0]  }
0x2: {  	s2 =	rddreg [dreg:$0x1]  }
0x3: {  	s0 =	rddreg [dreg:$0x2];
	s3 =	simm.s32 $0x0;
	s1 =	stileid.u32  }
0x4: {  	s4 =	srdreg.scid;
	s16 =	simm.s32 $0x80;
	s17 =	simm.s32 $0x2800  }
0x5: {  	s18 =	simm.s32 $0x6800;
	s19 =	simm.s32 $0x1;
	s20 =	simm.s32 $0x0  }
0x6: {  	[smem:$0x7FF] =	sst s3;
	s6 =	smul.u32 $0x13C00, s1;
	s7 =	sand.u32 $0x1, s4  }
0x7: {  	s4 =	sadd.s32 $0x19600, s5;
	s9 =	sadd.s32 $0x5600, s5;
	s11 =	sadd.s32 $0xF600, s5  }
0x8: {  	s25 =	smul.u32 $0x4F000, s1;
	s12 =	sshll.u32 s1, $0x1;
	s30 =	sshll.u32 s1, $0x6  }
0x9: {  	_ =	strace $0x8000004A;
	s8 =	smul.u32 $0x13C000, s7;
	s26 =	ssub.s32 $0x2, s7  }
0xa: {  	s28 =	sor.u32 s7, s12;
	s10 =	sshrl.u32 s6, $0x3;
	s29 =	sshrl.u32 s26, $0x1  }
0xb: {  	s12 =	smul.u32 $0x2800, s28;
	s10 =	sadd.s32 s10, s5;
	s6 =	sadd.s32 s6, s8  }
0xc: {  	s8 =	sshrl.u32 s25, $0x2;
	s14 =	ssub.s32 s26, s29;
	s6 =	sshrl.u32 s6, $0x3  }
0xd: {  	s15 =	sadd.s32 s8, s2;
	s31 =	sshrl.u32 s12, $0x3;
	s12 =	smax.u32 s14, $0x1  }
0xe: {  	s14 =	simm.s32 $0x2;
	s13 =	sadd.s32 s6, s5;
	s5 =	sadd.s32 $0x40E00, s10  }
0xf: {  	s6 =	sor.u32 $0x1C02, s30;
	s7 =	sadd.s32 s9, s31;
	s10 =	sadd.s32 $0x280, s31  }
0x10: {  	s8 =	sadd.s32 s11, s31;
	s9 =	sadd.s32 s9, s10;
	s10 =	sadd.s32 s11, s10  }
0x11: {  	s11 =	sadd.s32 $0x68600, s13;
	s13 =	sshrl.u32 s15, $0x3;
	s15 =	simm.s32 $0x1400  }
.LBB2_1:
0x12: {  	[spmem:s13], [sflag:s6] =	dma.local [hbm:s5], $0x2780  }
0x13: {  	_ =	swait.ge [sflag:s14], $0x2780  }
0x14: {  	[sflag:s14] =	ssyncset.done $0x0  }
0x15: {  	[sflag:s14] =	ssyncadd.s32 $0xFFFFD880  }
0x16: {  	[bflag:$0x0] =	sbarrier.arrive $0xFFFF  }
0x17: {  	[tilespmem:s3], [sflag:$0x2] =	stream.linear.gather [hbm4b:s7+s3], $0x1400, $0x38;
	[tilespmem:$0x1E400] =	vst v63  }
0x18: {  	_ =	swait.ge [sflag:s14], $0x1400  }
0x19: {  	[sflag:s14] =	ssyncset.done $0x0  }
0x1a: {  	[sflag:s14] =	ssyncadd.s32 $0xFFFFEC00  }
0x1b: {  	[tilespmem:s15], [sflag:$0x2] =	stream.linear.gather [hbm4b:s8+s3], $0x1400, $0x38;
	[tilespmem:$0x1E400] =	vst v63  }
0x1c: {  	_ =	swait.ge [sflag:s14], $0x1400  }
0x1d: {  	[sflag:s14] =	ssyncset.done $0x0  }
0x1e: {  	s21 =	simm.s32 $0x0;
	[sflag:s14] =	ssyncadd.s32 $0xFFFFEC00  }
0x1f: {  	[tilespmem:s17], [sflag:$0x1] =	stream.indirect.gather [hbm4b:s4+s16], $0x80, s21, s16, $0xb8;
	[tilespmem:$0x1E400] =	vst v63  }
0x20: {  	s29 =	simm.s32 $0x80  }
0x21: {  	[tilespmem:s18], [sflag:$0x1] =	stream.indirect.gather [hbm4b:s4+s16], $0x80, s29, s16, $0xb8;
	[tilespmem:$0x1E400] =	vst v63  }
0x22: {  	_ =	swait.ge [sflag:s19], $0x4000  }
0x23: {  	[sflag:s19] =	ssyncset.done $0x0  }
0x24: {  	s30 =	simm.s32 $0x1400;
	[sflag:s19] =	ssyncadd.s32 $0xFFFFC000  }
0x25: {  	[spmem:s2] =	stream.indirect.scatter.add.f32 [tilespmem:s17], [sflag:$0x2], $0x80, s30, s16, $0xb8;
	[tilespmem:$0x1E400] =	vst v63  }
0x26: {  	_ =	swait.ge [sflag:s14], $0x4000  }
0x27: {  	[sflag:s14] =	ssyncset.done $0x0  }
0x28: {  	[sflag:s14] =	ssyncadd.s32 $0xFFFFC000  }
0x29: {  	_ =	swait.ge [sflag:s19], $0x4000  }
0x2a: {  	[sflag:s19] =	ssyncset.done $0x0  }
0x2b: {  	s31 =	simm.s32 $0x1480;
	[sflag:s19] =	ssyncadd.s32 $0xFFFFC000  }
0x2c: {  	[spmem:s2] =	stream.indirect.scatter.add.f32 [tilespmem:s18], [sflag:$0x2], $0x80, s31, s16, $0xb8;
	[tilespmem:$0x1E400] =	vst v63  }
0x2d: {  	_ =	swait.ge [sflag:s14], $0x4000  }
0x2e: {  	s22 =	simm.s32 $0x800;
	s21 =	simm.s32 $0x400;
	[sflag:s14] =	ssyncset.done $0x0  }
.LBB2_2:
0x2f: {  	s23 =	sshra.s32 s21, $0x2  }
0x30: {  	[sflag:s14] =	ssyncadd.s32 $0xFFFFC000;
	s21 =	smov.u32 s22;
	s24 =	sadd.s32 $0x400, s22  }
0x31: {  	[tilespmem:s17], [sflag:$0x1] =	stream.indirect.gather [hbm4b:s4+s16], $0x80, s23, s16, $0xb8;
	[tilespmem:$0x1E400] =	vst v63  }
0x32: {  	p0 =	sne.s32 s22, $0x4C00;
	s22 =	sadd.s32 $0x80, s23  }
0x33: {  	[tilespmem:s18], [sflag:$0x1] =	stream.indirect.gather [hbm4b:s4+s16], $0x80, s22, s16, $0xb8;
	[tilespmem:$0x1E400] =	vst v63  }
0x34: {  	_ =	swait.ge [sflag:s19], $0x4000  }
0x35: {  	[sflag:s19] =	ssyncset.done $0x0  }
0x36: {  	s22 =	sadd.s32 $0x1400, s23;
	[sflag:s19] =	ssyncadd.s32 $0xFFFFC000  }
0x37: {  	[spmem:s2] =	stream.indirect.scatter.add.f32 [tilespmem:s17], [sflag:$0x2], $0x80, s22, s16, $0xb8;
	[tilespmem:$0x1E400] =	vst v63  }
0x38: {  	_ =	swait.ge [sflag:s14], $0x4000  }
0x39: {  	[sflag:s14] =	ssyncset.done $0x0  }
0x3a: {  	[sflag:s14] =	ssyncadd.s32 $0xFFFFC000  }
0x3b: {  	_ =	swait.ge [sflag:s19], $0x4000  }
.Ltmp0:
0x3c: {  	[sflag:s19] =	ssyncset.done $0x0;
	(pc) =	sbr.rel @p0 .LBB2_2-.Ltmp0, $4  }
0x3d: {  	s22 =	sadd.s32 $0x1480, s23;
	[sflag:s19] =	ssyncadd.s32 $0xFFFFC000  }
0x3e: {  	[spmem:s2] =	stream.indirect.scatter.add.f32 [tilespmem:s18], [sflag:$0x2], $0x80, s22, s16, $0xb8;
	[tilespmem:$0x1E400] =	vst v63  }
0x3f: {  	_ =	swait.ge [sflag:s14], $0x4000  }
0x40: {  	s22 =	smov.u32 s24;
	[sflag:s14] =	ssyncset.done $0x0  }
0x41: {  	s21 =	sshra.s32 s21, $0x2;
	[sflag:s14] =	ssyncadd.s32 $0xFFFFC000  }
0x42: {  	[tilespmem:s17], [sflag:$0x1] =	stream.indirect.gather [hbm4b:s4+s16], $0x80, s21, s16, $0xb8;
	[tilespmem:$0x1E400] =	vst v63  }
0x43: {  	s22 =	sadd.s32 $0x80, s21  }
0x44: {  	[tilespmem:s18], [sflag:$0x1] =	stream.indirect.gather [hbm4b:s4+s16], $0x80, s22, s16, $0xb8;
	[tilespmem:$0x1E400] =	vst v63  }
0x45: {  	_ =	swait.ge [sflag:s19], $0x4000  }
0x46: {  	[sflag:s19] =	ssyncset.done $0x0  }
0x47: {  	s25 =	sadd.s32 $0x1400, s21;
	[sflag:s19] =	ssyncadd.s32 $0xFFFFC000  }
0x48: {  	[spmem:s2] =	stream.indirect.scatter.add.f32 [tilespmem:s17], [sflag:$0x2], $0x80, s25, s16, $0xb8;
	[tilespmem:$0x1E400] =	vst v63  }
0x49: {  	_ =	swait.ge [sflag:s14], $0x4000  }
0x4a: {  	[sflag:s14] =	ssyncset.done $0x0  }
0x4b: {  	[sflag:s14] =	ssyncadd.s32 $0xFFFFC000  }
0x4c: {  	_ =	swait.ge [sflag:s19], $0x4000  }
0x4d: {  	[sflag:s19] =	ssyncset.done $0x0  }
0x4e: {  	s21 =	sadd.s32 $0x1480, s21;
	[sflag:s19] =	ssyncadd.s32 $0xFFFFC000  }
0x4f: {  	[spmem:s2] =	stream.indirect.scatter.add.f32 [tilespmem:s18], [sflag:$0x2], $0x80, s21, s16, $0xb8;
	[tilespmem:$0x1E400] =	vst v63  }
0x50: {  	_ =	swait.ge [sflag:s14], $0x4000  }
0x51: {  	[sflag:s14] =	ssyncset.done $0x0  }
0x52: {  	s26 =	simm.s32 $0x0;
	[sflag:s14] =	ssyncadd.s32 $0xFFFFC000  }
0x53: {  	[tilespmem:s26], [sflag:$0x2] =	stream.linear.gather [hbm4b:s9+s26], $0x1400, $0x38;
	[tilespmem:$0x1E400] =	vst v63  }
0x54: {  	_ =	swait.ge [sflag:s14], $0x1400  }
0x55: {  	[sflag:s14] =	ssyncset.done $0x0  }
0x56: {  	[sflag:s14] =	ssyncadd.s32 $0xFFFFEC00  }
0x57: {  	[tilespmem:s15], [sflag:$0x2] =	stream.linear.gather [hbm4b:s10+s26], $0x1400, $0x38;
	[tilespmem:$0x1E400] =	vst v63  }
0x58: {  	_ =	swait.ge [sflag:s14], $0x1400  }
0x59: {  	[sflag:s14] =	ssyncset.done $0x0  }
0x5a: {  	s28 =	simm.s32 $0x0;
	[sflag:s14] =	ssyncadd.s32 $0xFFFFEC00  }
0x5b: {  	[tilespmem:s17], [sflag:$0x1] =	stream.indirect.gather [hbm4b:s4+s16], $0x80, s28, s16, $0xb8;
	[tilespmem:$0x1E400] =	vst v63  }
0x5c: {  	s29 =	simm.s32 $0x80  }
0x5d: {  	[tilespmem:s18], [sflag:$0x1] =	stream.indirect.gather [hbm4b:s4+s16], $0x80, s29, s16, $0xb8;
	[tilespmem:$0x1E400] =	vst v63  }
0x5e: {  	_ =	swait.ge [sflag:s19], $0x4000  }
0x5f: {  	[sflag:s19] =	ssyncset.done $0x0  }
0x60: {  	s30 =	simm.s32 $0x1400;
	[sflag:s19] =	ssyncadd.s32 $0xFFFFC000  }
0x61: {  	[spmem:s2] =	stream.indirect.scatter.add.f32 [tilespmem:s17], [sflag:$0x2], $0x80, s30, s16, $0xb8;
	[tilespmem:$0x1E400] =	vst v63  }
0x62: {  	_ =	swait.ge [sflag:s14], $0x4000  }
0x63: {  	[sflag:s14] =	ssyncset.done $0x0  }
0x64: {  	[sflag:s14] =	ssyncadd.s32 $0xFFFFC000  }
0x65: {  	_ =	swait.ge [sflag:s19], $0x4000  }
0x66: {  	[sflag:s19] =	ssyncset.done $0x0  }
0x67: {  	s31 =	simm.s32 $0x1480;
	[sflag:s19] =	ssyncadd.s32 $0xFFFFC000  }
0x68: {  	[spmem:s2] =	stream.indirect.scatter.add.f32 [tilespmem:s18], [sflag:$0x2], $0x80, s31, s16, $0xb8;
	[tilespmem:$0x1E400] =	vst v63  }
0x69: {  	_ =	swait.ge [sflag:s14], $0x4000  }
0x6a: {  	s22 =	simm.s32 $0x800;
	s21 =	simm.s32 $0x400;
	[sflag:s14] =	ssyncset.done $0x0  }
.LBB2_4:
0x6b: {  	s23 =	sshra.s32 s21, $0x2  }
0x6c: {  	[sflag:s14] =	ssyncadd.s32 $0xFFFFC000;
	s21 =	smov.u32 s22;
	s24 =	sadd.s32 $0x400, s22  }
0x6d: {  	[tilespmem:s17], [sflag:$0x1] =	stream.indirect.gather [hbm4b:s4+s16], $0x80, s23, s16, $0xb8;
	[tilespmem:$0x1E400] =	vst v63  }
0x6e: {  	p0 =	sne.s32 s22, $0x4C00;
	s22 =	sadd.s32 $0x80, s23  }
0x6f: {  	[tilespmem:s18], [sflag:$0x1] =	stream.indirect.gather [hbm4b:s4+s16], $0x80, s22, s16, $0xb8;
	[tilespmem:$0x1E400] =	vst v63  }
0x70: {  	_ =	swait.ge [sflag:s19], $0x4000  }
0x71: {  	[sflag:s19] =	ssyncset.done $0x0  }
0x72: {  	s22 =	sadd.s32 $0x1400, s23;
	[sflag:s19] =	ssyncadd.s32 $0xFFFFC000  }
0x73: {  	[spmem:s2] =	stream.indirect.scatter.add.f32 [tilespmem:s17], [sflag:$0x2], $0x80, s22, s16, $0xb8;
	[tilespmem:$0x1E400] =	vst v63  }
0x74: {  	_ =	swait.ge [sflag:s14], $0x4000  }
0x75: {  	[sflag:s14] =	ssyncset.done $0x0  }
0x76: {  	[sflag:s14] =	ssyncadd.s32 $0xFFFFC000  }
0x77: {  	_ =	swait.ge [sflag:s19], $0x4000  }
.Ltmp1:
0x78: {  	[sflag:s19] =	ssyncset.done $0x0;
	(pc) =	sbr.rel @p0 .LBB2_4-.Ltmp1, $4  }
0x79: {  	s22 =	sadd.s32 $0x1480, s23;
	[sflag:s19] =	ssyncadd.s32 $0xFFFFC000  }
0x7a: {  	[spmem:s2] =	stream.indirect.scatter.add.f32 [tilespmem:s18], [sflag:$0x2], $0x80, s22, s16, $0xb8;
	[tilespmem:$0x1E400] =	vst v63  }
0x7b: {  	_ =	swait.ge [sflag:s14], $0x4000  }
0x7c: {  	s22 =	smov.u32 s24;
	[sflag:s14] =	ssyncset.done $0x0  }
0x7d: {  	s21 =	sshra.s32 s21, $0x2;
	[sflag:s14] =	ssyncadd.s32 $0xFFFFC000  }
0x7e: {  	[tilespmem:s17], [sflag:$0x1] =	stream.indirect.gather [hbm4b:s4+s16], $0x80, s21, s16, $0xb8;
	[tilespmem:$0x1E400] =	vst v63  }
0x7f: {  	s22 =	sadd.s32 $0x80, s21  }
0x80: {  	[tilespmem:s18], [sflag:$0x1] =	stream.indirect.gather [hbm4b:s4+s16], $0x80, s22, s16, $0xb8;
	[tilespmem:$0x1E400] =	vst v63  }
0x81: {  	_ =	swait.ge [sflag:s19], $0x4000  }
0x82: {  	[sflag:s19] =	ssyncset.done $0x0  }
0x83: {  	s31 =	sadd.s32 $0x1400, s21;
	[sflag:s19] =	ssyncadd.s32 $0xFFFFC000  }
0x84: {  	[spmem:s2] =	stream.indirect.scatter.add.f32 [tilespmem:s17], [sflag:$0x2], $0x80, s31, s16, $0xb8;
	[tilespmem:$0x1E400] =	vst v63  }
0x85: {  	_ =	swait.ge [sflag:s14], $0x4000  }
0x86: {  	[sflag:s14] =	ssyncset.done $0x0  }
0x87: {  	[sflag:s14] =	ssyncadd.s32 $0xFFFFC000  }
0x88: {  	_ =	swait.ge [sflag:s19], $0x4000  }
0x89: {  	[sflag:s19] =	ssyncset.done $0x0  }
0x8a: {  	s21 =	sadd.s32 $0x1480, s21;
	[sflag:s19] =	ssyncadd.s32 $0xFFFFC000  }
0x8b: {  	[spmem:s2] =	stream.indirect.scatter.add.f32 [tilespmem:s18], [sflag:$0x2], $0x80, s21, s16, $0xb8;
	[tilespmem:$0x1E400] =	vst v63  }
0x8c: {  	_ =	swait.ge [sflag:s14], $0x4000  }
0x8d: {  	s20 =	sadd.s32 $0x1, s20;
	[sflag:s14] =	ssyncset.done $0x0  }
0x8e: {  	p0 =	sne.s32 s20, s12;
	[sflag:s14] =	ssyncadd.s32 $0xFFFFC000  }
.Ltmp2:
0x8f: {  	[bflag:$0x0] =	sbarrier.arrive $0xFFFF;
	(pc) =	sbr.rel @p0 .LBB2_1-.Ltmp2, $4  }
0x90: {  	[hbm:s11], [sflag:s6] =	dma.local [spmem:s13], $0x2780  }
0x91: {  	_ =	swait.ge [sflag:s14], $0x2780  }
0x92: {  	[sflag:s14] =	ssyncset.done $0x0  }
0x93: {  	[sflag:s14] =	ssyncadd.s32 $0xFFFFD880  }
0x94: {  	_ =	sfence.sel $0x180000  }
0x95: {  	[bflag:$0x0] =	sbarrier.arrive $0xFFFF  }
0x96: {  	p0 =	sne.s32 s1, $0x0;
	_ =	strace $0x9000004A  }
0x97: {  	s0 =	sadd.s32 @!p0 $0x100000, s0;
	[bflag:$0x2] =	sbarrier.arrive $0xFFFF  }
0x98: {  	[sflag:s0] =	ssyncadd.tile.s32 @!p0 $0x1;
	_ =	shalt  }
.Lfunc_end2:
_tile_overlayer_lowered:
.L_overlay_start_2:
0x99: {  	(tag) =	ssettag $0x2  }
0x9a: {  	s0 =	rddreg [dreg:$0x0];
	s2 =	stileid.u32  }
0x9b: {  	s1 =	rddreg [dreg:$0x1];
	p0 =	sne.s32 s2, $0x0  }
0x9c: {  	s3 =	rddreg [dreg:$0x2];
	[bflag:$0x3] =	sbarrier.arrive $0xFFFF;
	s2 =	simm.s32 @!p0 $0x1C02  }
0x9d: {  	[timem:s3], [sflag:s2] =	dma.local @!p0 [hbm:s0], s1  }
0x9e: {  	s0 =	simm.s32 @!p0 $0x2  }
0x9f: {  	_ =	swait.ge @!p0 [sflag:s0], s1  }
0xa0: {  	s1 =	ssub.s32 @!p0 $0x0, s1;
	[sflag:s0] =	ssyncset.done @!p0 $0x0  }
0xa1: {  	[sflag:s0] =	ssyncadd.s32 @!p0 s1  }
0xa2: {  	[bflag:$0x3] =	sbarrier.arrive $0xFFFF  }
0xa3: {  	_ =	shalt  }

// kernel: kernel.16.cloned.1.call-start
scs
__scs_entry_jumppad:
0x0: {  	(pc) =	sbr.rel $0x88, $3  }
0x1: {  	(tag) =	ssettag $0x0;
	lr =	simm.s32 $0x1  }
0x2: {  	[smem:$0x3F88] =	sst lr;
	_ =	strace $0xD0000000  }
0x3: {  	_ = 	snop  }
0x4: {  	_ = 	snop  }
0x5: {  	_ = 	snop  }
0x6: {  	_ = 	snop  }
0x7: {  	_ = 	snop  }
__scs_overlays_trampoline_lowered:
0x8: {  	[smem:$0x3F97] =	sst s0  }
0x9: {  	[smem:$0x3F98] =	sst s1  }
0xa: {  	[smem:$0x3F99] =	sst s2  }
0xb: {  	[smem:$0x3F9A] =	sst s3  }
0xc: {  	[smem:$0x3F9B] =	sst s4  }
0xd: {  	[smem:$0x3F9C] =	sst s5  }
0xe: {  	[smem:$0x3F9D] =	sst s6  }
0xf: {  	[smem:$0x3F9E] =	sst s7  }
0x10: {  	[smem:$0x3F9F] =	sst s8  }
0x11: {  	[smem:$0x3FA0] =	sst s9;
	s0 =	simm.s32 @!p0 $0x0  }
0x12: {  	s1 =	sld [smem:$0x3F86];
	s0 =	simm.s32 @p0 $0x1  }
0x13: {  	[smem:$0x3FA1] =	sst s0;
	s0 =	simm.s32 @!p1 $0x0  }
0x14: {  	s2 =	sld [smem:$0x3F85];
	s0 =	simm.s32 @p1 $0x1  }
0x15: {  	[smem:$0x3FA2] =	sst s0;
	s0 =	simm.s32 @!p2 $0x0  }
0x16: {  	s3 =	sld [smem:$0x3FDB];
	s0 =	simm.s32 @p2 $0x1  }
0x17: {  	s4 =	simm.s32 $0x1BF5;
	[smem:$0x3FA4] =	sst s0  }
0x18: {  	s0 =	sld [smem:$0x3F87];
	_ =	swait.ge [sflag:s4], $0x0  }
0x19: {  	s7 =	sld [smem:$0x3F88]  }
0x1a: {  	s8 =	sadd.s32 $0xFFFFE003, lr  }
0x1b: {  	s9 =	sadd.s32 $0xFFFFFEF7, lr;
	s5 =	simm.s32 $0xFFFFFFFF;
	p2 =	slt.u32 s8, $0xFFFFF086  }
0x1c: {  	p1 =	slt.u32 s9, $0xF7A;
	s5 =	simm.s32 @!p2 $0x0  }
0x1d: {  	s5 =	simm.s32 @p1 $0x1;
	p0 =	seq.s32 s7, s2  }
0x1e: {  	s7 =	smul.u32 @!p0 $0xF7A, s2;
	p2 =	seq.s32 @!p0 s5, $0x0  }
0x1f: {  	s9 =	smul.u32 $0xF7A, s1;
	s8 =	simm.s32 @!p0 $0x1BF5;
	p2 =	por !p2, p0  }
0x20: {  	[sflag:s8] =	ssyncset.s32 @!p0 $0xFFFFF086;
	s6 =	sadd.s32 @!p0 s3, s7;
	s7 =	simm.s32 @!p0 $0x108  }
0x21: {  	s3 =	sadd.s32 s3, s9;
	s6 =	sadd.s32 @!p0 $0x88, s6;
	s7 =	simm.s32 @p2 $0x1082  }
0x22: {  	[simem:s7], [sflag:s8] =	dma.local @!p0 [hbm:s6], $0xF7A  }
0x23: {  	s9 =	sor.u32 $0xD0000000, s2;
	s6 =	simm.s32 $0x108;
	_ =	swait.ge @!p0 [sflag:s8], $0x0  }
0x24: {  	s3 =	sadd.s32 $0x88, s3;
	s6 =	simm.s32 @!p1 $0x1082;
	[sflag:s4] =	ssyncset.s32 $0xFFFFF086  }
0x25: {  	[simem:s6], [sflag:s4] =	dma.local [hbm:s3], $0xF7A  }
0x26: {  	[smem:$0x3F88] =	sst s1;
	(tag) =	ssettag s2;
	_ =	strace s9  }
0x27: {  	s1 =	sld [smem:$0x3F98]  }
0x28: {  	s2 =	sld [smem:$0x3F99]  }
0x29: {  	s4 =	sld [smem:$0x3F9B]  }
0x2a: {  	p0 =	seq.s32 s5, $0x0;
	s5 =	sld [smem:$0x3F9C]  }
0x2b: {  	s6 =	sld [smem:$0x3F9D]  }
0x2c: {  	s7 =	sld [smem:$0x3F9E]  }
0x2d: {  	s3 =	simm.s32 $0x108;
	s8 =	sld [smem:$0x3F9F]  }
0x2e: {  	s3 =	simm.s32 @!p0 $0x1082;
	s9 =	sld [smem:$0x3FA0]  }
0x2f: {  	lr =	sadd.s32 s0, s3;
	s0 =	sld [smem:$0x3F97]  }
0x30: {  	s3 =	sld [smem:$0x3F9A]  }
0x31: {  	[smem:$0x3FA3] =	sst s10  }
0x32: {  	s10 =	sld [smem:$0x3FA1];
	_ =	sdelay $0x3  }
0x33: {  	p0 =	seq.s32 s10, $0x1;
	s10 =	sld [smem:$0x3FA3];
	_ =	sdelay $0x3  }
0x34: {  	[smem:$0x3FA3] =	sst s10  }
0x35: {  	s10 =	sld [smem:$0x3FA2];
	_ =	sdelay $0x3  }
0x36: {  	p1 =	seq.s32 s10, $0x1;
	s10 =	sld [smem:$0x3FA3];
	_ =	sdelay $0x3  }
0x37: {  	[smem:$0x3FA3] =	sst s10  }
0x38: {  	s10 =	sld [smem:$0x3FA4]  }
0x39: {  	_ = 	snop;
	(pc) =	sbr.ind lr, $3  }
0x3a: {  	_ = 	snop  }
0x3b: {  	_ = 	snop  }
0x3c: {  	p2 =	seq.s32 s10, $0x1;
	s10 =	sld [smem:$0x3FA3]  }
0x3d: {  	_ =	shalt  }
0x3e: {  	_ =	shalt  }
0x3f: {  	_ =	shalt  }
0x40: {  	_ =	shalt  }
0x41: {  	_ =	shalt  }
0x42: {  	_ =	shalt  }
0x43: {  	_ =	shalt  }
0x44: {  	_ =	shalt  }
0x45: {  	_ =	shalt  }
0x46: {  	_ =	shalt  }
0x47: {  	_ =	shalt  }
0x48: {  	_ =	shalt  }
0x49: {  	_ =	shalt  }
0x4a: {  	_ =	shalt  }
0x4b: {  	_ =	shalt  }
0x4c: {  	_ =	shalt  }
0x4d: {  	_ =	shalt  }
0x4e: {  	_ =	shalt  }
0x4f: {  	_ =	shalt  }
0x50: {  	_ =	shalt  }
0x51: {  	_ =	shalt  }
0x52: {  	_ =	shalt  }
0x53: {  	_ =	shalt  }
0x54: {  	_ =	shalt  }
0x55: {  	_ =	shalt  }
0x56: {  	_ =	shalt  }
0x57: {  	_ =	shalt  }
0x58: {  	_ =	shalt  }
0x59: {  	_ =	shalt  }
0x5a: {  	_ =	shalt  }
0x5b: {  	_ =	shalt  }
0x5c: {  	_ =	shalt  }
0x5d: {  	_ =	shalt  }
0x5e: {  	_ =	shalt  }
0x5f: {  	_ =	shalt  }
0x60: {  	_ =	shalt  }
0x61: {  	_ =	shalt  }
0x62: {  	_ =	shalt  }
0x63: {  	_ =	shalt  }
0x64: {  	_ =	shalt  }
0x65: {  	_ =	shalt  }
0x66: {  	_ =	shalt  }
0x67: {  	_ =	shalt  }
0x68: {  	_ =	shalt  }
0x69: {  	_ =	shalt  }
0x6a: {  	_ =	shalt  }
0x6b: {  	_ =	shalt  }
0x6c: {  	_ =	shalt  }
0x6d: {  	_ =	shalt  }
0x6e: {  	_ =	shalt  }
0x6f: {  	_ =	shalt  }
0x70: {  	_ =	shalt  }
0x71: {  	_ =	shalt  }
0x72: {  	_ =	shalt  }
0x73: {  	_ =	shalt  }
0x74: {  	_ =	shalt  }
0x75: {  	_ =	shalt  }
0x76: {  	_ =	shalt  }
0x77: {  	_ =	shalt  }
0x78: {  	_ =	shalt  }
0x79: {  	_ =	shalt  }
0x7a: {  	_ =	shalt  }
0x7b: {  	_ =	shalt  }
0x7c: {  	_ =	shalt  }
0x7d: {  	_ =	shalt  }
0x7e: {  	_ =	shalt  }
0x7f: {  	_ =	shalt  }
0x80: {  	_ =	shalt  }
0x81: {  	_ =	shalt  }
0x82: {  	_ =	shalt  }
0x83: {  	_ =	shalt  }
0x84: {  	_ =	shalt  }
0x85: {  	_ =	shalt  }
0x86: {  	_ =	shalt  }
0x87: {  	_ =	shalt  }
.Lfunc_end0:
.L_simem_size_0:
called_computation.2_lowered:
.L_overlay_start_0:
0x88: {  	s2 =	sld [smem:$0x3FD9]  }
0x89: {  	s3 =	sld [smem:$0x3FFE];
	_ =	sdelay $0x1  }
0x8a: {  	s1 =	srdreg.scid  }
0x8b: {  	s0 =	sand.u32 $0x1, s1  }
0x8c: {  	s16 =	sshll.u32 s0, $0xA;
	s2 =	sadd.s32 s3, s2  }
0x8d: {  	s2 =	sadd.s32 s2, s16  }
0x8e: {  	[smem:$0x3FAF] =	sst s2  }
0x8f: {  	_ = 	snop  }
0x90: {  	(tm) =	ssettm $0x1  }
0x91: {  	s17 =	sld [smem:$0x3FFB];
	_ =	sdelay $0x3  }
0x92: {  	_ =	strace s17  }
0x93: {  	s2 =	sld [smem:$0x3FFC];
	_ =	sdelay $0x3  }
0x94: {  	_ =	strace s2  }
0x95: {  	s2 =	sld [smem:$0x3FFD];
	_ =	sdelay $0x3  }
0x96: {  	_ =	strace s2  }
0x97: {  	_ =	strace $0x8FFFFFFF  }
0x98: {  	s18 =	sld [smem:$0x3FDB];
	_ =	sdelay $0x1  }
0x99: {  	s19 =	simm.s32 $_scs_section_size  }
0x9a: {  	s4 =	simm.s32 $_size__tile_overlayer_lowered;
	s5 =	simm.s32 $_tile_overlayer_lowered  }
0x9b: {  	s22 =	simm.s32 $0x1BFF;
	s21 =	sshll.u32 s5, $0x1;
	s2 =	sadd.s32 s19, s18  }
0x9c: {  	s6 =	simm.s32 $0x0;
	s20 =	sshll.u32 s4, $0x1;
	s4 =	sadd.s32 s21, s2  }
0x9d: {  	[timem:s6], [sflag:s22] =	dma.local [hbm:s4], s20  }
0x9e: {  	_ =	swait.ge [sflag:s22], s20  }
0x9f: {  	s3 =	ssub.s32 $0x0, s20;
	[sflag:s22] =	ssyncset.done $0x0  }
0xa0: {  	[sflag:s22] =	ssyncadd.s32 s3;
	_ =	sdelay $0x1  }
0xa1: {  	s23 =	simm.s32 $0x1B8B  }
0xa2: {  	_ =	swait.ge [sflag:s23], $0x1  }
0xa3: {  	[sflag:s23] =	ssyncset.done $0x0  }
0xa4: {  	s25 =	simm.s32 $0x1B8E;
	s24 =	sld [smem:$0x3FFE];
	[sflag:s23] =	ssyncadd.s32 $0xFFFFFFFF  }
0xa5: {  	s26 =	simm.s32 $execute0_lowered;
	[smem:$0x3FD2] =	sst s25  }
0xa6: {  	s4 =	sshll.u32 s26, $0x1;
	_ =	strace $0x8000004C;
	[dreg:$0x1] =	wrdreg $0xFFFFFFFF  }
0xa7: {  	s28 =	simm.s32 $_size_execute0_lowered;
	s2 =	sadd.s32 s2, s4;
	[dreg:$0x0] =	wrdreg $0x0  }
0xa8: {  	s4 =	sshll.u32 s28, $0x1;
	[dreg:$0x2] =	wrdreg s2  }
0xa9: {  	[dreg:$0x3] =	wrdreg s4  }
0xaa: {  	[dreg:$0x4] =	wrdreg $0xC0  }
0xab: {  	_ =	task [dreg:s6], $0x5FFFF  }
0xac: {  	[dreg:$0x1] =	wrdreg $0xFFFFFFFF  }
0xad: {  	[dreg:$0x0] =	wrdreg $0x60  }
0xae: {  	[dreg:$0x2] =	wrdreg s24  }
0xaf: {  	[dreg:$0x3] =	wrdreg $0xA8000  }
0xb0: {  	[dreg:$0x4] =	wrdreg $0x9  }
0xb1: {  	_ =	task.clear_ibuf [dreg:s6], $0x5FFFF;
	_ =	strace $0x9000004C  }
0xb2: {  	s29 =	simm.s32 $0x9;
	_ =	strace $0x8000004E  }
0xb3: {  	_ =	swait.ge [sflag:s29], $0x1  }
0xb4: {  	[sflag:s29] =	ssyncadd.s32 $0xFFFFFFFF  }
0xb5: {  	_ =	strace $0x9000004E  }
0xb6: {  	_ =	sfence  }
0xb7: {  	s30 =	sld [smem:$0x0];
	_ =	sdelay $0x2  }
0xb8: {  	s31 =	sshll.u32 s1, $0xD;
	s1 =	sshrl.u32 s1, $0x2  }
0xb9: {  	s3 =	sand.u32 $0x4000, s31;
	s1 =	sadd.s32 s1, s30  }
0xba: {  	s0 =	sor.u32 s3, s0;
	s1 =	sshll.u32 s1, $0x11  }
0xbb: {  	s0 =	sor.u32 s1, s0  }
0xbc: {  	s0 =	sadd.s32 $0x8F2B, s0  }
0xbd: {  	[sflag:s0] =	ssyncadd.remote.s32 $0x1  }
0xbe: {  	_ =	sfence.sel $0xFFFF  }
0xbf: {  	[dreg:$0x0] =	wrdreg $0xFFFFFFFF;
	(pc) =	sbr.abs _section_cstart, $3  }
0xc0: {  	[dreg:$0x1] =	wrdreg $0xFFFFFFFF  }
0xc1: {  	_ =	task.clear_ibuf [dreg:s6], $0x2FFFF;
	_ =	strace $0x9FFFFFFF  }
0xc2: {  	(tm) =	ssettm $0x7FFFFFFF  }
0xc3: {  	_ =	shalt  }
tec
execute0_lowered:
.L_overlay_start_1:
0x0: {  	(tag) =	ssettag $0x1  }
0x1: {  	s5 =	rddreg [dreg:$0x0]  }
0x2: {  	s2 =	rddreg [dreg:$0x1]  }
0x3: {  	s0 =	rddreg [dreg:$0x2];
	s3 =	simm.s32 $0x0;
	s1 =	stileid.u32  }
0x4: {  	s4 =	srdreg.scid;
	s16 =	simm.s32 $0x80;
	s17 =	simm.s32 $0x2800  }
0x5: {  	s18 =	simm.s32 $0x6800;
	s19 =	simm.s32 $0x1;
	s20 =	simm.s32 $0x0  }
0x6: {  	[smem:$0x7FF] =	sst s3;
	s6 =	smul.u32 $0x13C00, s1;
	s7 =	sand.u32 $0x1, s4  }
0x7: {  	s4 =	sadd.s32 $0x19600, s5;
	s9 =	sadd.s32 $0x5600, s5;
	s11 =	sadd.s32 $0xF600, s5  }
0x8: {  	s25 =	smul.u32 $0x4F000, s1;
	s12 =	sshll.u32 s1, $0x1;
	s30 =	sshll.u32 s1, $0x6  }
0x9: {  	_ =	strace $0x8000004D;
	s8 =	smul.u32 $0x13C000, s7;
	s26 =	ssub.s32 $0x2, s7  }
0xa: {  	s28 =	sor.u32 s7, s12;
	s10 =	sshrl.u32 s6, $0x3;
	s29 =	sshrl.u32 s26, $0x1  }
0xb: {  	s12 =	smul.u32 $0x2800, s28;
	s10 =	sadd.s32 s10, s5;
	s6 =	sadd.s32 s6, s8  }
0xc: {  	s8 =	sshrl.u32 s25, $0x2;
	s14 =	ssub.s32 s26, s29;
	s6 =	sshrl.u32 s6, $0x3  }
0xd: {  	s15 =	sadd.s32 s8, s2;
	s31 =	sshrl.u32 s12, $0x3;
	s12 =	smax.u32 s14, $0x1  }
0xe: {  	s14 =	simm.s32 $0x2;
	s13 =	sadd.s32 s6, s5;
	s5 =	sadd.s32 $0x40E00, s10  }
0xf: {  	s6 =	sor.u32 $0x1C02, s30;
	s7 =	sadd.s32 s9, s31;
	s10 =	sadd.s32 $0x280, s31  }
0x10: {  	s8 =	sadd.s32 s11, s31;
	s9 =	sadd.s32 s9, s10;
	s10 =	sadd.s32 s11, s10  }
0x11: {  	s11 =	sadd.s32 $0x68600, s13;
	s13 =	sshrl.u32 s15, $0x3;
	s15 =	simm.s32 $0x1400  }
.LBB2_1:
0x12: {  	[spmem:s13], [sflag:s6] =	dma.local [hbm:s5], $0x2780  }
0x13: {  	_ =	swait.ge [sflag:s14], $0x2780  }
0x14: {  	[sflag:s14] =	ssyncset.done $0x0  }
0x15: {  	[sflag:s14] =	ssyncadd.s32 $0xFFFFD880  }
0x16: {  	[bflag:$0x0] =	sbarrier.arrive $0xFFFF  }
0x17: {  	[tilespmem:s3], [sflag:$0x2] =	stream.linear.gather [hbm4b:s7+s3], $0x1400, $0x38;
	[tilespmem:$0x1E400] =	vst v63  }
0x18: {  	_ =	swait.ge [sflag:s14], $0x1400  }
0x19: {  	[sflag:s14] =	ssyncset.done $0x0  }
0x1a: {  	[sflag:s14] =	ssyncadd.s32 $0xFFFFEC00  }
0x1b: {  	[tilespmem:s15], [sflag:$0x2] =	stream.linear.gather [hbm4b:s8+s3], $0x1400, $0x38;
	[tilespmem:$0x1E400] =	vst v63  }
0x1c: {  	_ =	swait.ge [sflag:s14], $0x1400  }
0x1d: {  	[sflag:s14] =	ssyncset.done $0x0  }
0x1e: {  	s21 =	simm.s32 $0x0;
	[sflag:s14] =	ssyncadd.s32 $0xFFFFEC00  }
0x1f: {  	[tilespmem:s17], [sflag:$0x1] =	stream.indirect.gather [hbm4b:s4+s16], $0x80, s21, s16, $0xb8;
	[tilespmem:$0x1E400] =	vst v63  }
0x20: {  	s29 =	simm.s32 $0x80  }
0x21: {  	[tilespmem:s18], [sflag:$0x1] =	stream.indirect.gather [hbm4b:s4+s16], $0x80, s29, s16, $0xb8;
	[tilespmem:$0x1E400] =	vst v63  }
0x22: {  	_ =	swait.ge [sflag:s19], $0x4000  }
0x23: {  	[sflag:s19] =	ssyncset.done $0x0  }
0x24: {  	s30 =	simm.s32 $0x1400;
	[sflag:s19] =	ssyncadd.s32 $0xFFFFC000  }
0x25: {  	[spmem:s2] =	stream.indirect.scatter.add.f32 [tilespmem:s17], [sflag:$0x2], $0x80, s30, s16, $0xb8;
	[tilespmem:$0x1E400] =	vst v63  }
0x26: {  	_ =	swait.ge [sflag:s14], $0x4000  }
0x27: {  	[sflag:s14] =	ssyncset.done $0x0  }
0x28: {  	[sflag:s14] =	ssyncadd.s32 $0xFFFFC000  }
0x29: {  	_ =	swait.ge [sflag:s19], $0x4000  }
0x2a: {  	[sflag:s19] =	ssyncset.done $0x0  }
0x2b: {  	s31 =	simm.s32 $0x1480;
	[sflag:s19] =	ssyncadd.s32 $0xFFFFC000  }
0x2c: {  	[spmem:s2] =	stream.indirect.scatter.add.f32 [tilespmem:s18], [sflag:$0x2], $0x80, s31, s16, $0xb8;
	[tilespmem:$0x1E400] =	vst v63  }
0x2d: {  	_ =	swait.ge [sflag:s14], $0x4000  }
0x2e: {  	s22 =	simm.s32 $0x800;
	s21 =	simm.s32 $0x400;
	[sflag:s14] =	ssyncset.done $0x0  }
.LBB2_2:
0x2f: {  	s23 =	sshra.s32 s21, $0x2  }
0x30: {  	[sflag:s14] =	ssyncadd.s32 $0xFFFFC000;
	s21 =	smov.u32 s22;
	s24 =	sadd.s32 $0x400, s22  }
0x31: {  	[tilespmem:s17], [sflag:$0x1] =	stream.indirect.gather [hbm4b:s4+s16], $0x80, s23, s16, $0xb8;
	[tilespmem:$0x1E400] =	vst v63  }
0x32: {  	p0 =	sne.s32 s22, $0x4C00;
	s22 =	sadd.s32 $0x80, s23  }
0x33: {  	[tilespmem:s18], [sflag:$0x1] =	stream.indirect.gather [hbm4b:s4+s16], $0x80, s22, s16, $0xb8;
	[tilespmem:$0x1E400] =	vst v63  }
0x34: {  	_ =	swait.ge [sflag:s19], $0x4000  }
0x35: {  	[sflag:s19] =	ssyncset.done $0x0  }
0x36: {  	s22 =	sadd.s32 $0x1400, s23;
	[sflag:s19] =	ssyncadd.s32 $0xFFFFC000  }
0x37: {  	[spmem:s2] =	stream.indirect.scatter.add.f32 [tilespmem:s17], [sflag:$0x2], $0x80, s22, s16, $0xb8;
	[tilespmem:$0x1E400] =	vst v63  }
0x38: {  	_ =	swait.ge [sflag:s14], $0x4000  }
0x39: {  	[sflag:s14] =	ssyncset.done $0x0  }
0x3a: {  	[sflag:s14] =	ssyncadd.s32 $0xFFFFC000  }
0x3b: {  	_ =	swait.ge [sflag:s19], $0x4000  }
.Ltmp0:
0x3c: {  	[sflag:s19] =	ssyncset.done $0x0;
	(pc) =	sbr.rel @p0 .LBB2_2-.Ltmp0, $4  }
0x3d: {  	s22 =	sadd.s32 $0x1480, s23;
	[sflag:s19] =	ssyncadd.s32 $0xFFFFC000  }
0x3e: {  	[spmem:s2] =	stream.indirect.scatter.add.f32 [tilespmem:s18], [sflag:$0x2], $0x80, s22, s16, $0xb8;
	[tilespmem:$0x1E400] =	vst v63  }
0x3f: {  	_ =	swait.ge [sflag:s14], $0x4000  }
0x40: {  	s22 =	smov.u32 s24;
	[sflag:s14] =	ssyncset.done $0x0  }
0x41: {  	s21 =	sshra.s32 s21, $0x2;
	[sflag:s14] =	ssyncadd.s32 $0xFFFFC000  }
0x42: {  	[tilespmem:s17], [sflag:$0x1] =	stream.indirect.gather [hbm4b:s4+s16], $0x80, s21, s16, $0xb8;
	[tilespmem:$0x1E400] =	vst v63  }
0x43: {  	s22 =	sadd.s32 $0x80, s21  }
0x44: {  	[tilespmem:s18], [sflag:$0x1] =	stream.indirect.gather [hbm4b:s4+s16], $0x80, s22, s16, $0xb8;
	[tilespmem:$0x1E400] =	vst v63  }
0x45: {  	_ =	swait.ge [sflag:s19], $0x4000  }
0x46: {  	[sflag:s19] =	ssyncset.done $0x0  }
0x47: {  	s25 =	sadd.s32 $0x1400, s21;
	[sflag:s19] =	ssyncadd.s32 $0xFFFFC000  }
0x48: {  	[spmem:s2] =	stream.indirect.scatter.add.f32 [tilespmem:s17], [sflag:$0x2], $0x80, s25, s16, $0xb8;
	[tilespmem:$0x1E400] =	vst v63  }
0x49: {  	_ =	swait.ge [sflag:s14], $0x4000  }
0x4a: {  	[sflag:s14] =	ssyncset.done $0x0  }
0x4b: {  	[sflag:s14] =	ssyncadd.s32 $0xFFFFC000  }
0x4c: {  	_ =	swait.ge [sflag:s19], $0x4000  }
0x4d: {  	[sflag:s19] =	ssyncset.done $0x0  }
0x4e: {  	s21 =	sadd.s32 $0x1480, s21;
	[sflag:s19] =	ssyncadd.s32 $0xFFFFC000  }
0x4f: {  	[spmem:s2] =	stream.indirect.scatter.add.f32 [tilespmem:s18], [sflag:$0x2], $0x80, s21, s16, $0xb8;
	[tilespmem:$0x1E400] =	vst v63  }
0x50: {  	_ =	swait.ge [sflag:s14], $0x4000  }
0x51: {  	[sflag:s14] =	ssyncset.done $0x0  }
0x52: {  	s26 =	simm.s32 $0x0;
	[sflag:s14] =	ssyncadd.s32 $0xFFFFC000  }
0x53: {  	[tilespmem:s26], [sflag:$0x2] =	stream.linear.gather [hbm4b:s9+s26], $0x1400, $0x38;
	[tilespmem:$0x1E400] =	vst v63  }
0x54: {  	_ =	swait.ge [sflag:s14], $0x1400  }
0x55: {  	[sflag:s14] =	ssyncset.done $0x0  }
0x56: {  	[sflag:s14] =	ssyncadd.s32 $0xFFFFEC00  }
0x57: {  	[tilespmem:s15], [sflag:$0x2] =	stream.linear.gather [hbm4b:s10+s26], $0x1400, $0x38;
	[tilespmem:$0x1E400] =	vst v63  }
0x58: {  	_ =	swait.ge [sflag:s14], $0x1400  }
0x59: {  	[sflag:s14] =	ssyncset.done $0x0  }
0x5a: {  	s28 =	simm.s32 $0x0;
	[sflag:s14] =	ssyncadd.s32 $0xFFFFEC00  }
0x5b: {  	[tilespmem:s17], [sflag:$0x1] =	stream.indirect.gather [hbm4b:s4+s16], $0x80, s28, s16, $0xb8;
	[tilespmem:$0x1E400] =	vst v63  }
0x5c: {  	s29 =	simm.s32 $0x80  }
0x5d: {  	[tilespmem:s18], [sflag:$0x1] =	stream.indirect.gather [hbm4b:s4+s16], $0x80, s29, s16, $0xb8;
	[tilespmem:$0x1E400] =	vst v63  }
0x5e: {  	_ =	swait.ge [sflag:s19], $0x4000  }
0x5f: {  	[sflag:s19] =	ssyncset.done $0x0  }
0x60: {  	s30 =	simm.s32 $0x1400;
	[sflag:s19] =	ssyncadd.s32 $0xFFFFC000  }
0x61: {  	[spmem:s2] =	stream.indirect.scatter.add.f32 [tilespmem:s17], [sflag:$0x2], $0x80, s30, s16, $0xb8;
	[tilespmem:$0x1E400] =	vst v63  }
0x62: {  	_ =	swait.ge [sflag:s14], $0x4000  }
0x63: {  	[sflag:s14] =	ssyncset.done $0x0  }
0x64: {  	[sflag:s14] =	ssyncadd.s32 $0xFFFFC000  }
0x65: {  	_ =	swait.ge [sflag:s19], $0x4000  }
0x66: {  	[sflag:s19] =	ssyncset.done $0x0  }
0x67: {  	s31 =	simm.s32 $0x1480;
	[sflag:s19] =	ssyncadd.s32 $0xFFFFC000  }
0x68: {  	[spmem:s2] =	stream.indirect.scatter.add.f32 [tilespmem:s18], [sflag:$0x2], $0x80, s31, s16, $0xb8;
	[tilespmem:$0x1E400] =	vst v63  }
0x69: {  	_ =	swait.ge [sflag:s14], $0x4000  }
0x6a: {  	s22 =	simm.s32 $0x800;
	s21 =	simm.s32 $0x400;
	[sflag:s14] =	ssyncset.done $0x0  }
.LBB2_4:
0x6b: {  	s23 =	sshra.s32 s21, $0x2  }
0x6c: {  	[sflag:s14] =	ssyncadd.s32 $0xFFFFC000;
	s21 =	smov.u32 s22;
	s24 =	sadd.s32 $0x400, s22  }
0x6d: {  	[tilespmem:s17], [sflag:$0x1] =	stream.indirect.gather [hbm4b:s4+s16], $0x80, s23, s16, $0xb8;
	[tilespmem:$0x1E400] =	vst v63  }
0x6e: {  	p0 =	sne.s32 s22, $0x4C00;
	s22 =	sadd.s32 $0x80, s23  }
0x6f: {  	[tilespmem:s18], [sflag:$0x1] =	stream.indirect.gather [hbm4b:s4+s16], $0x80, s22, s16, $0xb8;
	[tilespmem:$0x1E400] =	vst v63  }
0x70: {  	_ =	swait.ge [sflag:s19], $0x4000  }
0x71: {  	[sflag:s19] =	ssyncset.done $0x0  }
0x72: {  	s22 =	sadd.s32 $0x1400, s23;
	[sflag:s19] =	ssyncadd.s32 $0xFFFFC000  }
0x73: {  	[spmem:s2] =	stream.indirect.scatter.add.f32 [tilespmem:s17], [sflag:$0x2], $0x80, s22, s16, $0xb8;
	[tilespmem:$0x1E400] =	vst v63  }
0x74: {  	_ =	swait.ge [sflag:s14], $0x4000  }
0x75: {  	[sflag:s14] =	ssyncset.done $0x0  }
0x76: {  	[sflag:s14] =	ssyncadd.s32 $0xFFFFC000  }
0x77: {  	_ =	swait.ge [sflag:s19], $0x4000  }
.Ltmp1:
0x78: {  	[sflag:s19] =	ssyncset.done $0x0;
	(pc) =	sbr.rel @p0 .LBB2_4-.Ltmp1, $4  }
0x79: {  	s22 =	sadd.s32 $0x1480, s23;
	[sflag:s19] =	ssyncadd.s32 $0xFFFFC000  }
0x7a: {  	[spmem:s2] =	stream.indirect.scatter.add.f32 [tilespmem:s18], [sflag:$0x2], $0x80, s22, s16, $0xb8;
	[tilespmem:$0x1E400] =	vst v63  }
0x7b: {  	_ =	swait.ge [sflag:s14], $0x4000  }
0x7c: {  	s22 =	smov.u32 s24;
	[sflag:s14] =	ssyncset.done $0x0  }
0x7d: {  	s21 =	sshra.s32 s21, $0x2;
	[sflag:s14] =	ssyncadd.s32 $0xFFFFC000  }
0x7e: {  	[tilespmem:s17], [sflag:$0x1] =	stream.indirect.gather [hbm4b:s4+s16], $0x80, s21, s16, $0xb8;
	[tilespmem:$0x1E400] =	vst v63  }
0x7f: {  	s22 =	sadd.s32 $0x80, s21  }
0x80: {  	[tilespmem:s18], [sflag:$0x1] =	stream.indirect.gather [hbm4b:s4+s16], $0x80, s22, s16, $0xb8;
	[tilespmem:$0x1E400] =	vst v63  }
0x81: {  	_ =	swait.ge [sflag:s19], $0x4000  }
0x82: {  	[sflag:s19] =	ssyncset.done $0x0  }
0x83: {  	s31 =	sadd.s32 $0x1400, s21;
	[sflag:s19] =	ssyncadd.s32 $0xFFFFC000  }
0x84: {  	[spmem:s2] =	stream.indirect.scatter.add.f32 [tilespmem:s17], [sflag:$0x2], $0x80, s31, s16, $0xb8;
	[tilespmem:$0x1E400] =	vst v63  }
0x85: {  	_ =	swait.ge [sflag:s14], $0x4000  }
0x86: {  	[sflag:s14] =	ssyncset.done $0x0  }
0x87: {  	[sflag:s14] =	ssyncadd.s32 $0xFFFFC000  }
0x88: {  	_ =	swait.ge [sflag:s19], $0x4000  }
0x89: {  	[sflag:s19] =	ssyncset.done $0x0  }
0x8a: {  	s21 =	sadd.s32 $0x1480, s21;
	[sflag:s19] =	ssyncadd.s32 $0xFFFFC000  }
0x8b: {  	[spmem:s2] =	stream.indirect.scatter.add.f32 [tilespmem:s18], [sflag:$0x2], $0x80, s21, s16, $0xb8;
	[tilespmem:$0x1E400] =	vst v63  }
0x8c: {  	_ =	swait.ge [sflag:s14], $0x4000  }
0x8d: {  	s20 =	sadd.s32 $0x1, s20;
	[sflag:s14] =	ssyncset.done $0x0  }
0x8e: {  	p0 =	sne.s32 s20, s12;
	[sflag:s14] =	ssyncadd.s32 $0xFFFFC000  }
.Ltmp2:
0x8f: {  	[bflag:$0x0] =	sbarrier.arrive $0xFFFF;
	(pc) =	sbr.rel @p0 .LBB2_1-.Ltmp2, $4  }
0x90: {  	[hbm:s11], [sflag:s6] =	dma.local [spmem:s13], $0x2780  }
0x91: {  	_ =	swait.ge [sflag:s14], $0x2780  }
0x92: {  	[sflag:s14] =	ssyncset.done $0x0  }
0x93: {  	[sflag:s14] =	ssyncadd.s32 $0xFFFFD880  }
0x94: {  	_ =	sfence.sel $0x180000  }
0x95: {  	[bflag:$0x0] =	sbarrier.arrive $0xFFFF  }
0x96: {  	p0 =	sne.s32 s1, $0x0;
	_ =	strace $0x9000004D  }
0x97: {  	s0 =	sadd.s32 @!p0 $0x100000, s0;
	[bflag:$0x2] =	sbarrier.arrive $0xFFFF  }
0x98: {  	[sflag:s0] =	ssyncadd.tile.s32 @!p0 $0x1;
	_ =	shalt  }
.Lfunc_end2:
_tile_overlayer_lowered:
.L_overlay_start_2:
0x99: {  	(tag) =	ssettag $0x2  }
0x9a: {  	s0 =	rddreg [dreg:$0x0];
	s2 =	stileid.u32  }
0x9b: {  	s1 =	rddreg [dreg:$0x1];
	p0 =	sne.s32 s2, $0x0  }
0x9c: {  	s3 =	rddreg [dreg:$0x2];
	[bflag:$0x3] =	sbarrier.arrive $0xFFFF;
	s2 =	simm.s32 @!p0 $0x1C02  }
0x9d: {  	[timem:s3], [sflag:s2] =	dma.local @!p0 [hbm:s0], s1  }
0x9e: {  	s0 =	simm.s32 @!p0 $0x2  }
0x9f: {  	_ =	swait.ge @!p0 [sflag:s0], s1  }
0xa0: {  	s1 =	ssub.s32 @!p0 $0x0, s1;
	[sflag:s0] =	ssyncset.done @!p0 $0x0  }
0xa1: {  	[sflag:s0] =	ssyncadd.s32 @!p0 s1  }
0xa2: {  	[bflag:$0x3] =	sbarrier.arrive $0xFFFF  }
0xa3: {  	_ =	shalt  }

// kernel: kernel.19.cloned.1.call-start
scs
__scs_entry_jumppad:
0x0: {  	(pc) =	sbr.rel $0x88, $3  }
0x1: {  	(tag) =	ssettag $0x0;
	lr =	simm.s32 $0x1  }
0x2: {  	[smem:$0x3F88] =	sst lr;
	_ =	strace $0xD0000000  }
0x3: {  	_ = 	snop  }
0x4: {  	_ = 	snop  }
0x5: {  	_ = 	snop  }
0x6: {  	_ = 	snop  }
0x7: {  	_ = 	snop  }
__scs_overlays_trampoline_lowered:
0x8: {  	[smem:$0x3F97] =	sst s0  }
0x9: {  	[smem:$0x3F98] =	sst s1  }
0xa: {  	[smem:$0x3F99] =	sst s2  }
0xb: {  	[smem:$0x3F9A] =	sst s3  }
0xc: {  	[smem:$0x3F9B] =	sst s4  }
0xd: {  	[smem:$0x3F9C] =	sst s5  }
0xe: {  	[smem:$0x3F9D] =	sst s6  }
0xf: {  	[smem:$0x3F9E] =	sst s7  }
0x10: {  	[smem:$0x3F9F] =	sst s8  }
0x11: {  	[smem:$0x3FA0] =	sst s9;
	s0 =	simm.s32 @!p0 $0x0  }
0x12: {  	s1 =	sld [smem:$0x3F86];
	s0 =	simm.s32 @p0 $0x1  }
0x13: {  	[smem:$0x3FA1] =	sst s0;
	s0 =	simm.s32 @!p1 $0x0  }
0x14: {  	s2 =	sld [smem:$0x3F85];
	s0 =	simm.s32 @p1 $0x1  }
0x15: {  	[smem:$0x3FA2] =	sst s0;
	s0 =	simm.s32 @!p2 $0x0  }
0x16: {  	s3 =	sld [smem:$0x3FDB];
	s0 =	simm.s32 @p2 $0x1  }
0x17: {  	s4 =	simm.s32 $0x1BF5;
	[smem:$0x3FA4] =	sst s0  }
0x18: {  	s0 =	sld [smem:$0x3F87];
	_ =	swait.ge [sflag:s4], $0x0  }
0x19: {  	s7 =	sld [smem:$0x3F88]  }
0x1a: {  	s8 =	sadd.s32 $0xFFFFE003, lr  }
0x1b: {  	s9 =	sadd.s32 $0xFFFFFEF7, lr;
	s5 =	simm.s32 $0xFFFFFFFF;
	p2 =	slt.u32 s8, $0xFFFFF086  }
0x1c: {  	p1 =	slt.u32 s9, $0xF7A;
	s5 =	simm.s32 @!p2 $0x0  }
0x1d: {  	s5 =	simm.s32 @p1 $0x1;
	p0 =	seq.s32 s7, s2  }
0x1e: {  	s7 =	smul.u32 @!p0 $0xF7A, s2;
	p2 =	seq.s32 @!p0 s5, $0x0  }
0x1f: {  	s9 =	smul.u32 $0xF7A, s1;
	s8 =	simm.s32 @!p0 $0x1BF5;
	p2 =	por !p2, p0  }
0x20: {  	[sflag:s8] =	ssyncset.s32 @!p0 $0xFFFFF086;
	s6 =	sadd.s32 @!p0 s3, s7;
	s7 =	simm.s32 @!p0 $0x108  }
0x21: {  	s3 =	sadd.s32 s3, s9;
	s6 =	sadd.s32 @!p0 $0x88, s6;
	s7 =	simm.s32 @p2 $0x1082  }
0x22: {  	[simem:s7], [sflag:s8] =	dma.local @!p0 [hbm:s6], $0xF7A  }
0x23: {  	s9 =	sor.u32 $0xD0000000, s2;
	s6 =	simm.s32 $0x108;
	_ =	swait.ge @!p0 [sflag:s8], $0x0  }
0x24: {  	s3 =	sadd.s32 $0x88, s3;
	s6 =	simm.s32 @!p1 $0x1082;
	[sflag:s4] =	ssyncset.s32 $0xFFFFF086  }
0x25: {  	[simem:s6], [sflag:s4] =	dma.local [hbm:s3], $0xF7A  }
0x26: {  	[smem:$0x3F88] =	sst s1;
	(tag) =	ssettag s2;
	_ =	strace s9  }
0x27: {  	s1 =	sld [smem:$0x3F98]  }
0x28: {  	s2 =	sld [smem:$0x3F99]  }
0x29: {  	s4 =	sld [smem:$0x3F9B]  }
0x2a: {  	p0 =	seq.s32 s5, $0x0;
	s5 =	sld [smem:$0x3F9C]  }
0x2b: {  	s6 =	sld [smem:$0x3F9D]  }
0x2c: {  	s7 =	sld [smem:$0x3F9E]  }
0x2d: {  	s3 =	simm.s32 $0x108;
	s8 =	sld [smem:$0x3F9F]  }
0x2e: {  	s3 =	simm.s32 @!p0 $0x1082;
	s9 =	sld [smem:$0x3FA0]  }
0x2f: {  	lr =	sadd.s32 s0, s3;
	s0 =	sld [smem:$0x3F97]  }
0x30: {  	s3 =	sld [smem:$0x3F9A]  }
0x31: {  	[smem:$0x3FA3] =	sst s10  }
0x32: {  	s10 =	sld [smem:$0x3FA1];
	_ =	sdelay $0x3  }
0x33: {  	p0 =	seq.s32 s10, $0x1;
	s10 =	sld [smem:$0x3FA3];
	_ =	sdelay $0x3  }
0x34: {  	[smem:$0x3FA3] =	sst s10  }
0x35: {  	s10 =	sld [smem:$0x3FA2];
	_ =	sdelay $0x3  }
0x36: {  	p1 =	seq.s32 s10, $0x1;
	s10 =	sld [smem:$0x3FA3];
	_ =	sdelay $0x3  }
0x37: {  	[smem:$0x3FA3] =	sst s10  }
0x38: {  	s10 =	sld [smem:$0x3FA4]  }
0x39: {  	_ = 	snop;
	(pc) =	sbr.ind lr, $3  }
0x3a: {  	_ = 	snop  }
0x3b: {  	_ = 	snop  }
0x3c: {  	p2 =	seq.s32 s10, $0x1;
	s10 =	sld [smem:$0x3FA3]  }
0x3d: {  	_ =	shalt  }
0x3e: {  	_ =	shalt  }
0x3f: {  	_ =	shalt  }
0x40: {  	_ =	shalt  }
0x41: {  	_ =	shalt  }
0x42: {  	_ =	shalt  }
0x43: {  	_ =	shalt  }
0x44: {  	_ =	shalt  }
0x45: {  	_ =	shalt  }
0x46: {  	_ =	shalt  }
0x47: {  	_ =	shalt  }
0x48: {  	_ =	shalt  }
0x49: {  	_ =	shalt  }
0x4a: {  	_ =	shalt  }
0x4b: {  	_ =	shalt  }
0x4c: {  	_ =	shalt  }
0x4d: {  	_ =	shalt  }
0x4e: {  	_ =	shalt  }
0x4f: {  	_ =	shalt  }
0x50: {  	_ =	shalt  }
0x51: {  	_ =	shalt  }
0x52: {  	_ =	shalt  }
0x53: {  	_ =	shalt  }
0x54: {  	_ =	shalt  }
0x55: {  	_ =	shalt  }
0x56: {  	_ =	shalt  }
0x57: {  	_ =	shalt  }
0x58: {  	_ =	shalt  }
0x59: {  	_ =	shalt  }
0x5a: {  	_ =	shalt  }
0x5b: {  	_ =	shalt  }
0x5c: {  	_ =	shalt  }
0x5d: {  	_ =	shalt  }
0x5e: {  	_ =	shalt  }
0x5f: {  	_ =	shalt  }
0x60: {  	_ =	shalt  }
0x61: {  	_ =	shalt  }
0x62: {  	_ =	shalt  }
0x63: {  	_ =	shalt  }
0x64: {  	_ =	shalt  }
0x65: {  	_ =	shalt  }
0x66: {  	_ =	shalt  }
0x67: {  	_ =	shalt  }
0x68: {  	_ =	shalt  }
0x69: {  	_ =	shalt  }
0x6a: {  	_ =	shalt  }
0x6b: {  	_ =	shalt  }
0x6c: {  	_ =	shalt  }
0x6d: {  	_ =	shalt  }
0x6e: {  	_ =	shalt  }
0x6f: {  	_ =	shalt  }
0x70: {  	_ =	shalt  }
0x71: {  	_ =	shalt  }
0x72: {  	_ =	shalt  }
0x73: {  	_ =	shalt  }
0x74: {  	_ =	shalt  }
0x75: {  	_ =	shalt  }
0x76: {  	_ =	shalt  }
0x77: {  	_ =	shalt  }
0x78: {  	_ =	shalt  }
0x79: {  	_ =	shalt  }
0x7a: {  	_ =	shalt  }
0x7b: {  	_ =	shalt  }
0x7c: {  	_ =	shalt  }
0x7d: {  	_ =	shalt  }
0x7e: {  	_ =	shalt  }
0x7f: {  	_ =	shalt  }
0x80: {  	_ =	shalt  }
0x81: {  	_ =	shalt  }
0x82: {  	_ =	shalt  }
0x83: {  	_ =	shalt  }
0x84: {  	_ =	shalt  }
0x85: {  	_ =	shalt  }
0x86: {  	_ =	shalt  }
0x87: {  	_ =	shalt  }
.Lfunc_end0:
.L_simem_size_0:
called_computation.3_lowered:
.L_overlay_start_0:
0x88: {  	s2 =	sld [smem:$0x3FD9]  }
0x89: {  	s3 =	sld [smem:$0x3FFE];
	_ =	sdelay $0x1  }
0x8a: {  	s1 =	srdreg.scid  }
0x8b: {  	s0 =	sand.u32 $0x1, s1  }
0x8c: {  	s16 =	sshll.u32 s0, $0xA;
	s2 =	sadd.s32 s3, s2  }
0x8d: {  	s2 =	sadd.s32 s2, s16  }
0x8e: {  	[smem:$0x3FAF] =	sst s2  }
0x8f: {  	_ = 	snop  }
0x90: {  	(tm) =	ssettm $0x1  }
0x91: {  	s17 =	sld [smem:$0x3FFB];
	_ =	sdelay $0x3  }
0x92: {  	_ =	strace s17  }
0x93: {  	s2 =	sld [smem:$0x3FFC];
	_ =	sdelay $0x3  }
0x94: {  	_ =	strace s2  }
0x95: {  	s2 =	sld [smem:$0x3FFD];
	_ =	sdelay $0x3  }
0x96: {  	_ =	strace s2  }
0x97: {  	_ =	strace $0x8FFFFFFF  }
0x98: {  	s18 =	sld [smem:$0x3FDB];
	_ =	sdelay $0x1  }
0x99: {  	s19 =	simm.s32 $_scs_section_size  }
0x9a: {  	s4 =	simm.s32 $_size__tile_overlayer_lowered;
	s5 =	simm.s32 $_tile_overlayer_lowered  }
0x9b: {  	s22 =	simm.s32 $0x1BFF;
	s21 =	sshll.u32 s5, $0x1;
	s2 =	sadd.s32 s19, s18  }
0x9c: {  	s6 =	simm.s32 $0x0;
	s20 =	sshll.u32 s4, $0x1;
	s4 =	sadd.s32 s21, s2  }
0x9d: {  	[timem:s6], [sflag:s22] =	dma.local [hbm:s4], s20  }
0x9e: {  	_ =	swait.ge [sflag:s22], s20  }
0x9f: {  	s3 =	ssub.s32 $0x0, s20;
	[sflag:s22] =	ssyncset.done $0x0  }
0xa0: {  	[sflag:s22] =	ssyncadd.s32 s3;
	_ =	sdelay $0x1  }
0xa1: {  	s23 =	simm.s32 $0x1B8B  }
0xa2: {  	_ =	swait.ge [sflag:s23], $0x1  }
0xa3: {  	[sflag:s23] =	ssyncset.done $0x0  }
0xa4: {  	s25 =	simm.s32 $0x1B8E;
	s24 =	sld [smem:$0x3FFE];
	[sflag:s23] =	ssyncadd.s32 $0xFFFFFFFF  }
0xa5: {  	s26 =	simm.s32 $execute0_lowered;
	[smem:$0x3FD2] =	sst s25  }
0xa6: {  	s4 =	sshll.u32 s26, $0x1;
	_ =	strace $0x8000004F;
	[dreg:$0x1] =	wrdreg $0xFFFFFFFF  }
0xa7: {  	s28 =	simm.s32 $_size_execute0_lowered;
	s2 =	sadd.s32 s2, s4;
	[dreg:$0x0] =	wrdreg $0x0  }
0xa8: {  	s4 =	sshll.u32 s28, $0x1;
	[dreg:$0x2] =	wrdreg s2  }
0xa9: {  	[dreg:$0x3] =	wrdreg s4  }
0xaa: {  	[dreg:$0x4] =	wrdreg $0xC0  }
0xab: {  	_ =	task [dreg:s6], $0x5FFFF  }
0xac: {  	[dreg:$0x1] =	wrdreg $0xFFFFFFFF  }
0xad: {  	[dreg:$0x0] =	wrdreg $0x60  }
0xae: {  	[dreg:$0x2] =	wrdreg s24  }
0xaf: {  	[dreg:$0x3] =	wrdreg $0xA8000  }
0xb0: {  	[dreg:$0x4] =	wrdreg $0x9  }
0xb1: {  	_ =	task.clear_ibuf [dreg:s6], $0x5FFFF;
	_ =	strace $0x9000004F  }
0xb2: {  	s29 =	simm.s32 $0x9;
	_ =	strace $0x80000051  }
0xb3: {  	_ =	swait.ge [sflag:s29], $0x1  }
0xb4: {  	[sflag:s29] =	ssyncadd.s32 $0xFFFFFFFF  }
0xb5: {  	_ =	strace $0x90000051  }
0xb6: {  	_ =	sfence  }
0xb7: {  	s30 =	sld [smem:$0x0];
	_ =	sdelay $0x2  }
0xb8: {  	s31 =	sshll.u32 s1, $0xD;
	s1 =	sshrl.u32 s1, $0x2  }
0xb9: {  	s3 =	sand.u32 $0x4000, s31;
	s1 =	sadd.s32 s1, s30  }
0xba: {  	s0 =	sor.u32 s3, s0;
	s1 =	sshll.u32 s1, $0x11  }
0xbb: {  	s0 =	sor.u32 s1, s0  }
0xbc: {  	s0 =	sadd.s32 $0x8F2B, s0  }
0xbd: {  	[sflag:s0] =	ssyncadd.remote.s32 $0x1  }
0xbe: {  	_ =	sfence.sel $0xFFFF  }
0xbf: {  	[dreg:$0x0] =	wrdreg $0xFFFFFFFF;
	(pc) =	sbr.abs _section_cstart, $3  }
0xc0: {  	[dreg:$0x1] =	wrdreg $0xFFFFFFFF  }
0xc1: {  	_ =	task.clear_ibuf [dreg:s6], $0x2FFFF;
	_ =	strace $0x9FFFFFFF  }
0xc2: {  	(tm) =	ssettm $0x7FFFFFFF  }
0xc3: {  	_ =	shalt  }
tec
execute0_lowered:
.L_overlay_start_1:
0x0: {  	(tag) =	ssettag $0x1  }
0x1: {  	s5 =	rddreg [dreg:$0x0]  }
0x2: {  	s2 =	rddreg [dreg:$0x1]  }
0x3: {  	s0 =	rddreg [dreg:$0x2];
	s3 =	simm.s32 $0x0;
	s1 =	stileid.u32  }
0x4: {  	s4 =	srdreg.scid;
	s16 =	simm.s32 $0x80;
	s17 =	simm.s32 $0x2800  }
0x5: {  	s18 =	simm.s32 $0x6800;
	s19 =	simm.s32 $0x1;
	s20 =	simm.s32 $0x0  }
0x6: {  	[smem:$0x7FF] =	sst s3;
	s6 =	smul.u32 $0x13C00, s1;
	s7 =	sand.u32 $0x1, s4  }
0x7: {  	s4 =	sadd.s32 $0x19600, s5;
	s9 =	sadd.s32 $0x5600, s5;
	s11 =	sadd.s32 $0xF600, s5  }
0x8: {  	s25 =	smul.u32 $0x4F000, s1;
	s12 =	sshll.u32 s1, $0x1;
	s30 =	sshll.u32 s1, $0x6  }
0x9: {  	_ =	strace $0x80000050;
	s8 =	smul.u32 $0x13C000, s7;
	s26 =	ssub.s32 $0x2, s7  }
0xa: {  	s28 =	sor.u32 s7, s12;
	s10 =	sshrl.u32 s6, $0x3;
	s29 =	sshrl.u32 s26, $0x1  }
0xb: {  	s12 =	smul.u32 $0x2800, s28;
	s10 =	sadd.s32 s10, s5;
	s6 =	sadd.s32 s6, s8  }
0xc: {  	s8 =	sshrl.u32 s25, $0x2;
	s14 =	ssub.s32 s26, s29;
	s6 =	sshrl.u32 s6, $0x3  }
0xd: {  	s15 =	sadd.s32 s8, s2;
	s31 =	sshrl.u32 s12, $0x3;
	s12 =	smax.u32 s14, $0x1  }
0xe: {  	s14 =	simm.s32 $0x2;
	s13 =	sadd.s32 s6, s5;
	s5 =	sadd.s32 $0x40E00, s10  }
0xf: {  	s6 =	sor.u32 $0x1C02, s30;
	s7 =	sadd.s32 s9, s31;
	s10 =	sadd.s32 $0x280, s31  }
0x10: {  	s8 =	sadd.s32 s11, s31;
	s9 =	sadd.s32 s9, s10;
	s10 =	sadd.s32 s11, s10  }
0x11: {  	s11 =	sadd.s32 $0x68600, s13;
	s13 =	sshrl.u32 s15, $0x3;
	s15 =	simm.s32 $0x1400  }
.LBB2_1:
0x12: {  	[spmem:s13], [sflag:s6] =	dma.local [hbm:s5], $0x2780  }
0x13: {  	_ =	swait.ge [sflag:s14], $0x2780  }
0x14: {  	[sflag:s14] =	ssyncset.done $0x0  }
0x15: {  	[sflag:s14] =	ssyncadd.s32 $0xFFFFD880  }
0x16: {  	[bflag:$0x0] =	sbarrier.arrive $0xFFFF  }
0x17: {  	[tilespmem:s3], [sflag:$0x2] =	stream.linear.gather [hbm4b:s7+s3], $0x1400, $0x38;
	[tilespmem:$0x1E400] =	vst v63  }
0x18: {  	_ =	swait.ge [sflag:s14], $0x1400  }
0x19: {  	[sflag:s14] =	ssyncset.done $0x0  }
0x1a: {  	[sflag:s14] =	ssyncadd.s32 $0xFFFFEC00  }
0x1b: {  	[tilespmem:s15], [sflag:$0x2] =	stream.linear.gather [hbm4b:s8+s3], $0x1400, $0x38;
	[tilespmem:$0x1E400] =	vst v63  }
0x1c: {  	_ =	swait.ge [sflag:s14], $0x1400  }
0x1d: {  	[sflag:s14] =	ssyncset.done $0x0  }
0x1e: {  	s21 =	simm.s32 $0x0;
	[sflag:s14] =	ssyncadd.s32 $0xFFFFEC00  }
0x1f: {  	[tilespmem:s17], [sflag:$0x1] =	stream.indirect.gather [hbm4b:s4+s16], $0x80, s21, s16, $0xb8;
	[tilespmem:$0x1E400] =	vst v63  }
0x20: {  	s29 =	simm.s32 $0x80  }
0x21: {  	[tilespmem:s18], [sflag:$0x1] =	stream.indirect.gather [hbm4b:s4+s16], $0x80, s29, s16, $0xb8;
	[tilespmem:$0x1E400] =	vst v63  }
0x22: {  	_ =	swait.ge [sflag:s19], $0x4000  }
0x23: {  	[sflag:s19] =	ssyncset.done $0x0  }
0x24: {  	s30 =	simm.s32 $0x1400;
	[sflag:s19] =	ssyncadd.s32 $0xFFFFC000  }
0x25: {  	[spmem:s2] =	stream.indirect.scatter.add.f32 [tilespmem:s17], [sflag:$0x2], $0x80, s30, s16, $0xb8;
	[tilespmem:$0x1E400] =	vst v63  }
0x26: {  	_ =	swait.ge [sflag:s14], $0x4000  }
0x27: {  	[sflag:s14] =	ssyncset.done $0x0  }
0x28: {  	[sflag:s14] =	ssyncadd.s32 $0xFFFFC000  }
0x29: {  	_ =	swait.ge [sflag:s19], $0x4000  }
0x2a: {  	[sflag:s19] =	ssyncset.done $0x0  }
0x2b: {  	s31 =	simm.s32 $0x1480;
	[sflag:s19] =	ssyncadd.s32 $0xFFFFC000  }
0x2c: {  	[spmem:s2] =	stream.indirect.scatter.add.f32 [tilespmem:s18], [sflag:$0x2], $0x80, s31, s16, $0xb8;
	[tilespmem:$0x1E400] =	vst v63  }
0x2d: {  	_ =	swait.ge [sflag:s14], $0x4000  }
0x2e: {  	s22 =	simm.s32 $0x800;
	s21 =	simm.s32 $0x400;
	[sflag:s14] =	ssyncset.done $0x0  }
.LBB2_2:
0x2f: {  	s23 =	sshra.s32 s21, $0x2  }
0x30: {  	[sflag:s14] =	ssyncadd.s32 $0xFFFFC000;
	s21 =	smov.u32 s22;
	s24 =	sadd.s32 $0x400, s22  }
0x31: {  	[tilespmem:s17], [sflag:$0x1] =	stream.indirect.gather [hbm4b:s4+s16], $0x80, s23, s16, $0xb8;
	[tilespmem:$0x1E400] =	vst v63  }
0x32: {  	p0 =	sne.s32 s22, $0x4C00;
	s22 =	sadd.s32 $0x80, s23  }
0x33: {  	[tilespmem:s18], [sflag:$0x1] =	stream.indirect.gather [hbm4b:s4+s16], $0x80, s22, s16, $0xb8;
	[tilespmem:$0x1E400] =	vst v63  }
0x34: {  	_ =	swait.ge [sflag:s19], $0x4000  }
0x35: {  	[sflag:s19] =	ssyncset.done $0x0  }
0x36: {  	s22 =	sadd.s32 $0x1400, s23;
	[sflag:s19] =	ssyncadd.s32 $0xFFFFC000  }
0x37: {  	[spmem:s2] =	stream.indirect.scatter.add.f32 [tilespmem:s17], [sflag:$0x2], $0x80, s22, s16, $0xb8;
	[tilespmem:$0x1E400] =	vst v63  }
0x38: {  	_ =	swait.ge [sflag:s14], $0x4000  }
0x39: {  	[sflag:s14] =	ssyncset.done $0x0  }
0x3a: {  	[sflag:s14] =	ssyncadd.s32 $0xFFFFC000  }
0x3b: {  	_ =	swait.ge [sflag:s19], $0x4000  }
.Ltmp0:
0x3c: {  	[sflag:s19] =	ssyncset.done $0x0;
	(pc) =	sbr.rel @p0 .LBB2_2-.Ltmp0, $4  }
0x3d: {  	s22 =	sadd.s32 $0x1480, s23;
	[sflag:s19] =	ssyncadd.s32 $0xFFFFC000  }
0x3e: {  	[spmem:s2] =	stream.indirect.scatter.add.f32 [tilespmem:s18], [sflag:$0x2], $0x80, s22, s16, $0xb8;
	[tilespmem:$0x1E400] =	vst v63  }
0x3f: {  	_ =	swait.ge [sflag:s14], $0x4000  }
0x40: {  	s22 =	smov.u32 s24;
	[sflag:s14] =	ssyncset.done $0x0  }
0x41: {  	s21 =	sshra.s32 s21, $0x2;
	[sflag:s14] =	ssyncadd.s32 $0xFFFFC000  }
0x42: {  	[tilespmem:s17], [sflag:$0x1] =	stream.indirect.gather [hbm4b:s4+s16], $0x80, s21, s16, $0xb8;
	[tilespmem:$0x1E400] =	vst v63  }
0x43: {  	s22 =	sadd.s32 $0x80, s21  }
0x44: {  	[tilespmem:s18], [sflag:$0x1] =	stream.indirect.gather [hbm4b:s4+s16], $0x80, s22, s16, $0xb8;
	[tilespmem:$0x1E400] =	vst v63  }
0x45: {  	_ =	swait.ge [sflag:s19], $0x4000  }
0x46: {  	[sflag:s19] =	ssyncset.done $0x0  }
0x47: {  	s25 =	sadd.s32 $0x1400, s21;
	[sflag:s19] =	ssyncadd.s32 $0xFFFFC000  }
0x48: {  	[spmem:s2] =	stream.indirect.scatter.add.f32 [tilespmem:s17], [sflag:$0x2], $0x80, s25, s16, $0xb8;
	[tilespmem:$0x1E400] =	vst v63  }
0x49: {  	_ =	swait.ge [sflag:s14], $0x4000  }
0x4a: {  	[sflag:s14] =	ssyncset.done $0x0  }
0x4b: {  	[sflag:s14] =	ssyncadd.s32 $0xFFFFC000  }
0x4c: {  	_ =	swait.ge [sflag:s19], $0x4000  }
0x4d: {  	[sflag:s19] =	ssyncset.done $0x0  }
0x4e: {  	s21 =	sadd.s32 $0x1480, s21;
	[sflag:s19] =	ssyncadd.s32 $0xFFFFC000  }
0x4f: {  	[spmem:s2] =	stream.indirect.scatter.add.f32 [tilespmem:s18], [sflag:$0x2], $0x80, s21, s16, $0xb8;
	[tilespmem:$0x1E400] =	vst v63  }
0x50: {  	_ =	swait.ge [sflag:s14], $0x4000  }
0x51: {  	[sflag:s14] =	ssyncset.done $0x0  }
0x52: {  	s26 =	simm.s32 $0x0;
	[sflag:s14] =	ssyncadd.s32 $0xFFFFC000  }
0x53: {  	[tilespmem:s26], [sflag:$0x2] =	stream.linear.gather [hbm4b:s9+s26], $0x1400, $0x38;
	[tilespmem:$0x1E400] =	vst v63  }
0x54: {  	_ =	swait.ge [sflag:s14], $0x1400  }
0x55: {  	[sflag:s14] =	ssyncset.done $0x0  }
0x56: {  	[sflag:s14] =	ssyncadd.s32 $0xFFFFEC00  }
0x57: {  	[tilespmem:s15], [sflag:$0x2] =	stream.linear.gather [hbm4b:s10+s26], $0x1400, $0x38;
	[tilespmem:$0x1E400] =	vst v63  }
0x58: {  	_ =	swait.ge [sflag:s14], $0x1400  }
0x59: {  	[sflag:s14] =	ssyncset.done $0x0  }
0x5a: {  	s28 =	simm.s32 $0x0;
	[sflag:s14] =	ssyncadd.s32 $0xFFFFEC00  }
0x5b: {  	[tilespmem:s17], [sflag:$0x1] =	stream.indirect.gather [hbm4b:s4+s16], $0x80, s28, s16, $0xb8;
	[tilespmem:$0x1E400] =	vst v63  }
0x5c: {  	s29 =	simm.s32 $0x80  }
0x5d: {  	[tilespmem:s18], [sflag:$0x1] =	stream.indirect.gather [hbm4b:s4+s16], $0x80, s29, s16, $0xb8;
	[tilespmem:$0x1E400] =	vst v63  }
0x5e: {  	_ =	swait.ge [sflag:s19], $0x4000  }
0x5f: {  	[sflag:s19] =	ssyncset.done $0x0  }
0x60: {  	s30 =	simm.s32 $0x1400;
	[sflag:s19] =	ssyncadd.s32 $0xFFFFC000  }
0x61: {  	[spmem:s2] =	stream.indirect.scatter.add.f32 [tilespmem:s17], [sflag:$0x2], $0x80, s30, s16, $0xb8;
	[tilespmem:$0x1E400] =	vst v63  }
0x62: {  	_ =	swait.ge [sflag:s14], $0x4000  }
0x63: {  	[sflag:s14] =	ssyncset.done $0x0  }
0x64: {  	[sflag:s14] =	ssyncadd.s32 $0xFFFFC000  }
0x65: {  	_ =	swait.ge [sflag:s19], $0x4000  }
0x66: {  	[sflag:s19] =	ssyncset.done $0x0  }
0x67: {  	s31 =	simm.s32 $0x1480;
	[sflag:s19] =	ssyncadd.s32 $0xFFFFC000  }
0x68: {  	[spmem:s2] =	stream.indirect.scatter.add.f32 [tilespmem:s18], [sflag:$0x2], $0x80, s31, s16, $0xb8;
	[tilespmem:$0x1E400] =	vst v63  }
0x69: {  	_ =	swait.ge [sflag:s14], $0x4000  }
0x6a: {  	s22 =	simm.s32 $0x800;
	s21 =	simm.s32 $0x400;
	[sflag:s14] =	ssyncset.done $0x0  }
.LBB2_4:
0x6b: {  	s23 =	sshra.s32 s21, $0x2  }
0x6c: {  	[sflag:s14] =	ssyncadd.s32 $0xFFFFC000;
	s21 =	smov.u32 s22;
	s24 =	sadd.s32 $0x400, s22  }
0x6d: {  	[tilespmem:s17], [sflag:$0x1] =	stream.indirect.gather [hbm4b:s4+s16], $0x80, s23, s16, $0xb8;
	[tilespmem:$0x1E400] =	vst v63  }
0x6e: {  	p0 =	sne.s32 s22, $0x4C00;
	s22 =	sadd.s32 $0x80, s23  }
0x6f: {  	[tilespmem:s18], [sflag:$0x1] =	stream.indirect.gather [hbm4b:s4+s16], $0x80, s22, s16, $0xb8;
	[tilespmem:$0x1E400] =	vst v63  }
0x70: {  	_ =	swait.ge [sflag:s19], $0x4000  }
0x71: {  	[sflag:s19] =	ssyncset.done $0x0  }
0x72: {  	s22 =	sadd.s32 $0x1400, s23;
	[sflag:s19] =	ssyncadd.s32 $0xFFFFC000  }
0x73: {  	[spmem:s2] =	stream.indirect.scatter.add.f32 [tilespmem:s17], [sflag:$0x2], $0x80, s22, s16, $0xb8;
	[tilespmem:$0x1E400] =	vst v63  }
0x74: {  	_ =	swait.ge [sflag:s14], $0x4000  }
0x75: {  	[sflag:s14] =	ssyncset.done $0x0  }
0x76: {  	[sflag:s14] =	ssyncadd.s32 $0xFFFFC000  }
0x77: {  	_ =	swait.ge [sflag:s19], $0x4000  }
.Ltmp1:
0x78: {  	[sflag:s19] =	ssyncset.done $0x0;
	(pc) =	sbr.rel @p0 .LBB2_4-.Ltmp1, $4  }
0x79: {  	s22 =	sadd.s32 $0x1480, s23;
	[sflag:s19] =	ssyncadd.s32 $0xFFFFC000  }
0x7a: {  	[spmem:s2] =	stream.indirect.scatter.add.f32 [tilespmem:s18], [sflag:$0x2], $0x80, s22, s16, $0xb8;
	[tilespmem:$0x1E400] =	vst v63  }
0x7b: {  	_ =	swait.ge [sflag:s14], $0x4000  }
0x7c: {  	s22 =	smov.u32 s24;
	[sflag:s14] =	ssyncset.done $0x0  }
0x7d: {  	s21 =	sshra.s32 s21, $0x2;
	[sflag:s14] =	ssyncadd.s32 $0xFFFFC000  }
0x7e: {  	[tilespmem:s17], [sflag:$0x1] =	stream.indirect.gather [hbm4b:s4+s16], $0x80, s21, s16, $0xb8;
	[tilespmem:$0x1E400] =	vst v63  }
0x7f: {  	s22 =	sadd.s32 $0x80, s21  }
0x80: {  	[tilespmem:s18], [sflag:$0x1] =	stream.indirect.gather [hbm4b:s4+s16], $0x80, s22, s16, $0xb8;
	[tilespmem:$0x1E400] =	vst v63  }
0x81: {  	_ =	swait.ge [sflag:s19], $0x4000  }
0x82: {  	[sflag:s19] =	ssyncset.done $0x0  }
0x83: {  	s31 =	sadd.s32 $0x1400, s21;
	[sflag:s19] =	ssyncadd.s32 $0xFFFFC000  }
0x84: {  	[spmem:s2] =	stream.indirect.scatter.add.f32 [tilespmem:s17], [sflag:$0x2], $0x80, s31, s16, $0xb8;
	[tilespmem:$0x1E400] =	vst v63  }
0x85: {  	_ =	swait.ge [sflag:s14], $0x4000  }
0x86: {  	[sflag:s14] =	ssyncset.done $0x0  }
0x87: {  	[sflag:s14] =	ssyncadd.s32 $0xFFFFC000  }
0x88: {  	_ =	swait.ge [sflag:s19], $0x4000  }
0x89: {  	[sflag:s19] =	ssyncset.done $0x0  }
0x8a: {  	s21 =	sadd.s32 $0x1480, s21;
	[sflag:s19] =	ssyncadd.s32 $0xFFFFC000  }
0x8b: {  	[spmem:s2] =	stream.indirect.scatter.add.f32 [tilespmem:s18], [sflag:$0x2], $0x80, s21, s16, $0xb8;
	[tilespmem:$0x1E400] =	vst v63  }
0x8c: {  	_ =	swait.ge [sflag:s14], $0x4000  }
0x8d: {  	s20 =	sadd.s32 $0x1, s20;
	[sflag:s14] =	ssyncset.done $0x0  }
0x8e: {  	p0 =	sne.s32 s20, s12;
	[sflag:s14] =	ssyncadd.s32 $0xFFFFC000  }
.Ltmp2:
0x8f: {  	[bflag:$0x0] =	sbarrier.arrive $0xFFFF;
	(pc) =	sbr.rel @p0 .LBB2_1-.Ltmp2, $4  }
0x90: {  	[hbm:s11], [sflag:s6] =	dma.local [spmem:s13], $0x2780  }
0x91: {  	_ =	swait.ge [sflag:s14], $0x2780  }
0x92: {  	[sflag:s14] =	ssyncset.done $0x0  }
0x93: {  	[sflag:s14] =	ssyncadd.s32 $0xFFFFD880  }
0x94: {  	_ =	sfence.sel $0x180000  }
0x95: {  	[bflag:$0x0] =	sbarrier.arrive $0xFFFF  }
0x96: {  	p0 =	sne.s32 s1, $0x0;
	_ =	strace $0x90000050  }
0x97: {  	s0 =	sadd.s32 @!p0 $0x100000, s0;
	[bflag:$0x2] =	sbarrier.arrive $0xFFFF  }
0x98: {  	[sflag:s0] =	ssyncadd.tile.s32 @!p0 $0x1;
	_ =	shalt  }
.Lfunc_end2:
_tile_overlayer_lowered:
.L_overlay_start_2:
0x99: {  	(tag) =	ssettag $0x2  }
0x9a: {  	s0 =	rddreg [dreg:$0x0];
	s2 =	stileid.u32  }
0x9b: {  	s1 =	rddreg [dreg:$0x1];
	p0 =	sne.s32 s2, $0x0  }
0x9c: {  	s3 =	rddreg [dreg:$0x2];
	[bflag:$0x3] =	sbarrier.arrive $0xFFFF;
	s2 =	simm.s32 @!p0 $0x1C02  }
0x9d: {  	[timem:s3], [sflag:s2] =	dma.local @!p0 [hbm:s0], s1  }
0x9e: {  	s0 =	simm.s32 @!p0 $0x2  }
0x9f: {  	_ =	swait.ge @!p0 [sflag:s0], s1  }
0xa0: {  	s1 =	ssub.s32 @!p0 $0x0, s1;
	[sflag:s0] =	ssyncset.done @!p0 $0x0  }
0xa1: {  	[sflag:s0] =	ssyncadd.s32 @!p0 s1  }
0xa2: {  	[bflag:$0x3] =	sbarrier.arrive $0xFFFF  }
0xa3: {  	_ =	shalt  }

</sc_bundles>
